<compile_context>
chip_gen: v7x
topology: tpu7x:2x2x1
jax: 0.10.2.dev20260603
libtpu: 0.0.44.dev20260713+nightly
codegen_flags: <defaults>
</compile_context>

<pallas_src>
import functools

import jax
import jax.numpy as jnp
import numpy as np
from jax import lax
from jax.experimental import pallas as pl
from jax.experimental.pallas import tpu as pltpu
from jax.experimental.pallas import tpu_sc as plsc

N = 10000
NPAD = 10240
HID = 96
KN = 32
NUM_G = 16
R2 = 25.0
_STEP = 10.0 / (NUM_G - 1)
_COEFF = -0.5 / (_STEP * _STEP)

_RB = 8
_NB = 32
_MB = 256
_CW = 1024
_NW = NPAD // 16
_WPC = _CW // 16


def _silu(x):
    return x / (1.0 + jnp.exp(-x))


def _pre_body(x_ref, ws_ref, bs_ref, wl_ref, bl_ref, wr_ref, br_ref,
              s_ref, xl_ref, xr_ref):
    x = x_ref[...]
    s0 = jnp.dot(x, ws_ref[...], preferred_element_type=jnp.float32)
    s0 = s0 + bs_ref[0:1, :]
    s = _silu(s0)
    s_ref[...] = s
    xl_ref[...] = jnp.dot(s, wl_ref[...], preferred_element_type=jnp.float32) + bl_ref[0:1, :]
    xr_ref[...] = jnp.dot(s, wr_ref[...], preferred_element_type=jnp.float32) + br_ref[0:1, :]


def _sweep_body(posq_ref, post_ref, packw_ref, bits_ref, summ_ref):
    i = pl.program_id(0)
    q = posq_ref[...]
    pt = post_ref[...]
    dx = q[:, 0:1] - pt[0:1, :]
    dy = q[:, 1:2] - pt[1:2, :]
    dz = q[:, 2:3] - pt[2:3, :]
    d2 = dx * dx + dy * dy + dz * dz
    col = lax.broadcasted_iota(jnp.int32, (_RB, NPAD), 1).astype(jnp.float32)
    row = jnp.float32(_RB) * i.astype(jnp.float32) \
        + lax.broadcasted_iota(jnp.int32, (_RB, 1), 0).astype(jnp.float32)
    valid = ((d2 <= R2) & (col != row)).astype(jnp.float32)
    pw = packw_ref[...]
    bcs = []
    for c in range(NPAD // _CW):
        vc = valid[:, c * _CW:(c + 1) * _CW]
        bc = jnp.dot(vc, pw, preferred_element_type=jnp.float32)
        bits_ref[:, c * _WPC:(c + 1) * _WPC] = bc.astype(jnp.int32)
        bcs.append(bc)
    segs = [jnp.zeros((_RB, 1), jnp.int32) for _ in range(3)]
    for g in range(_NW // 16):
        c, lg = divmod(g, _WPC // 16)
        gsum = jnp.sum(bcs[c][:, lg * 16:(lg + 1) * 16], axis=1,
                       keepdims=True)
        segs[g // 16] = segs[g // 16] | (
            (gsum > 0).astype(jnp.int32) << (g % 16))
    summ_ref[...] = jnp.concatenate(
        segs + [jnp.zeros((_RB, 13), jnp.int32)], axis=1)


_NEDGE = NPAD * KN
_SCW = 32
_RPW = NPAD // _SCW
_RC = 8
_SENT = NPAD - 1


def _scan_body(bits_hbm, summ_hbm, xlp_hbm, out_hbm, cnt_hbm, bits_v, summ_v,
               nbr_a, nbr_b, rows_a, rows_b, cnt_v, sem_a, sem_b):
    info = plsc.get_sparse_core_info()
    wid = lax.axis_index("s") * info.num_cores + lax.axis_index("c")
    row0 = wid * _RPW
    iota = lax.iota(jnp.int32, 16)

    def scan_row_into(nbr_v, coff, rl, carry):
        nbase = rl * KN
        sent = jnp.full((16,), _SENT, jnp.int32)
        nbr_v[pl.ds(nbase, 16)] = sent
        nbr_v[pl.ds(nbase + 16, 16)] = sent
        sv = summ_v[pl.ds(rl * 16, 16)]

        found = jnp.int32(0)
        for seg in range(3):
            sw = jnp.max(jnp.where(iota == seg, sv, 0))

            def h_cond(st):
                return (st[0] != 0) & (st[1] < KN)

            def h_body(st, seg=seg):
                m40, found2 = st
                gl = jnp.max(plsc.all_reduce_ffs(((m40 >> iota) & 1) == 1))
                grp = seg * 16 + gl
                wv = bits_v[pl.ds(rl * _NW + grp * 16, 16)]
                m16 = jnp.sum(jnp.where(wv != 0, jnp.int32(1) << iota, 0))

                def w_cond(st2):
                    return (st2[0] != 0) & (st2[1] < KN)

                def w_body(st2):
                    m, found3 = st2
                    pv = plsc.all_reduce_ffs(((m >> iota) & 1) == 1)
                    w = jnp.max(jnp.where(iota == pv, wv, 0))
                    wbase_v = (grp * 16 + pv) * 16

                    def b_cond(st3):
                        return (st3[0] != 0) & (st3[1] < KN)

                    def b_body(st3):
                        w3, found4 = st3
                        bv = plsc.all_reduce_ffs(((w3 >> iota) & 1) == 1)
                        colc = wbase_v + bv
                        sel = nbase + (found4 & ~15)
                        cur = nbr_v[pl.ds(sel, 16)]
                        nbr_v[pl.ds(sel, 16)] = jnp.where(
                            iota == (found4 & 15), colc, cur)
                        return (w3 & (w3 - 1), found4 + 1)

                    _, found3 = lax.while_loop(b_cond, b_body, (w, found3))
                    return (m & (m - 1), found3)

                _, found2 = lax.while_loop(w_cond, w_body, (m16, found2))
                return (m40 & (m40 - 1), found2)

            _, found = lax.while_loop(h_cond, h_body, (sw, found))
        c = coff + rl
        sel = c & ~15
        cur = cnt_v[pl.ds(sel, 16)]
        cnt_v[pl.ds(sel, 16)] = jnp.where(iota == (c & 15),
                                          found.astype(jnp.float32), cur)
        return carry

    def stage_and_scan(r0, nbr_v):
        pltpu.sync_copy(bits_hbm.at[pl.ds(r0 * _NW, _RC * _NW)], bits_v)
        pltpu.sync_copy(summ_hbm.at[pl.ds(r0 * 16, _RC * 16)], summ_v)
        lax.fori_loop(0, _RC,
                      functools.partial(scan_row_into, nbr_v, r0 - row0), 0)

    def pair_body(i2, carry):
        r0 = row0 + (2 * i2) * _RC
        r1 = r0 + _RC
        stage_and_scan(r0, nbr_a)
        cp_a = pltpu.async_copy(xlp_hbm.at[nbr_a], rows_a, sem_a)
        stage_and_scan(r1, nbr_b)
        cp_b = pltpu.async_copy(xlp_hbm.at[nbr_b], rows_b, sem_b)
        cp_a.wait()
        pltpu.sync_copy(rows_a, out_hbm.at[pl.ds(r0 * KN, _RC * KN)])
        cp_b.wait()
        pltpu.sync_copy(rows_b, out_hbm.at[pl.ds(r1 * KN, _RC * KN)])
        return carry

    lax.fori_loop(0, _RPW // _RC // 2, pair_body, 0)
    pltpu.sync_copy(cnt_v, cnt_hbm.at[pl.ds(row0, _RPW)])


def _scan_gather(bits, summ, xlp):
    gk = pl.kernel(
        _scan_body,
        out_type=[jax.ShapeDtypeStruct((_NEDGE, 128), jnp.float32),
                  jax.ShapeDtypeStruct((NPAD,), jnp.float32)],
        mesh=plsc.VectorSubcoreMesh(core_axis_name="c", subcore_axis_name="s"),
        compiler_params=pltpu.CompilerParams(needs_layout_passes=False),
        scratch_types=[
            pltpu.VMEM((_RC * _NW,), jnp.int32),
            pltpu.VMEM((_RC * 16,), jnp.int32),
            pltpu.VMEM((_RC * KN,), jnp.int32),
            pltpu.VMEM((_RC * KN,), jnp.int32),
            pltpu.VMEM((_RC * KN, 128), jnp.float32),
            pltpu.VMEM((_RC * KN, 128), jnp.float32),
            pltpu.VMEM((_RPW,), jnp.float32),
            pltpu.SemaphoreType.DMA,
            pltpu.SemaphoreType.DMA,
        ],
    )
    return gk(bits, summ, xlp)


def _edge_geom(posq, xlgp, cnt):
    pq = posq[:, 0:3]
    pg = xlgp[:, 96:99].reshape(_NB, KN, 3)
    df = pq[:, None, :] - pg
    d2 = jnp.sum(df * df, axis=2)
    kio = lax.broadcasted_iota(jnp.int32, (_NB, KN), 1).astype(jnp.float32)
    mb = (kio < cnt.reshape(_NB, 1)).astype(jnp.float32)
    return d2, mb


def _fill_body(posq_ref, xlg_ref, cnt_ref, easc_ref):
    i = pl.program_id(0)
    d2, mb = _edge_geom(posq_ref[...], xlg_ref[...], cnt_ref[0])
    dist = jnp.sqrt(d2 + 1e-12)
    off = lax.broadcasted_iota(jnp.int32, (1, 1, NUM_G), 2).astype(jnp.float32) * jnp.float32(_STEP)
    dd = dist[:, :, None] - off
    ea = jnp.exp(_COEFF * dd * dd) * mb[:, :, None]
    part = jnp.sum(ea, axis=1)
    cntp = jnp.sum(mb, axis=1, keepdims=True)
    contr8 = part[0:8]
    cnt8 = cntp[0:8]
    for c in range(1, _NB // 8):
        contr8 = contr8 + part[c * 8:(c + 1) * 8]
        cnt8 = cnt8 + cntp[c * 8:(c + 1) * 8]
    contr = jnp.concatenate(
        [contr8, cnt8, jnp.zeros((8, KN - NUM_G - 1), jnp.float32)], axis=1)

    @pl.when(i == 0)
    def _():
        easc_ref[...] = contr

    @pl.when(i > 0)
    def _():
        easc_ref[...] = easc_ref[...] + contr


def _gat_body(s_ref, xl_ref, xr_ref, posq_ref, xlg_ref, cnt_ref, easc_ref,
              we_ref, att_ref, bias_ref, s1_ref):
    xlgp = xlg_ref[...]
    d2, mb = _edge_geom(posq_ref[...], xlgp, cnt_ref[0])
    dist = jnp.sqrt(d2 + 1e-12)
    off = lax.broadcasted_iota(jnp.int32, (1, 1, NUM_G), 2).astype(jnp.float32) * jnp.float32(_STEP)
    dd = dist[:, :, None] - off
    ea = jnp.exp(_COEFF * dd * dd)
    ea2 = ea.reshape(_NB * KN, NUM_G)
    eg2 = jnp.dot(ea2, we_ref[...], preferred_element_type=jnp.float32)
    xlg = xlgp[:, :HID]
    xlg3 = xlg.reshape(_NB, KN, HID)
    m3 = xlg3 + xr_ref[...][:, None, :] + eg2.reshape(_NB, KN, HID)
    lm3 = jnp.where(m3 >= 0, m3, 0.2 * m3)
    att = att_ref[0:1, :]
    alpha = jnp.sum(lm3 * att[None, :, :], axis=2)

    easc = easc_ref[...]
    easum = jnp.sum(easc[:, 0:NUM_G], axis=0, keepdims=True)
    cnt = jnp.sum(easc[:, NUM_G:NUM_G + 1])
    fill = jnp.where(cnt > 0, easum / jnp.maximum(cnt, 1.0), 0.0)
    egl = jnp.dot(fill, we_ref[...], preferred_element_type=jnp.float32)
    ml = xl_ref[...] + xr_ref[...] + egl
    lml = jnp.where(ml >= 0, ml, 0.2 * ml)
    al = jnp.sum(lml * att, axis=1, keepdims=True)

    mbool = mb > 0
    alpha_m = jnp.where(mbool, alpha, -1e30)
    amax = jnp.maximum(jnp.max(alpha_m, axis=1, keepdims=True), al)
    exe = jnp.exp(alpha_m - amax)
    exl = jnp.exp(al - amax)
    den = jnp.sum(exe, axis=1, keepdims=True) + exl
    a_e = exe / den
    agg = jnp.sum(a_e[:, :, None] * xlg3, axis=1)
    gat = agg + (exl / den) * xl_ref[...] + bias_ref[0:1, :]
    s1_ref[...] = s_ref[...] + _silu(gat)


def _post_body(s1_ref, win_ref, bin_ref, wout_ref, bout_ref,
               w1_ref, b1_ref, w2_ref, b2_ref, o_ref):
    s1 = s1_ref[...]
    h = _silu(jnp.dot(s1, win_ref[...], preferred_element_type=jnp.float32)
              + bin_ref[0:1, :])
    s2 = s1 + jnp.dot(h, wout_ref[...], preferred_element_type=jnp.float32) \
        + bout_ref[0:1, :]
    t = _silu(jnp.dot(s2, w1_ref[...], preferred_element_type=jnp.float32)
              + b1_ref[0:1, :])
    o_ref[...] = jnp.dot(t, w2_ref[...], preferred_element_type=jnp.float32) \
        + b2_ref[0:1, :]


def _row8(v, width):
    z = jnp.zeros((8, width), jnp.float32)
    return z.at[0, :v.shape[0]].set(v)


def _packw():
    w = np.zeros((_CW, _WPC), np.float32)
    for j in range(_CW):
        w[j, j // 16] = float(1 << (j % 16))
    return jnp.asarray(w)


def kernel(x_L, pos_L, x_P, pos_P, params):
    f32 = jnp.float32
    pe = params['l_enc']
    mp = params['mamba']
    hp = params['head']
    nin = x_L.shape[1]

    xpad = jnp.zeros((NPAD, 256), f32).at[:N, :nin].set(x_L)
    wspad = jnp.zeros((256, HID), f32).at[:nin, :].set(pe['Ws'])
    padpos = (1e6 + 1e3 * jnp.arange(NPAD - N, dtype=f32))[:, None] \
        * jnp.ones((1, 3), f32)
    posp = jnp.concatenate([pos_L, padpos], axis=0)
    posq = jnp.zeros((NPAD, 8), f32).at[:, :3].set(posp)
    post = jnp.zeros((8, NPAD), f32).at[:3, :].set(posp.T)

    s, xl, xr = pl.pallas_call(
        _pre_body,
        grid=(NPAD // _MB,),
        in_specs=[
            pl.BlockSpec((_MB, 256), lambda i: (i, 0)),
            pl.BlockSpec((256, HID), lambda i: (0, 0)),
            pl.BlockSpec((8, HID), lambda i: (0, 0)),
            pl.BlockSpec((HID, HID), lambda i: (0, 0)),
            pl.BlockSpec((8, HID), lambda i: (0, 0)),
            pl.BlockSpec((HID, HID), lambda i: (0, 0)),
            pl.BlockSpec((8, HID), lambda i: (0, 0)),
        ],
        out_specs=[
            pl.BlockSpec((_MB, HID), lambda i: (i, 0)),
            pl.BlockSpec((_MB, HID), lambda i: (i, 0)),
            pl.BlockSpec((_MB, HID), lambda i: (i, 0)),
        ],
        out_shape=[jax.ShapeDtypeStruct((NPAD, HID), f32)] * 3,
    )(xpad, wspad, _row8(pe['bs'], HID), pe['Wl'], _row8(pe['bl'], HID),
      pe['Wr'], _row8(pe['br'], HID))

    bits, summ = pl.pallas_call(
        _sweep_body,
        grid=(NPAD // _RB,),
        in_specs=[
            pl.BlockSpec((_RB, 8), lambda i: (i, 0)),
            pl.BlockSpec((8, NPAD), lambda i: (0, 0)),
            pl.BlockSpec((_CW, _WPC), lambda i: (0, 0)),
        ],
        out_specs=[
            pl.BlockSpec((_RB, _NW), lambda i: (i, 0)),
            pl.BlockSpec((_RB, 16), lambda i: (i, 0)),
        ],
        out_shape=[
            jax.ShapeDtypeStruct((NPAD, _NW), jnp.int32),
            jax.ShapeDtypeStruct((NPAD, 16), jnp.int32),
        ],
    )(posq, post, _packw())

    xlp = jnp.zeros((NPAD, 128), f32).at[:, :HID].set(xl).at[:, 96:99].set(posp)
    xlg, cnt = _scan_gather(bits.reshape(-1), summ.reshape(-1), xlp)
    cnt3 = cnt.reshape(NPAD // _NB, 1, _NB)

    easc = pl.pallas_call(
        _fill_body,
        grid=(NPAD // _NB,),
        in_specs=[
            pl.BlockSpec((_NB, 8), lambda i: (i, 0)),
            pl.BlockSpec((_NB * KN, 128), lambda i: (i, 0)),
            pl.BlockSpec((1, 1, _NB), lambda i: (i, 0, 0)),
        ],
        out_specs=pl.BlockSpec((8, KN), lambda i: (0, 0)),
        out_shape=jax.ShapeDtypeStruct((8, KN), f32),
    )(posq, xlg, cnt3)

    s1 = pl.pallas_call(
        _gat_body,
        grid=(NPAD // _NB,),
        in_specs=[
            pl.BlockSpec((_NB, HID), lambda i: (i, 0)),
            pl.BlockSpec((_NB, HID), lambda i: (i, 0)),
            pl.BlockSpec((_NB, HID), lambda i: (i, 0)),
            pl.BlockSpec((_NB, 8), lambda i: (i, 0)),
            pl.BlockSpec((_NB * KN, 128), lambda i: (i, 0)),
            pl.BlockSpec((1, 1, _NB), lambda i: (i, 0, 0)),
            pl.BlockSpec((8, KN), lambda i: (0, 0)),
            pl.BlockSpec((NUM_G, HID), lambda i: (0, 0)),
            pl.BlockSpec((8, HID), lambda i: (0, 0)),
            pl.BlockSpec((8, HID), lambda i: (0, 0)),
        ],
        out_specs=pl.BlockSpec((_NB, HID), lambda i: (i, 0)),
        out_shape=jax.ShapeDtypeStruct((NPAD, HID), f32),
    )(s, xl, xr, posq, xlg, cnt3, easc, pe['We'], _row8(pe['att'], HID),
      _row8(pe['bias'], HID))

    w2pad = jnp.zeros((HID, 128), f32).at[:, :3].set(hp['W2'])
    b2pad = jnp.zeros((128,), f32).at[:3].set(hp['b2'])
    o = pl.pallas_call(
        _post_body,
        grid=(NPAD // _MB,),
        in_specs=[
            pl.BlockSpec((_MB, HID), lambda i: (i, 0)),
            pl.BlockSpec((HID, 2 * HID), lambda i: (0, 0)),
            pl.BlockSpec((8, 2 * HID), lambda i: (0, 0)),
            pl.BlockSpec((2 * HID, HID), lambda i: (0, 0)),
            pl.BlockSpec((8, HID), lambda i: (0, 0)),
            pl.BlockSpec((HID, HID), lambda i: (0, 0)),
            pl.BlockSpec((8, HID), lambda i: (0, 0)),
            pl.BlockSpec((HID, 128), lambda i: (0, 0)),
            pl.BlockSpec((8, 128), lambda i: (0, 0)),
        ],
        out_specs=pl.BlockSpec((_MB, 128), lambda i: (i, 0)),
        out_shape=jax.ShapeDtypeStruct((NPAD, 128), f32),
    )(s1, mp['Win'][:, :2 * HID], _row8(mp['bin'][:2 * HID], 2 * HID),
      mp['Wout'], _row8(mp['bout'], HID), hp['W1'], _row8(hp['b1'], HID),
      w2pad, _row8(b2pad, 128))

    return o[:N, :3]

# --- scband reference (transcript-rebuilt; emitter-appended) ---
"""Pipeline reference for scband-cross-gvp-73366631350468 (READ-ONLY COPY).

The authoritative reference and input builder live on the scoring server;
editing this copy changes nothing except your own understanding.
"""

import jax, jax.numpy as jnp
import numpy as np

R_GRAPH = 5.0
R_CROSS = 10.0
NUM_G = 16
HID = 96
N_L = 10000
N_P = 10000
NODE_IN = 167

def radius_graph_np(pos, r, max_num_neighbors=32):
    pos = np.asarray(pos, dtype=np.float32)
    N = pos.shape[0]
    srcs, dsts = [], []
    chunk = 2048
    r2 = r * r
    for start in range(0, N, chunk):
        q = pos[start:start + chunk]
        d2 = ((q[:, None, :] - pos[None, :, :]) ** 2).sum(-1)
        loc = np.arange(q.shape[0])
        d2[loc, loc + start] = np.inf
        for ii in range(q.shape[0]):
            nbr = np.nonzero(d2[ii] <= r2)[0][:max_num_neighbors]
            if nbr.size:
                srcs.append(nbr.astype(np.int64))
                dsts.append(np.full(nbr.shape, start + ii, dtype=np.int64))
    if srcs:
        src = np.concatenate(srcs)
        dst = np.concatenate(dsts)
    else:
        src = np.zeros(0, np.int64)
        dst = np.zeros(0, np.int64)
    return np.stack([src, dst])

def radius_np(x, y, r, max_num_neighbors=32):
    x = np.asarray(x, dtype=np.float32)
    y = np.asarray(y, dtype=np.float32)
    rows, cols = [], []
    chunk = 2048
    r2 = r * r
    for start in range(0, y.shape[0], chunk):
        d2 = ((y[start:start + chunk, None, :] - x[None, :, :]) ** 2).sum(-1)
        for ii in range(d2.shape[0]):
            nbr = np.nonzero(d2[ii] <= r2)[0][:max_num_neighbors]
            if nbr.size:
                rows.append(np.full(nbr.shape, start + ii, dtype=np.int64))
                cols.append(nbr.astype(np.int64))
    if rows:
        row = np.concatenate(rows)
        col = np.concatenate(cols)
    else:
        row = np.zeros(0, np.int64)
        col = np.zeros(0, np.int64)
    return np.stack([row, col])

def _radius_graph_fixed(pos, r, max_num_neighbors=32):
    N = pos.shape[0]
    r2 = r * r
    idx = jnp.arange(N, dtype=jnp.int32)
    chunk = 2000
    def body(rows):
        q = pos[rows]
        d2 = jnp.sum((q[:, None, :] - pos[None, :, :]) ** 2, axis=-1)
        valid = (d2 <= r2) & (rows[:, None] != idx[None, :])
        keys = jnp.where(valid, idx[None, :], N)
        neg, _ = jax.lax.top_k(-keys, max_num_neighbors)
        return -neg
    nbrs = jax.lax.map(body, idx.reshape(-1, chunk))
    nbr = nbrs.reshape(N, max_num_neighbors)
    mask = nbr < N
    src = jnp.where(mask, nbr, 0).astype(jnp.int32).reshape(-1)
    dst = jnp.repeat(idx, max_num_neighbors)
    return jnp.stack([src, dst]), mask.reshape(-1)

def _radius_fixed(x, y, r, max_num_neighbors=32):
    Nx = x.shape[0]
    Ny = y.shape[0]
    r2 = r * r
    idx = jnp.arange(Nx, dtype=jnp.int32)
    chunk = 2000
    def body(q):
        d2 = jnp.sum((q[:, None, :] - x[None, :, :]) ** 2, axis=-1)
        valid = d2 <= r2
        keys = jnp.where(valid, idx[None, :], Nx)
        neg, _ = jax.lax.top_k(-keys, max_num_neighbors)
        return -neg
    nbrs = jax.lax.map(body, y.reshape(-1, chunk, y.shape[1]))
    nbr = nbrs.reshape(Ny, max_num_neighbors)
    mask = nbr < Nx
    col = jnp.where(mask, nbr, 0).astype(jnp.int32).reshape(-1)
    row = jnp.repeat(jnp.arange(Ny, dtype=jnp.int32), max_num_neighbors)
    return jnp.stack([row, col]), mask.reshape(-1)

def _glorot(key, shape):
    return (jax.random.normal(key, shape, dtype=jnp.float32) / np.sqrt(shape[0])).astype(jnp.float32)

def _enc_params(key, in_dim, hid):
    ks = jax.random.split(key, 5)
    return {'Ws': _glorot(ks[0], (in_dim, hid)), 'bs': jnp.zeros((hid,), jnp.float32),
            'Wl': _glorot(ks[1], (hid, hid)), 'bl': jnp.zeros((hid,), jnp.float32),
            'Wr': _glorot(ks[2], (hid, hid)), 'br': jnp.zeros((hid,), jnp.float32),
            'We': _glorot(ks[3], (NUM_G, hid)),
            'att': _glorot(ks[4], (hid,)),
            'bias': jnp.zeros((hid,), jnp.float32)}

def _rbf(dist):
    step = 10.0 / (NUM_G - 1)
    coeff = -0.5 / (step * step)
    offset = jnp.linspace(0.0, 10.0, NUM_G)
    d = dist[:, None] - offset[None, :]
    return jnp.exp(coeff * d * d)

def _gatv2(s, edge_index, edge_attr, p, mask):
    N = s.shape[0]
    src, dst = edge_index[0], edge_index[1]
    loop = jnp.arange(N, dtype=src.dtype)
    cnt = jnp.sum(mask.astype(jnp.float32))
    ea_sum = jnp.sum(jnp.where(mask[:, None], edge_attr, 0.0), axis=0, keepdims=True)
    fill = jnp.where(cnt > 0, ea_sum / jnp.maximum(cnt, 1.0), jnp.zeros((1, NUM_G), jnp.float32))
    seg = jnp.concatenate([jnp.where(mask, dst, N), loop])
    src = jnp.concatenate([src, loop])
    dst = jnp.concatenate([dst, loop])
    edge_attr = jnp.concatenate([edge_attr, jnp.broadcast_to(fill, (N, NUM_G))], axis=0)
    xl = s @ p['Wl'] + p['bl']
    xr = s @ p['Wr'] + p['br']
    m = xl[src] + xr[dst] + edge_attr @ p['We']
    m = jax.nn.leaky_relu(m, 0.2)
    alpha = m @ p['att']
    amax = jax.ops.segment_max(alpha, seg, num_segments=N + 1)
    ex = jnp.exp(alpha - amax[seg])
    den = jax.ops.segment_sum(ex, seg, num_segments=N + 1)
    a = ex / den[seg]
    out = jax.ops.segment_sum(xl[src] * a[:, None], seg, num_segments=N + 1)[:N]
    return out + p['bias']

def _encoder(x, edge_index, pos, p, mask):
    s0 = x @ p['Ws'] + p['bs']
    s = jax.nn.silu(s0)
    row, col = edge_index[0], edge_index[1]
    diff = pos[row] - pos[col]
    dist = jnp.sqrt(jnp.sum(diff * diff, axis=-1) + 1e-12)
    ea = _rbf(dist)
    s = s + jax.nn.silu(_gatv2(s, edge_index, ea, p, mask))
    v = s0.reshape(x.shape[0], -1, 3)[:, :16, :]
    return s, v

def _forward(x_L, pos_L, x_P, pos_P, params, idx_L, idx_P, cross_idx, mask_L, mask_P, cross_mask):
    s_L, v_L = _encoder(x_L, idx_L, pos_L, params['l_enc'], mask_L)
    s_P, v_P = _encoder(x_P, idx_P, pos_P, params['p_enc'], mask_P)
    mp = params['mamba']
    h = jax.nn.silu(s_L @ mp['Win'] + mp['bin'])
    h = h[:, :2 * HID]
    s_L = s_L + h @ mp['Wout'] + mp['bout']
    if cross_idx.shape[1] > 0:
        cp = params['cross']
        ei = cross_idx
        mx = jnp.max(jnp.where(cross_mask[None, :], ei, -1), axis=1)
        ei = jnp.where(mx[1] > mx[0], ei[::-1], ei)
        src = jnp.where(cross_mask, ei[0], 0)
        tgt = jnp.clip(jnp.where(cross_mask, ei[1], 0), 0, s_L.shape[0] - 1)
        q = s_L[tgt] @ cp['Wq'] + cp['bq']
        k = s_P[src] @ cp['Wk'] + cp['bk']
        v = s_P[src] @ cp['Wv'] + cp['bv']
        logits = jnp.sum(q * k, axis=-1) / 8.0
        lmax = jnp.max(jnp.where(cross_mask, logits, -1e30))
        ex = jnp.where(cross_mask, jnp.exp(logits - lmax), 0.0)
        den = jnp.sum(ex)
        attn = jnp.where(den > 0, ex / jnp.where(den > 0, den, 1.0), 0.0)
        s_L = s_L + jax.ops.segment_sum(attn[:, None] * v, tgt, num_segments=s_L.shape[0])
    hp = params['head']
    return jax.nn.silu(s_L @ hp['W1'] + hp['b1']) @ hp['W2'] + hp['b2']

def setup_inputs(seed: int = 0):
    key = jax.random.key(seed)
    ks = jax.random.split(key, 13)
    x_L = jax.random.normal(ks[0], (N_L, NODE_IN), jnp.float32)
    pos_L = jax.random.normal(ks[1], (N_L, 3), jnp.float32) * 10.0
    x_P = jax.random.normal(ks[2], (N_P, 21), jnp.float32)
    pos_P = jax.random.normal(ks[3], (N_P, 3), jnp.float32) * 10.0 + 1000.0
    params = {'l_enc': _enc_params(ks[4], NODE_IN, HID),
              'p_enc': _enc_params(ks[5], 21, HID),
              'mamba': {'Win': _glorot(ks[6], (HID, 4 * HID)), 'bin': jnp.zeros((4 * HID,), jnp.float32),
                        'Wout': _glorot(ks[7], (2 * HID, HID)), 'bout': jnp.zeros((HID,), jnp.float32)},
              'cross': {'Wq': _glorot(ks[8], (HID, HID)), 'bq': jnp.zeros((HID,), jnp.float32),
                        'Wk': _glorot(ks[9], (HID, HID)), 'bk': jnp.zeros((HID,), jnp.float32),
                        'Wv': _glorot(ks[10], (HID, HID)), 'bv': jnp.zeros((HID,), jnp.float32)},
              'head': {'W1': _glorot(ks[11], (HID, HID)), 'b1': jnp.zeros((HID,), jnp.float32),
                       'W2': _glorot(ks[12], (HID, 3)), 'b2': jnp.zeros((3,), jnp.float32)}}
    return {'x_L': x_L, 'pos_L': pos_L, 'x_P': x_P, 'pos_P': pos_P, 'params': params}

def reference(x_L, pos_L, x_P, pos_P, params):
    idx_L, mask_L = _radius_graph_fixed(pos_L, R_GRAPH)
    idx_P, mask_P = _radius_graph_fixed(pos_P, R_GRAPH)
    cross, cross_mask = _radius_fixed(pos_P, pos_L, R_CROSS)
    return _forward(x_L, pos_L, x_P, pos_P, params, idx_L, idx_P, cross, mask_L, mask_P, cross_mask)

if __name__ == "__main__":
    import jax
    _d = setup_inputs()
    print(jax.jit(kernel)(*tuple(_d.values())))

</pallas_src>

<mosaic_0001>
#map = affine_map<(d0, d1) -> (0)>
#map1 = affine_map<(d0, d1) -> (0, 0)>
module attributes {stable_mosaic.version = 14 : i64} {
  func.func @_scan_body(%arg0: i32, %arg1: i32, %arg2: memref<6553600xi32, #tpu.memory_space<hbm>>, %arg3: memref<163840xi32, #tpu.memory_space<hbm>>, %arg4: memref<10240x128xf32, #tpu.memory_space<hbm>>, %arg5: memref<327680x128xf32, #tpu.memory_space<hbm>>, %arg6: memref<10240xf32, #tpu.memory_space<hbm>>, %arg7: memref<5120xi32, #tpu.memory_space<vmem>>, %arg8: memref<128xi32, #tpu.memory_space<vmem>>, %arg9: memref<256xi32, #tpu.memory_space<vmem>>, %arg10: memref<256xi32, #tpu.memory_space<vmem>>, %arg11: memref<256x128xf32, #tpu.memory_space<vmem>>, %arg12: memref<256x128xf32, #tpu.memory_space<vmem>>, %arg13: memref<320xf32, #tpu.memory_space<vmem>>, %arg14: memref<!tpu.dma_semaphore, #tpu.memory_space<semaphore_mem>>, %arg15: memref<!tpu.dma_semaphore, #tpu.memory_space<semaphore_mem>>) attributes {dimension_semantics = [#tpu.dimension_semantics<core_parallel>, #tpu.dimension_semantics<subcore_parallel>], iteration_bounds = array<i64: 2, 16>, scalar_prefetch = 0 : i64, scratch_operands = 9 : i64, tpu.core_type = #tpu.core_type<sc_vector_subcore>, window_params = [{transform_indices = #map}, {transform_indices = #map}, {transform_indices = #map1}, {transform_indices = #map1}, {transform_indices = #map}]} {
    %mul3A = arith.constant 2 : i32
    %mul3A_0 = arith.muli %arg1, %mul3A : i32
    %add3A = arith.addi %mul3A_0, %arg0 : i32
    %mul3A_1 = arith.constant 320 : i32
    %mul3A_2 = arith.muli %add3A, %mul3A_1 : i32
    %iota3A = tpu.iota {dimensions = array<i32: 0>} : vector<16xi32>
    %scan3A = arith.constant 0 : i32
    %scan3A_3 = arith.constant 0 : i32
    %scan3A_4 = arith.constant 20 : i32
    %scan3A_5 = arith.addi %scan3A_3, %scan3A_4 : i32
    %scan3A_6 = arith.constant 1 : i32
    scf.for %scan3A_8 = %scan3A_3 to %scan3A_5 step %scan3A_6  : i32 {
      %mul3A_9 = arith.constant 2 : i32
      %mul3A_10 = arith.muli %mul3A_9, %scan3A_8 : i32
      %mul3A_11 = arith.constant 8 : i32
      %mul3A_12 = arith.muli %mul3A_10, %mul3A_11 : i32
      %add3A_13 = arith.addi %mul3A_2, %mul3A_12 : i32
      %add3A_14 = arith.constant 8 : i32
      %add3A_15 = arith.addi %add3A_13, %add3A_14 : i32
      %mul3A_16 = arith.constant 640 : i32
      %mul3A_17 = arith.muli %add3A_13, %mul3A_16 : i32
      "tpu.region"() ({
        %run_scoped3A = tpu.sem_alloc : memref<!tpu.dma_semaphore, #tpu.memory_space<semaphore_mem>>
        %dma_start3A_51 = tpu.memref_slice %arg2[%mul3A_17] : memref<6553600xi32, #tpu.memory_space<hbm>> -> memref<5120xi32, #tpu.memory_space<hbm>>
        %dma_start3A_52 = tpu.memref_slice %arg2[%mul3A_17] : memref<6553600xi32, #tpu.memory_space<hbm>> -> memref<5120xi32, #tpu.memory_space<hbm>>
        tpu.enqueue_dma source(%dma_start3A_52 : memref<5120xi32, #tpu.memory_space<hbm>>) target(%arg7 : memref<5120xi32, #tpu.memory_space<vmem>>) target_semaphore(%run_scoped3A : memref<!tpu.dma_semaphore, #tpu.memory_space<semaphore_mem>>)
        %dma_wait3A_53 = tpu.memref_slice %arg2[%mul3A_17] : memref<6553600xi32, #tpu.memory_space<hbm>> -> memref<5120xi32, #tpu.memory_space<hbm>>
        %dma_wait3A_54 = tpu.memref_slice %arg2[%mul3A_17] : memref<6553600xi32, #tpu.memory_space<hbm>> -> memref<5120xi32, #tpu.memory_space<hbm>>
        tpu.wait_dma2 semaphore(%run_scoped3A : memref<!tpu.dma_semaphore, #tpu.memory_space<semaphore_mem>>) src(%dma_wait3A_54 : memref<5120xi32, #tpu.memory_space<hbm>>) dst(%arg7 : memref<5120xi32, #tpu.memory_space<vmem>>)
        tpu.yield
      }) : () -> ()
      %mul3A_18 = arith.constant 16 : i32
      %mul3A_19 = arith.muli %add3A_13, %mul3A_18 : i32
      "tpu.region"() ({
        %run_scoped3A = tpu.sem_alloc : memref<!tpu.dma_semaphore, #tpu.memory_space<semaphore_mem>>
        %dma_start3A_51 = tpu.memref_slice %arg3[%mul3A_19] : memref<163840xi32, #tpu.memory_space<hbm>> -> memref<128xi32, #tpu.memory_space<hbm>>
        %dma_start3A_52 = tpu.memref_slice %arg3[%mul3A_19] : memref<163840xi32, #tpu.memory_space<hbm>> -> memref<128xi32, #tpu.memory_space<hbm>>
        tpu.enqueue_dma source(%dma_start3A_52 : memref<128xi32, #tpu.memory_space<hbm>>) target(%arg8 : memref<128xi32, #tpu.memory_space<vmem>>) target_semaphore(%run_scoped3A : memref<!tpu.dma_semaphore, #tpu.memory_space<semaphore_mem>>)
        %dma_wait3A_53 = tpu.memref_slice %arg3[%mul3A_19] : memref<163840xi32, #tpu.memory_space<hbm>> -> memref<128xi32, #tpu.memory_space<hbm>>
        %dma_wait3A_54 = tpu.memref_slice %arg3[%mul3A_19] : memref<163840xi32, #tpu.memory_space<hbm>> -> memref<128xi32, #tpu.memory_space<hbm>>
        tpu.wait_dma2 semaphore(%run_scoped3A : memref<!tpu.dma_semaphore, #tpu.memory_space<semaphore_mem>>) src(%dma_wait3A_54 : memref<128xi32, #tpu.memory_space<hbm>>) dst(%arg8 : memref<128xi32, #tpu.memory_space<vmem>>)
        tpu.yield
      }) : () -> ()
      %sub3A = arith.subi %add3A_13, %mul3A_2 : i32
      %scan3A_20 = arith.constant 0 : i32
      %scan3A_21 = arith.constant 0 : i32
      %scan3A_22 = arith.constant 8 : i32
      %scan3A_23 = arith.addi %scan3A_21, %scan3A_22 : i32
      %scan3A_24 = arith.constant 1 : i32
      scf.for %scan3A_51 = %scan3A_21 to %scan3A_23 step %scan3A_24  : i32 {
        %mul3A_52 = arith.constant 32 : i32
        %mul3A_53 = arith.muli %scan3A_51, %mul3A_52 : i32
        %broadcast_in_dim3A = arith.constant 10239 : i32
        %broadcast_in_dim3A_54 = vector.broadcast %broadcast_in_dim3A : i32 to vector<16xi32>
        %swap3A = arith.index_cast %mul3A_53 : i32 to index
        %swap3A_55 = tpu.vector_load %arg9[%swap3A] {strides = array<i32>} : memref<256xi32, #tpu.memory_space<vmem>>, vector<16xi32>,
        tpu.vector_store %arg9[%swap3A], %broadcast_in_dim3A_54 {strides = array<i32>} : memref<256xi32, #tpu.memory_space<vmem>>, vector<16xi32>,
        %add3A_56 = arith.constant 16 : i32
        %add3A_57 = arith.addi %mul3A_53, %add3A_56 : i32
        %swap3A_58 = arith.index_cast %add3A_57 : i32 to index
        %swap3A_59 = tpu.vector_load %arg9[%swap3A_58] {strides = array<i32>} : memref<256xi32, #tpu.memory_space<vmem>>, vector<16xi32>,
        tpu.vector_store %arg9[%swap3A_58], %broadcast_in_dim3A_54 {strides = array<i32>} : memref<256xi32, #tpu.memory_space<vmem>>, vector<16xi32>,
        %mul3A_60 = arith.constant 16 : i32
        %mul3A_61 = arith.muli %scan3A_51, %mul3A_60 : i32
        %get3A = arith.index_cast %mul3A_61 : i32 to index
        %get3A_62 = tpu.vector_load %arg8[%get3A] {strides = array<i32>} : memref<128xi32, #tpu.memory_space<vmem>>, vector<16xi32>,
        %eq3A = arith.constant 0 : i32
        %eq3A_63 = vector.broadcast %eq3A : i32 to vector<16xi32>
        %eq3A_64 = arith.cmpi eq, %iota3A, %eq3A_63 : vector<16xi32>
        %jit3A = arith.constant 0 : i32
        %broadcast_in_dim3A_65 = vector.broadcast %jit3A : i32 to vector<16xi32>
        %select_n3A = arith.select %eq3A_64, %get3A_62, %broadcast_in_dim3A_65 : vector<16xi1>, vector<16xi32>
        %reduce_max3A = arith.constant true
        %reduce_max3A_66 = vector.broadcast %reduce_max3A : i1 to vector<16xi1>
        %reduce_max3A_67 = arith.constant -2147483648 : i32
        %reduce_max3A_68 = vector.broadcast %reduce_max3A_67 : i32 to vector<16xi32>
        %reduce_max3A_69 = arith.xori %select_n3A, %reduce_max3A_68 : vector<16xi32>
        %reduce_max3A_70 = tpu.scan <max>, %reduce_max3A_69 masked %reduce_max3A_66 : vector<16xi32>, vector<16xi1> -> vector<16xi32>
        %reduce_max3A_71 = arith.xori %reduce_max3A_70, %reduce_max3A_68 : vector<16xi32>
        %reduce_max3A_72 = vector.extract %reduce_max3A_71[15] : i32 from vector<16xi32>
        %while3A = arith.constant 0 : i32
        %while3A_73:2 = scf.while (%while3A_116 = %reduce_max3A_72, %while3A_117 = %while3A) : (i32, i32) -> (i32, i32) {
          %ne3A = arith.constant 0 : i32
          %ne3A_118 = arith.cmpi ne, %while3A_116, %ne3A : i32
          %lt3A = arith.constant 32 : i32
          %lt3A_119 = arith.cmpi slt, %while3A_117, %lt3A : i32
          %and3A_120 = arith.andi %ne3A_118, %lt3A_119 : i1
          scf.condition(%and3A_120) %while3A_116, %while3A_117 : i32, i32
        } do {
        ^bb0(%while3A_116: i32, %while3A_117: i32):
          %shift_right_arithmetic3A = vector.broadcast %while3A_116 : i32 to vector<16xi32>
          %shift_right_arithmetic3A_118 = arith.shrsi %shift_right_arithmetic3A, %iota3A : vector<16xi32>
          %and3A_119 = arith.constant 1 : i32
          %and3A_120 = vector.broadcast %and3A_119 : i32 to vector<16xi32>
          %and3A_121 = arith.andi %shift_right_arithmetic3A_118, %and3A_120 : vector<16xi32>
          %eq3A_122 = arith.constant 1 : i32
          %eq3A_123 = vector.broadcast %eq3A_122 : i32 to vector<16xi32>
          %eq3A_124 = arith.cmpi eq, %and3A_121, %eq3A_123 : vector<16xi32>
          %all_reduce_ffs3A = tpu.all_reduce %eq3A_124 {dim = 0 : i64, kind = #tpu.reduction_kind<find_first_set>} : vector<16xi1> -> vector<16xi32>
          %reduce_max3A_125 = arith.constant true
          %reduce_max3A_126 = vector.broadcast %reduce_max3A_125 : i1 to vector<16xi1>
          %reduce_max3A_127 = arith.constant -2147483648 : i32
          %reduce_max3A_128 = vector.broadcast %reduce_max3A_127 : i32 to vector<16xi32>
          %reduce_max3A_129 = arith.xori %all_reduce_ffs3A, %reduce_max3A_128 : vector<16xi32>
          %reduce_max3A_130 = tpu.scan <max>, %reduce_max3A_129 masked %reduce_max3A_126 : vector<16xi32>, vector<16xi1> -> vector<16xi32>
          %reduce_max3A_131 = arith.xori %reduce_max3A_130, %reduce_max3A_128 : vector<16xi32>
          %reduce_max3A_132 = vector.extract %reduce_max3A_131[15] : i32 from vector<16xi32>
          %add3A_133 = arith.constant 0 : i32
          %add3A_134 = arith.addi %add3A_133, %reduce_max3A_132 : i32
          %mul3A_135 = arith.constant 640 : i32
          %mul3A_136 = arith.muli %scan3A_51, %mul3A_135 : i32
          %mul3A_137 = arith.constant 16 : i32
          %mul3A_138 = arith.muli %add3A_134, %mul3A_137 : i32
          %add3A_139 = arith.addi %mul3A_136, %mul3A_138 : i32
          %get3A_140 = arith.index_cast %add3A_139 : i32 to index
          %get3A_141 = tpu.vector_load %arg7[%get3A_140] {strides = array<i32>} : memref<5120xi32, #tpu.memory_space<vmem>>, vector<16xi32>,
          %ne3A = arith.constant 0 : i32
          %ne3A_142 = vector.broadcast %ne3A : i32 to vector<16xi32>
          %ne3A_143 = arith.cmpi ne, %get3A_141, %ne3A_142 : vector<16xi32>
          %shift_left3A = arith.constant 1 : i32
          %shift_left3A_144 = vector.broadcast %shift_left3A : i32 to vector<16xi32>
          %shift_left3A_145 = arith.shli %shift_left3A_144, %iota3A : vector<16xi32>
          %jit3A_146 = arith.constant 0 : i32
          %broadcast_in_dim3A_147 = vector.broadcast %jit3A_146 : i32 to vector<16xi32>
          %select_n3A_148 = arith.select %ne3A_143, %shift_left3A_145, %broadcast_in_dim3A_147 : vector<16xi1>, vector<16xi32>
          %reduce_sum3A = arith.constant true
          %reduce_sum3A_149 = vector.broadcast %reduce_sum3A : i1 to vector<16xi1>
          %reduce_sum3A_150 = tpu.scan <sum>, %select_n3A_148 masked %reduce_sum3A_149 : vector<16xi32>, vector<16xi1> -> vector<16xi32>
          %reduce_sum3A_151 = vector.extract %reduce_sum3A_150[15] : i32 from vector<16xi32>
          %while3A_152:2 = scf.while (%while3A_156 = %reduce_sum3A_151, %while3A_157 = %while3A_117) : (i32, i32) -> (i32, i32) {
            %ne3A_158 = arith.constant 0 : i32
            %ne3A_159 = arith.cmpi ne, %while3A_156, %ne3A_158 : i32
            %lt3A = arith.constant 32 : i32
            %lt3A_160 = arith.cmpi slt, %while3A_157, %lt3A : i32
            %and3A_161 = arith.andi %ne3A_159, %lt3A_160 : i1
            scf.condition(%and3A_161) %while3A_156, %while3A_157 : i32, i32
          } do {
          ^bb0(%while3A_156: i32, %while3A_157: i32):
            %shift_right_arithmetic3A_158 = vector.broadcast %while3A_156 : i32 to vector<16xi32>
            %shift_right_arithmetic3A_159 = arith.shrsi %shift_right_arithmetic3A_158, %iota3A : vector<16xi32>
            %and3A_160 = arith.constant 1 : i32
            %and3A_161 = vector.broadcast %and3A_160 : i32 to vector<16xi32>
            %and3A_162 = arith.andi %shift_right_arithmetic3A_159, %and3A_161 : vector<16xi32>
            %eq3A_163 = arith.constant 1 : i32
            %eq3A_164 = vector.broadcast %eq3A_163 : i32 to vector<16xi32>
            %eq3A_165 = arith.cmpi eq, %and3A_162, %eq3A_164 : vector<16xi32>
            %all_reduce_ffs3A_166 = tpu.all_reduce %eq3A_165 {dim = 0 : i64, kind = #tpu.reduction_kind<find_first_set>} : vector<16xi1> -> vector<16xi32>
            %eq3A_167 = arith.cmpi eq, %iota3A, %all_reduce_ffs3A_166 : vector<16xi32>
            %jit3A_168 = arith.constant 0 : i32
            %broadcast_in_dim3A_169 = vector.broadcast %jit3A_168 : i32 to vector<16xi32>
            %select_n3A_170 = arith.select %eq3A_167, %get3A_141, %broadcast_in_dim3A_169 : vector<16xi1>, vector<16xi32>
            %reduce_max3A_171 = arith.constant true
            %reduce_max3A_172 = vector.broadcast %reduce_max3A_171 : i1 to vector<16xi1>
            %reduce_max3A_173 = arith.constant -2147483648 : i32
            %reduce_max3A_174 = vector.broadcast %reduce_max3A_173 : i32 to vector<16xi32>
            %reduce_max3A_175 = arith.xori %select_n3A_170, %reduce_max3A_174 : vector<16xi32>
            %reduce_max3A_176 = tpu.scan <max>, %reduce_max3A_175 masked %reduce_max3A_172 : vector<16xi32>, vector<16xi1> -> vector<16xi32>
            %reduce_max3A_177 = arith.xori %reduce_max3A_176, %reduce_max3A_174 : vector<16xi32>
            %reduce_max3A_178 = vector.extract %reduce_max3A_177[15] : i32 from vector<16xi32>
            %mul3A_179 = arith.constant 16 : i32
            %mul3A_180 = arith.muli %add3A_134, %mul3A_179 : i32
            %add3A_181 = vector.broadcast %mul3A_180 : i32 to vector<16xi32>
            %add3A_182 = arith.addi %add3A_181, %all_reduce_ffs3A_166 : vector<16xi32>
            %mul3A_183 = arith.constant 16 : i32
            %mul3A_184 = vector.broadcast %mul3A_183 : i32 to vector<16xi32>
            %mul3A_185 = arith.muli %add3A_182, %mul3A_184 : vector<16xi32>
            %while3A_186:2 = scf.while (%while3A_190 = %reduce_max3A_178, %while3A_191 = %while3A_157) : (i32, i32) -> (i32, i32) {
              %ne3A_192 = arith.constant 0 : i32
              %ne3A_193 = arith.cmpi ne, %while3A_190, %ne3A_192 : i32
              %lt3A = arith.constant 32 : i32
              %lt3A_194 = arith.cmpi slt, %while3A_191, %lt3A : i32
              %and3A_195 = arith.andi %ne3A_193, %lt3A_194 : i1
              scf.condition(%and3A_195) %while3A_190, %while3A_191 : i32, i32
            } do {
            ^bb0(%while3A_190: i32, %while3A_191: i32):
              %shift_right_arithmetic3A_192 = vector.broadcast %while3A_190 : i32 to vector<16xi32>
              %shift_right_arithmetic3A_193 = arith.shrsi %shift_right_arithmetic3A_192, %iota3A : vector<16xi32>
              %and3A_194 = arith.constant 1 : i32
              %and3A_195 = vector.broadcast %and3A_194 : i32 to vector<16xi32>
              %and3A_196 = arith.andi %shift_right_arithmetic3A_193, %and3A_195 : vector<16xi32>
              %eq3A_197 = arith.constant 1 : i32
              %eq3A_198 = vector.broadcast %eq3A_197 : i32 to vector<16xi32>
              %eq3A_199 = arith.cmpi eq, %and3A_196, %eq3A_198 : vector<16xi32>
              %all_reduce_ffs3A_200 = tpu.all_reduce %eq3A_199 {dim = 0 : i64, kind = #tpu.reduction_kind<find_first_set>} : vector<16xi1> -> vector<16xi32>
              %add3A_201 = arith.addi %mul3A_185, %all_reduce_ffs3A_200 : vector<16xi32>
              %and3A_202 = arith.constant -16 : i32
              %and3A_203 = arith.andi %while3A_191, %and3A_202 : i32
              %add3A_204 = arith.addi %mul3A_53, %and3A_203 : i32
              %get3A_205 = arith.index_cast %add3A_204 : i32 to index
              %get3A_206 = tpu.vector_load %arg9[%get3A_205] {strides = array<i32>} : memref<256xi32, #tpu.memory_space<vmem>>, vector<16xi32>,
              %and3A_207 = arith.constant 15 : i32
              %and3A_208 = arith.andi %while3A_191, %and3A_207 : i32
              %eq3A_209 = vector.broadcast %and3A_208 : i32 to vector<16xi32>
              %eq3A_210 = arith.cmpi eq, %iota3A, %eq3A_209 : vector<16xi32>
              %select_n3A_211 = arith.select %eq3A_210, %add3A_201, %get3A_206 : vector<16xi1>, vector<16xi32>
              %swap3A_212 = arith.index_cast %add3A_204 : i32 to index
              %swap3A_213 = tpu.vector_load %arg9[%swap3A_212] {strides = array<i32>} : memref<256xi32, #tpu.memory_space<vmem>>, vector<16xi32>,
              tpu.vector_store %arg9[%swap3A_212], %select_n3A_211 {strides = array<i32>} : memref<256xi32, #tpu.memory_space<vmem>>, vector<16xi32>,
              %sub3A_214 = arith.constant 1 : i32
              %sub3A_215 = arith.subi %while3A_190, %sub3A_214 : i32
              %and3A_216 = arith.andi %while3A_190, %sub3A_215 : i32
              %add3A_217 = arith.constant 1 : i32
              %add3A_218 = arith.addi %while3A_191, %add3A_217 : i32
              scf.yield %and3A_216, %add3A_218 : i32, i32
            }
            %sub3A_187 = arith.constant 1 : i32
            %sub3A_188 = arith.subi %while3A_156, %sub3A_187 : i32
            %and3A_189 = arith.andi %while3A_156, %sub3A_188 : i32
            scf.yield %and3A_189, %while3A_186#1 : i32, i32
          }
          %sub3A_153 = arith.constant 1 : i32
          %sub3A_154 = arith.subi %while3A_116, %sub3A_153 : i32
          %and3A_155 = arith.andi %while3A_116, %sub3A_154 : i32
          scf.yield %and3A_155, %while3A_152#1 : i32, i32
        }
        %eq3A_74 = arith.constant 1 : i32
        %eq3A_75 = vector.broadcast %eq3A_74 : i32 to vector<16xi32>
        %eq3A_76 = arith.cmpi eq, %iota3A, %eq3A_75 : vector<16xi32>
        %jit3A_77 = arith.constant 0 : i32
        %broadcast_in_dim3A_78 = vector.broadcast %jit3A_77 : i32 to vector<16xi32>
        %select_n3A_79 = arith.select %eq3A_76, %get3A_62, %broadcast_in_dim3A_78 : vector<16xi1>, vector<16xi32>
        %reduce_max3A_80 = arith.constant true
        %reduce_max3A_81 = vector.broadcast %reduce_max3A_80 : i1 to vector<16xi1>
        %reduce_max3A_82 = arith.constant -2147483648 : i32
        %reduce_max3A_83 = vector.broadcast %reduce_max3A_82 : i32 to vector<16xi32>
        %reduce_max3A_84 = arith.xori %select_n3A_79, %reduce_max3A_83 : vector<16xi32>
        %reduce_max3A_85 = tpu.scan <max>, %reduce_max3A_84 masked %reduce_max3A_81 : vector<16xi32>, vector<16xi1> -> vector<16xi32>
        %reduce_max3A_86 = arith.xori %reduce_max3A_85, %reduce_max3A_83 : vector<16xi32>
        %reduce_max3A_87 = vector.extract %reduce_max3A_86[15] : i32 from vector<16xi32>
        %while3A_88:2 = scf.while (%while3A_116 = %reduce_max3A_87, %while3A_117 = %while3A_73#1) : (i32, i32) -> (i32, i32) {
          %ne3A = arith.constant 0 : i32
          %ne3A_118 = arith.cmpi ne, %while3A_116, %ne3A : i32
          %lt3A = arith.constant 32 : i32
          %lt3A_119 = arith.cmpi slt, %while3A_117, %lt3A : i32
          %and3A_120 = arith.andi %ne3A_118, %lt3A_119 : i1
          scf.condition(%and3A_120) %while3A_116, %while3A_117 : i32, i32
        } do {
        ^bb0(%while3A_116: i32, %while3A_117: i32):
          %shift_right_arithmetic3A = vector.broadcast %while3A_116 : i32 to vector<16xi32>
          %shift_right_arithmetic3A_118 = arith.shrsi %shift_right_arithmetic3A, %iota3A : vector<16xi32>
          %and3A_119 = arith.constant 1 : i32
          %and3A_120 = vector.broadcast %and3A_119 : i32 to vector<16xi32>
          %and3A_121 = arith.andi %shift_right_arithmetic3A_118, %and3A_120 : vector<16xi32>
          %eq3A_122 = arith.constant 1 : i32
          %eq3A_123 = vector.broadcast %eq3A_122 : i32 to vector<16xi32>
          %eq3A_124 = arith.cmpi eq, %and3A_121, %eq3A_123 : vector<16xi32>
          %all_reduce_ffs3A = tpu.all_reduce %eq3A_124 {dim = 0 : i64, kind = #tpu.reduction_kind<find_first_set>} : vector<16xi1> -> vector<16xi32>
          %reduce_max3A_125 = arith.constant true
          %reduce_max3A_126 = vector.broadcast %reduce_max3A_125 : i1 to vector<16xi1>
          %reduce_max3A_127 = arith.constant -2147483648 : i32
          %reduce_max3A_128 = vector.broadcast %reduce_max3A_127 : i32 to vector<16xi32>
          %reduce_max3A_129 = arith.xori %all_reduce_ffs3A, %reduce_max3A_128 : vector<16xi32>
          %reduce_max3A_130 = tpu.scan <max>, %reduce_max3A_129 masked %reduce_max3A_126 : vector<16xi32>, vector<16xi1> -> vector<16xi32>
          %reduce_max3A_131 = arith.xori %reduce_max3A_130, %reduce_max3A_128 : vector<16xi32>
          %reduce_max3A_132 = vector.extract %reduce_max3A_131[15] : i32 from vector<16xi32>
          %add3A_133 = arith.constant 16 : i32
          %add3A_134 = arith.addi %add3A_133, %reduce_max3A_132 : i32
          %mul3A_135 = arith.constant 640 : i32
          %mul3A_136 = arith.muli %scan3A_51, %mul3A_135 : i32
          %mul3A_137 = arith.constant 16 : i32
          %mul3A_138 = arith.muli %add3A_134, %mul3A_137 : i32
          %add3A_139 = arith.addi %mul3A_136, %mul3A_138 : i32
          %get3A_140 = arith.index_cast %add3A_139 : i32 to index
          %get3A_141 = tpu.vector_load %arg7[%get3A_140] {strides = array<i32>} : memref<5120xi32, #tpu.memory_space<vmem>>, vector<16xi32>,
          %ne3A = arith.constant 0 : i32
          %ne3A_142 = vector.broadcast %ne3A : i32 to vector<16xi32>
          %ne3A_143 = arith.cmpi ne, %get3A_141, %ne3A_142 : vector<16xi32>
          %shift_left3A = arith.constant 1 : i32
          %shift_left3A_144 = vector.broadcast %shift_left3A : i32 to vector<16xi32>
          %shift_left3A_145 = arith.shli %shift_left3A_144, %iota3A : vector<16xi32>
          %jit3A_146 = arith.constant 0 : i32
          %broadcast_in_dim3A_147 = vector.broadcast %jit3A_146 : i32 to vector<16xi32>
          %select_n3A_148 = arith.select %ne3A_143, %shift_left3A_145, %broadcast_in_dim3A_147 : vector<16xi1>, vector<16xi32>
          %reduce_sum3A = arith.constant true
          %reduce_sum3A_149 = vector.broadcast %reduce_sum3A : i1 to vector<16xi1>
          %reduce_sum3A_150 = tpu.scan <sum>, %select_n3A_148 masked %reduce_sum3A_149 : vector<16xi32>, vector<16xi1> -> vector<16xi32>
          %reduce_sum3A_151 = vector.extract %reduce_sum3A_150[15] : i32 from vector<16xi32>
          %while3A_152:2 = scf.while (%while3A_156 = %reduce_sum3A_151, %while3A_157 = %while3A_117) : (i32, i32) -> (i32, i32) {
            %ne3A_158 = arith.constant 0 : i32
            %ne3A_159 = arith.cmpi ne, %while3A_156, %ne3A_158 : i32
            %lt3A = arith.constant 32 : i32
            %lt3A_160 = arith.cmpi slt, %while3A_157, %lt3A : i32
            %and3A_161 = arith.andi %ne3A_159, %lt3A_160 : i1
            scf.condition(%and3A_161) %while3A_156, %while3A_157 : i32, i32
          } do {
          ^bb0(%while3A_156: i32, %while3A_157: i32):
            %shift_right_arithmetic3A_158 = vector.broadcast %while3A_156 : i32 to vector<16xi32>
            %shift_right_arithmetic3A_159 = arith.shrsi %shift_right_arithmetic3A_158, %iota3A : vector<16xi32>
            %and3A_160 = arith.constant 1 : i32
            %and3A_161 = vector.broadcast %and3A_160 : i32 to vector<16xi32>
            %and3A_162 = arith.andi %shift_right_arithmetic3A_159, %and3A_161 : vector<16xi32>
            %eq3A_163 = arith.constant 1 : i32
            %eq3A_164 = vector.broadcast %eq3A_163 : i32 to vector<16xi32>
            %eq3A_165 = arith.cmpi eq, %and3A_162, %eq3A_164 : vector<16xi32>
            %all_reduce_ffs3A_166 = tpu.all_reduce %eq3A_165 {dim = 0 : i64, kind = #tpu.reduction_kind<find_first_set>} : vector<16xi1> -> vector<16xi32>
            %eq3A_167 = arith.cmpi eq, %iota3A, %all_reduce_ffs3A_166 : vector<16xi32>
            %jit3A_168 = arith.constant 0 : i32
            %broadcast_in_dim3A_169 = vector.broadcast %jit3A_168 : i32 to vector<16xi32>
            %select_n3A_170 = arith.select %eq3A_167, %get3A_141, %broadcast_in_dim3A_169 : vector<16xi1>, vector<16xi32>
            %reduce_max3A_171 = arith.constant true
            %reduce_max3A_172 = vector.broadcast %reduce_max3A_171 : i1 to vector<16xi1>
            %reduce_max3A_173 = arith.constant -2147483648 : i32
            %reduce_max3A_174 = vector.broadcast %reduce_max3A_173 : i32 to vector<16xi32>
            %reduce_max3A_175 = arith.xori %select_n3A_170, %reduce_max3A_174 : vector<16xi32>
            %reduce_max3A_176 = tpu.scan <max>, %reduce_max3A_175 masked %reduce_max3A_172 : vector<16xi32>, vector<16xi1> -> vector<16xi32>
            %reduce_max3A_177 = arith.xori %reduce_max3A_176, %reduce_max3A_174 : vector<16xi32>
            %reduce_max3A_178 = vector.extract %reduce_max3A_177[15] : i32 from vector<16xi32>
            %mul3A_179 = arith.constant 16 : i32
            %mul3A_180 = arith.muli %add3A_134, %mul3A_179 : i32
            %add3A_181 = vector.broadcast %mul3A_180 : i32 to vector<16xi32>
            %add3A_182 = arith.addi %add3A_181, %all_reduce_ffs3A_166 : vector<16xi32>
            %mul3A_183 = arith.constant 16 : i32
            %mul3A_184 = vector.broadcast %mul3A_183 : i32 to vector<16xi32>
            %mul3A_185 = arith.muli %add3A_182, %mul3A_184 : vector<16xi32>
            %while3A_186:2 = scf.while (%while3A_190 = %reduce_max3A_178, %while3A_191 = %while3A_157) : (i32, i32) -> (i32, i32) {
              %ne3A_192 = arith.constant 0 : i32
              %ne3A_193 = arith.cmpi ne, %while3A_190, %ne3A_192 : i32
              %lt3A = arith.constant 32 : i32
              %lt3A_194 = arith.cmpi slt, %while3A_191, %lt3A : i32
              %and3A_195 = arith.andi %ne3A_193, %lt3A_194 : i1
              scf.condition(%and3A_195) %while3A_190, %while3A_191 : i32, i32
            } do {
            ^bb0(%while3A_190: i32, %while3A_191: i32):
              %shift_right_arithmetic3A_192 = vector.broadcast %while3A_190 : i32 to vector<16xi32>
              %shift_right_arithmetic3A_193 = arith.shrsi %shift_right_arithmetic3A_192, %iota3A : vector<16xi32>
              %and3A_194 = arith.constant 1 : i32
              %and3A_195 = vector.broadcast %and3A_194 : i32 to vector<16xi32>
              %and3A_196 = arith.andi %shift_right_arithmetic3A_193, %and3A_195 : vector<16xi32>
              %eq3A_197 = arith.constant 1 : i32
              %eq3A_198 = vector.broadcast %eq3A_197 : i32 to vector<16xi32>
              %eq3A_199 = arith.cmpi eq, %and3A_196, %eq3A_198 : vector<16xi32>
              %all_reduce_ffs3A_200 = tpu.all_reduce %eq3A_199 {dim = 0 : i64, kind = #tpu.reduction_kind<find_first_set>} : vector<16xi1> -> vector<16xi32>
              %add3A_201 = arith.addi %mul3A_185, %all_reduce_ffs3A_200 : vector<16xi32>
              %and3A_202 = arith.constant -16 : i32
              %and3A_203 = arith.andi %while3A_191, %and3A_202 : i32
              %add3A_204 = arith.addi %mul3A_53, %and3A_203 : i32
              %get3A_205 = arith.index_cast %add3A_204 : i32 to index
              %get3A_206 = tpu.vector_load %arg9[%get3A_205] {strides = array<i32>} : memref<256xi32, #tpu.memory_space<vmem>>, vector<16xi32>,
              %and3A_207 = arith.constant 15 : i32
              %and3A_208 = arith.andi %while3A_191, %and3A_207 : i32
              %eq3A_209 = vector.broadcast %and3A_208 : i32 to vector<16xi32>
              %eq3A_210 = arith.cmpi eq, %iota3A, %eq3A_209 : vector<16xi32>
              %select_n3A_211 = arith.select %eq3A_210, %add3A_201, %get3A_206 : vector<16xi1>, vector<16xi32>
              %swap3A_212 = arith.index_cast %add3A_204 : i32 to index
              %swap3A_213 = tpu.vector_load %arg9[%swap3A_212] {strides = array<i32>} : memref<256xi32, #tpu.memory_space<vmem>>, vector<16xi32>,
              tpu.vector_store %arg9[%swap3A_212], %select_n3A_211 {strides = array<i32>} : memref<256xi32, #tpu.memory_space<vmem>>, vector<16xi32>,
              %sub3A_214 = arith.constant 1 : i32
              %sub3A_215 = arith.subi %while3A_190, %sub3A_214 : i32
              %and3A_216 = arith.andi %while3A_190, %sub3A_215 : i32
              %add3A_217 = arith.constant 1 : i32
              %add3A_218 = arith.addi %while3A_191, %add3A_217 : i32
              scf.yield %and3A_216, %add3A_218 : i32, i32
            }
            %sub3A_187 = arith.constant 1 : i32
            %sub3A_188 = arith.subi %while3A_156, %sub3A_187 : i32
            %and3A_189 = arith.andi %while3A_156, %sub3A_188 : i32
            scf.yield %and3A_189, %while3A_186#1 : i32, i32
          }
          %sub3A_153 = arith.constant 1 : i32
          %sub3A_154 = arith.subi %while3A_116, %sub3A_153 : i32
          %and3A_155 = arith.andi %while3A_116, %sub3A_154 : i32
          scf.yield %and3A_155, %while3A_152#1 : i32, i32
        }
        %eq3A_89 = arith.constant 2 : i32
        %eq3A_90 = vector.broadcast %eq3A_89 : i32 to vector<16xi32>
        %eq3A_91 = arith.cmpi eq, %iota3A, %eq3A_90 : vector<16xi32>
        %jit3A_92 = arith.constant 0 : i32
        %broadcast_in_dim3A_93 = vector.broadcast %jit3A_92 : i32 to vector<16xi32>
        %select_n3A_94 = arith.select %eq3A_91, %get3A_62, %broadcast_in_dim3A_93 : vector<16xi1>, vector<16xi32>
        %reduce_max3A_95 = arith.constant true
        %reduce_max3A_96 = vector.broadcast %reduce_max3A_95 : i1 to vector<16xi1>
        %reduce_max3A_97 = arith.constant -2147483648 : i32
        %reduce_max3A_98 = vector.broadcast %reduce_max3A_97 : i32 to vector<16xi32>
        %reduce_max3A_99 = arith.xori %select_n3A_94, %reduce_max3A_98 : vector<16xi32>
        %reduce_max3A_100 = tpu.scan <max>, %reduce_max3A_99 masked %reduce_max3A_96 : vector<16xi32>, vector<16xi1> -> vector<16xi32>
        %reduce_max3A_101 = arith.xori %reduce_max3A_100, %reduce_max3A_98 : vector<16xi32>
        %reduce_max3A_102 = vector.extract %reduce_max3A_101[15] : i32 from vector<16xi32>
        %while3A_103:2 = scf.while (%while3A_116 = %reduce_max3A_102, %while3A_117 = %while3A_88#1) : (i32, i32) -> (i32, i32) {
          %ne3A = arith.constant 0 : i32
          %ne3A_118 = arith.cmpi ne, %while3A_116, %ne3A : i32
          %lt3A = arith.constant 32 : i32
          %lt3A_119 = arith.cmpi slt, %while3A_117, %lt3A : i32
          %and3A_120 = arith.andi %ne3A_118, %lt3A_119 : i1
          scf.condition(%and3A_120) %while3A_116, %while3A_117 : i32, i32
        } do {
        ^bb0(%while3A_116: i32, %while3A_117: i32):
          %shift_right_arithmetic3A = vector.broadcast %while3A_116 : i32 to vector<16xi32>
          %shift_right_arithmetic3A_118 = arith.shrsi %shift_right_arithmetic3A, %iota3A : vector<16xi32>
          %and3A_119 = arith.constant 1 : i32
          %and3A_120 = vector.broadcast %and3A_119 : i32 to vector<16xi32>
          %and3A_121 = arith.andi %shift_right_arithmetic3A_118, %and3A_120 : vector<16xi32>
          %eq3A_122 = arith.constant 1 : i32
          %eq3A_123 = vector.broadcast %eq3A_122 : i32 to vector<16xi32>
          %eq3A_124 = arith.cmpi eq, %and3A_121, %eq3A_123 : vector<16xi32>
          %all_reduce_ffs3A = tpu.all_reduce %eq3A_124 {dim = 0 : i64, kind = #tpu.reduction_kind<find_first_set>} : vector<16xi1> -> vector<16xi32>
          %reduce_max3A_125 = arith.constant true
          %reduce_max3A_126 = vector.broadcast %reduce_max3A_125 : i1 to vector<16xi1>
          %reduce_max3A_127 = arith.constant -2147483648 : i32
          %reduce_max3A_128 = vector.broadcast %reduce_max3A_127 : i32 to vector<16xi32>
          %reduce_max3A_129 = arith.xori %all_reduce_ffs3A, %reduce_max3A_128 : vector<16xi32>
          %reduce_max3A_130 = tpu.scan <max>, %reduce_max3A_129 masked %reduce_max3A_126 : vector<16xi32>, vector<16xi1> -> vector<16xi32>
          %reduce_max3A_131 = arith.xori %reduce_max3A_130, %reduce_max3A_128 : vector<16xi32>
          %reduce_max3A_132 = vector.extract %reduce_max3A_131[15] : i32 from vector<16xi32>
          %add3A_133 = arith.constant 32 : i32
          %add3A_134 = arith.addi %add3A_133, %reduce_max3A_132 : i32
          %mul3A_135 = arith.constant 640 : i32
          %mul3A_136 = arith.muli %scan3A_51, %mul3A_135 : i32
          %mul3A_137 = arith.constant 16 : i32
          %mul3A_138 = arith.muli %add3A_134, %mul3A_137 : i32
          %add3A_139 = arith.addi %mul3A_136, %mul3A_138 : i32
          %get3A_140 = arith.index_cast %add3A_139 : i32 to index
          %get3A_141 = tpu.vector_load %arg7[%get3A_140] {strides = array<i32>} : memref<5120xi32, #tpu.memory_space<vmem>>, vector<16xi32>,
          %ne3A = arith.constant 0 : i32
          %ne3A_142 = vector.broadcast %ne3A : i32 to vector<16xi32>
          %ne3A_143 = arith.cmpi ne, %get3A_141, %ne3A_142 : vector<16xi32>
          %shift_left3A = arith.constant 1 : i32
          %shift_left3A_144 = vector.broadcast %shift_left3A : i32 to vector<16xi32>
          %shift_left3A_145 = arith.shli %shift_left3A_144, %iota3A : vector<16xi32>
          %jit3A_146 = arith.constant 0 : i32
          %broadcast_in_dim3A_147 = vector.broadcast %jit3A_146 : i32 to vector<16xi32>
          %select_n3A_148 = arith.select %ne3A_143, %shift_left3A_145, %broadcast_in_dim3A_147 : vector<16xi1>, vector<16xi32>
          %reduce_sum3A = arith.constant true
          %reduce_sum3A_149 = vector.broadcast %reduce_sum3A : i1 to vector<16xi1>
          %reduce_sum3A_150 = tpu.scan <sum>, %select_n3A_148 masked %reduce_sum3A_149 : vector<16xi32>, vector<16xi1> -> vector<16xi32>
          %reduce_sum3A_151 = vector.extract %reduce_sum3A_150[15] : i32 from vector<16xi32>
          %while3A_152:2 = scf.while (%while3A_156 = %reduce_sum3A_151, %while3A_157 = %while3A_117) : (i32, i32) -> (i32, i32) {
            %ne3A_158 = arith.constant 0 : i32
            %ne3A_159 = arith.cmpi ne, %while3A_156, %ne3A_158 : i32
            %lt3A = arith.constant 32 : i32
            %lt3A_160 = arith.cmpi slt, %while3A_157, %lt3A : i32
            %and3A_161 = arith.andi %ne3A_159, %lt3A_160 : i1
            scf.condition(%and3A_161) %while3A_156, %while3A_157 : i32, i32
          } do {
          ^bb0(%while3A_156: i32, %while3A_157: i32):
            %shift_right_arithmetic3A_158 = vector.broadcast %while3A_156 : i32 to vector<16xi32>
            %shift_right_arithmetic3A_159 = arith.shrsi %shift_right_arithmetic3A_158, %iota3A : vector<16xi32>
            %and3A_160 = arith.constant 1 : i32
            %and3A_161 = vector.broadcast %and3A_160 : i32 to vector<16xi32>
            %and3A_162 = arith.andi %shift_right_arithmetic3A_159, %and3A_161 : vector<16xi32>
            %eq3A_163 = arith.constant 1 : i32
            %eq3A_164 = vector.broadcast %eq3A_163 : i32 to vector<16xi32>
            %eq3A_165 = arith.cmpi eq, %and3A_162, %eq3A_164 : vector<16xi32>
            %all_reduce_ffs3A_166 = tpu.all_reduce %eq3A_165 {dim = 0 : i64, kind = #tpu.reduction_kind<find_first_set>} : vector<16xi1> -> vector<16xi32>
            %eq3A_167 = arith.cmpi eq, %iota3A, %all_reduce_ffs3A_166 : vector<16xi32>
            %jit3A_168 = arith.constant 0 : i32
            %broadcast_in_dim3A_169 = vector.broadcast %jit3A_168 : i32 to vector<16xi32>
            %select_n3A_170 = arith.select %eq3A_167, %get3A_141, %broadcast_in_dim3A_169 : vector<16xi1>, vector<16xi32>
            %reduce_max3A_171 = arith.constant true
            %reduce_max3A_172 = vector.broadcast %reduce_max3A_171 : i1 to vector<16xi1>
            %reduce_max3A_173 = arith.constant -2147483648 : i32
            %reduce_max3A_174 = vector.broadcast %reduce_max3A_173 : i32 to vector<16xi32>
            %reduce_max3A_175 = arith.xori %select_n3A_170, %reduce_max3A_174 : vector<16xi32>
            %reduce_max3A_176 = tpu.scan <max>, %reduce_max3A_175 masked %reduce_max3A_172 : vector<16xi32>, vector<16xi1> -> vector<16xi32>
            %reduce_max3A_177 = arith.xori %reduce_max3A_176, %reduce_max3A_174 : vector<16xi32>
            %reduce_max3A_178 = vector.extract %reduce_max3A_177[15] : i32 from vector<16xi32>
            %mul3A_179 = arith.constant 16 : i32
            %mul3A_180 = arith.muli %add3A_134, %mul3A_179 : i32
            %add3A_181 = vector.broadcast %mul3A_180 : i32 to vector<16xi32>
            %add3A_182 = arith.addi %add3A_181, %all_reduce_ffs3A_166 : vector<16xi32>
            %mul3A_183 = arith.constant 16 : i32
            %mul3A_184 = vector.broadcast %mul3A_183 : i32 to vector<16xi32>
            %mul3A_185 = arith.muli %add3A_182, %mul3A_184 : vector<16xi32>
            %while3A_186:2 = scf.while (%while3A_190 = %reduce_max3A_178, %while3A_191 = %while3A_157) : (i32, i32) -> (i32, i32) {
              %ne3A_192 = arith.constant 0 : i32
              %ne3A_193 = arith.cmpi ne, %while3A_190, %ne3A_192 : i32
              %lt3A = arith.constant 32 : i32
              %lt3A_194 = arith.cmpi slt, %while3A_191, %lt3A : i32
              %and3A_195 = arith.andi %ne3A_193, %lt3A_194 : i1
              scf.condition(%and3A_195) %while3A_190, %while3A_191 : i32, i32
            } do {
            ^bb0(%while3A_190: i32, %while3A_191: i32):
              %shift_right_arithmetic3A_192 = vector.broadcast %while3A_190 : i32 to vector<16xi32>
              %shift_right_arithmetic3A_193 = arith.shrsi %shift_right_arithmetic3A_192, %iota3A : vector<16xi32>
              %and3A_194 = arith.constant 1 : i32
              %and3A_195 = vector.broadcast %and3A_194 : i32 to vector<16xi32>
              %and3A_196 = arith.andi %shift_right_arithmetic3A_193, %and3A_195 : vector<16xi32>
              %eq3A_197 = arith.constant 1 : i32
              %eq3A_198 = vector.broadcast %eq3A_197 : i32 to vector<16xi32>
              %eq3A_199 = arith.cmpi eq, %and3A_196, %eq3A_198 : vector<16xi32>
              %all_reduce_ffs3A_200 = tpu.all_reduce %eq3A_199 {dim = 0 : i64, kind = #tpu.reduction_kind<find_first_set>} : vector<16xi1> -> vector<16xi32>
              %add3A_201 = arith.addi %mul3A_185, %all_reduce_ffs3A_200 : vector<16xi32>
              %and3A_202 = arith.constant -16 : i32
              %and3A_203 = arith.andi %while3A_191, %and3A_202 : i32
              %add3A_204 = arith.addi %mul3A_53, %and3A_203 : i32
              %get3A_205 = arith.index_cast %add3A_204 : i32 to index
              %get3A_206 = tpu.vector_load %arg9[%get3A_205] {strides = array<i32>} : memref<256xi32, #tpu.memory_space<vmem>>, vector<16xi32>,
              %and3A_207 = arith.constant 15 : i32
              %and3A_208 = arith.andi %while3A_191, %and3A_207 : i32
              %eq3A_209 = vector.broadcast %and3A_208 : i32 to vector<16xi32>
              %eq3A_210 = arith.cmpi eq, %iota3A, %eq3A_209 : vector<16xi32>
              %select_n3A_211 = arith.select %eq3A_210, %add3A_201, %get3A_206 : vector<16xi1>, vector<16xi32>
              %swap3A_212 = arith.index_cast %add3A_204 : i32 to index
              %swap3A_213 = tpu.vector_load %arg9[%swap3A_212] {strides = array<i32>} : memref<256xi32, #tpu.memory_space<vmem>>, vector<16xi32>,
              tpu.vector_store %arg9[%swap3A_212], %select_n3A_211 {strides = array<i32>} : memref<256xi32, #tpu.memory_space<vmem>>, vector<16xi32>,
              %sub3A_214 = arith.constant 1 : i32
              %sub3A_215 = arith.subi %while3A_190, %sub3A_214 : i32
              %and3A_216 = arith.andi %while3A_190, %sub3A_215 : i32
              %add3A_217 = arith.constant 1 : i32
              %add3A_218 = arith.addi %while3A_191, %add3A_217 : i32
              scf.yield %and3A_216, %add3A_218 : i32, i32
            }
            %sub3A_187 = arith.constant 1 : i32
            %sub3A_188 = arith.subi %while3A_156, %sub3A_187 : i32
            %and3A_189 = arith.andi %while3A_156, %sub3A_188 : i32
            scf.yield %and3A_189, %while3A_186#1 : i32, i32
          }
          %sub3A_153 = arith.constant 1 : i32
          %sub3A_154 = arith.subi %while3A_116, %sub3A_153 : i32
          %and3A_155 = arith.andi %while3A_116, %sub3A_154 : i32
          scf.yield %and3A_155, %while3A_152#1 : i32, i32
        }
        %add3A_104 = arith.addi %sub3A, %scan3A_51 : i32
        %and3A = arith.constant -16 : i32
        %and3A_105 = arith.andi %add3A_104, %and3A : i32
        %get3A_106 = arith.index_cast %and3A_105 : i32 to index
        %get3A_107 = tpu.vector_load %arg13[%get3A_106] {strides = array<i32>} : memref<320xf32, #tpu.memory_space<vmem>>, vector<16xf32>,
        %and3A_108 = arith.constant 15 : i32
        %and3A_109 = arith.andi %add3A_104, %and3A_108 : i32
        %eq3A_110 = vector.broadcast %and3A_109 : i32 to vector<16xi32>
        %eq3A_111 = arith.cmpi eq, %iota3A, %eq3A_110 : vector<16xi32>
        %convert_element_type3A = arith.sitofp %while3A_103#1 : i32 to f32
        %broadcast_in_dim3A_112 = vector.broadcast %convert_element_type3A : f32 to vector<16xf32>
        %select_n3A_113 = arith.select %eq3A_111, %broadcast_in_dim3A_112, %get3A_107 : vector<16xi1>, vector<16xf32>
        %swap3A_114 = arith.index_cast %and3A_105 : i32 to index
        %swap3A_115 = tpu.vector_load %arg13[%swap3A_114] {strides = array<i32>} : memref<320xf32, #tpu.memory_space<vmem>>, vector<16xf32>,
        tpu.vector_store %arg13[%swap3A_114], %select_n3A_113 {strides = array<i32>} : memref<320xf32, #tpu.memory_space<vmem>>, vector<16xf32>,
      }
      %scan3A_25 = arith.constant 8 : i32
      %dma_start3A = arith.constant 0 : i32
      %dma_start3A_26 = arith.constant 0 : i32
      %dma_start3A_27 = tpu.memref_slice %arg4[%dma_start3A, %dma_start3A_26] : memref<10240x128xf32, #tpu.memory_space<hbm>> -> memref<10240x128xf32, #tpu.memory_space<hbm>>
      tpu.enqueue_indirect_dma source(%dma_start3A_27 : memref<10240x128xf32, #tpu.memory_space<hbm>>) target(%arg11 : memref<256x128xf32, #tpu.memory_space<vmem>>) offsets(%arg9 : memref<256xi32, #tpu.memory_space<vmem>>) semaphore(%arg14 : memref<!tpu.dma_semaphore, #tpu.memory_space<semaphore_mem>>)
      %mul3A_28 = arith.constant 640 : i32
      %mul3A_29 = arith.muli %add3A_15, %mul3A_28 : i32
      "tpu.region"() ({
        %run_scoped3A = tpu.sem_alloc : memref<!tpu.dma_semaphore, #tpu.memory_space<semaphore_mem>>
        %dma_start3A_51 = tpu.memref_slice %arg2[%mul3A_29] : memref<6553600xi32, #tpu.memory_space<hbm>> -> memref<5120xi32, #tpu.memory_space<hbm>>
        %dma_start3A_52 = tpu.memref_slice %arg2[%mul3A_29] : memref<6553600xi32, #tpu.memory_space<hbm>> -> memref<5120xi32, #tpu.memory_space<hbm>>
        tpu.enqueue_dma source(%dma_start3A_52 : memref<5120xi32, #tpu.memory_space<hbm>>) target(%arg7 : memref<5120xi32, #tpu.memory_space<vmem>>) target_semaphore(%run_scoped3A : memref<!tpu.dma_semaphore, #tpu.memory_space<semaphore_mem>>)
        %dma_wait3A_53 = tpu.memref_slice %arg2[%mul3A_29] : memref<6553600xi32, #tpu.memory_space<hbm>> -> memref<5120xi32, #tpu.memory_space<hbm>>
        %dma_wait3A_54 = tpu.memref_slice %arg2[%mul3A_29] : memref<6553600xi32, #tpu.memory_space<hbm>> -> memref<5120xi32, #tpu.memory_space<hbm>>
        tpu.wait_dma2 semaphore(%run_scoped3A : memref<!tpu.dma_semaphore, #tpu.memory_space<semaphore_mem>>) src(%dma_wait3A_54 : memref<5120xi32, #tpu.memory_space<hbm>>) dst(%arg7 : memref<5120xi32, #tpu.memory_space<vmem>>)
        tpu.yield
      }) : () -> ()
      %mul3A_30 = arith.constant 16 : i32
      %mul3A_31 = arith.muli %add3A_15, %mul3A_30 : i32
      "tpu.region"() ({
        %run_scoped3A = tpu.sem_alloc : memref<!tpu.dma_semaphore, #tpu.memory_space<semaphore_mem>>
        %dma_start3A_51 = tpu.memref_slice %arg3[%mul3A_31] : memref<163840xi32, #tpu.memory_space<hbm>> -> memref<128xi32, #tpu.memory_space<hbm>>
        %dma_start3A_52 = tpu.memref_slice %arg3[%mul3A_31] : memref<163840xi32, #tpu.memory_space<hbm>> -> memref<128xi32, #tpu.memory_space<hbm>>
        tpu.enqueue_dma source(%dma_start3A_52 : memref<128xi32, #tpu.memory_space<hbm>>) target(%arg8 : memref<128xi32, #tpu.memory_space<vmem>>) target_semaphore(%run_scoped3A : memref<!tpu.dma_semaphore, #tpu.memory_space<semaphore_mem>>)
        %dma_wait3A_53 = tpu.memref_slice %arg3[%mul3A_31] : memref<163840xi32, #tpu.memory_space<hbm>> -> memref<128xi32, #tpu.memory_space<hbm>>
        %dma_wait3A_54 = tpu.memref_slice %arg3[%mul3A_31] : memref<163840xi32, #tpu.memory_space<hbm>> -> memref<128xi32, #tpu.memory_space<hbm>>
        tpu.wait_dma2 semaphore(%run_scoped3A : memref<!tpu.dma_semaphore, #tpu.memory_space<semaphore_mem>>) src(%dma_wait3A_54 : memref<128xi32, #tpu.memory_space<hbm>>) dst(%arg8 : memref<128xi32, #tpu.memory_space<vmem>>)
        tpu.yield
      }) : () -> ()
      %sub3A_32 = arith.subi %add3A_15, %mul3A_2 : i32
      %scan3A_33 = arith.constant 0 : i32
      %scan3A_34 = arith.constant 0 : i32
      %scan3A_35 = arith.constant 8 : i32
      %scan3A_36 = arith.addi %scan3A_34, %scan3A_35 : i32
      %scan3A_37 = arith.constant 1 : i32
      scf.for %scan3A_51 = %scan3A_34 to %scan3A_36 step %scan3A_37  : i32 {
        %mul3A_52 = arith.constant 32 : i32
        %mul3A_53 = arith.muli %scan3A_51, %mul3A_52 : i32
        %broadcast_in_dim3A = arith.constant 10239 : i32
        %broadcast_in_dim3A_54 = vector.broadcast %broadcast_in_dim3A : i32 to vector<16xi32>
        %swap3A = arith.index_cast %mul3A_53 : i32 to index
        %swap3A_55 = tpu.vector_load %arg10[%swap3A] {strides = array<i32>} : memref<256xi32, #tpu.memory_space<vmem>>, vector<16xi32>,
        tpu.vector_store %arg10[%swap3A], %broadcast_in_dim3A_54 {strides = array<i32>} : memref<256xi32, #tpu.memory_space<vmem>>, vector<16xi32>,
        %add3A_56 = arith.constant 16 : i32
        %add3A_57 = arith.addi %mul3A_53, %add3A_56 : i32
        %swap3A_58 = arith.index_cast %add3A_57 : i32 to index
        %swap3A_59 = tpu.vector_load %arg10[%swap3A_58] {strides = array<i32>} : memref<256xi32, #tpu.memory_space<vmem>>, vector<16xi32>,
        tpu.vector_store %arg10[%swap3A_58], %broadcast_in_dim3A_54 {strides = array<i32>} : memref<256xi32, #tpu.memory_space<vmem>>, vector<16xi32>,
        %mul3A_60 = arith.constant 16 : i32
        %mul3A_61 = arith.muli %scan3A_51, %mul3A_60 : i32
        %get3A = arith.index_cast %mul3A_61 : i32 to index
        %get3A_62 = tpu.vector_load %arg8[%get3A] {strides = array<i32>} : memref<128xi32, #tpu.memory_space<vmem>>, vector<16xi32>,
        %eq3A = arith.constant 0 : i32
        %eq3A_63 = vector.broadcast %eq3A : i32 to vector<16xi32>
        %eq3A_64 = arith.cmpi eq, %iota3A, %eq3A_63 : vector<16xi32>
        %jit3A = arith.constant 0 : i32
        %broadcast_in_dim3A_65 = vector.broadcast %jit3A : i32 to vector<16xi32>
        %select_n3A = arith.select %eq3A_64, %get3A_62, %broadcast_in_dim3A_65 : vector<16xi1>, vector<16xi32>
        %reduce_max3A = arith.constant true
        %reduce_max3A_66 = vector.broadcast %reduce_max3A : i1 to vector<16xi1>
        %reduce_max3A_67 = arith.constant -2147483648 : i32
        %reduce_max3A_68 = vector.broadcast %reduce_max3A_67 : i32 to vector<16xi32>
        %reduce_max3A_69 = arith.xori %select_n3A, %reduce_max3A_68 : vector<16xi32>
        %reduce_max3A_70 = tpu.scan <max>, %reduce_max3A_69 masked %reduce_max3A_66 : vector<16xi32>, vector<16xi1> -> vector<16xi32>
        %reduce_max3A_71 = arith.xori %reduce_max3A_70, %reduce_max3A_68 : vector<16xi32>
        %reduce_max3A_72 = vector.extract %reduce_max3A_71[15] : i32 from vector<16xi32>
        %while3A = arith.constant 0 : i32
        %while3A_73:2 = scf.while (%while3A_116 = %reduce_max3A_72, %while3A_117 = %while3A) : (i32, i32) -> (i32, i32) {
          %ne3A = arith.constant 0 : i32
          %ne3A_118 = arith.cmpi ne, %while3A_116, %ne3A : i32
          %lt3A = arith.constant 32 : i32
          %lt3A_119 = arith.cmpi slt, %while3A_117, %lt3A : i32
          %and3A_120 = arith.andi %ne3A_118, %lt3A_119 : i1
          scf.condition(%and3A_120) %while3A_116, %while3A_117 : i32, i32
        } do {
        ^bb0(%while3A_116: i32, %while3A_117: i32):
          %shift_right_arithmetic3A = vector.broadcast %while3A_116 : i32 to vector<16xi32>
          %shift_right_arithmetic3A_118 = arith.shrsi %shift_right_arithmetic3A, %iota3A : vector<16xi32>
          %and3A_119 = arith.constant 1 : i32
          %and3A_120 = vector.broadcast %and3A_119 : i32 to vector<16xi32>
          %and3A_121 = arith.andi %shift_right_arithmetic3A_118, %and3A_120 : vector<16xi32>
          %eq3A_122 = arith.constant 1 : i32
          %eq3A_123 = vector.broadcast %eq3A_122 : i32 to vector<16xi32>
          %eq3A_124 = arith.cmpi eq, %and3A_121, %eq3A_123 : vector<16xi32>
          %all_reduce_ffs3A = tpu.all_reduce %eq3A_124 {dim = 0 : i64, kind = #tpu.reduction_kind<find_first_set>} : vector<16xi1> -> vector<16xi32>
          %reduce_max3A_125 = arith.constant true
          %reduce_max3A_126 = vector.broadcast %reduce_max3A_125 : i1 to vector<16xi1>
          %reduce_max3A_127 = arith.constant -2147483648 : i32
          %reduce_max3A_128 = vector.broadcast %reduce_max3A_127 : i32 to vector<16xi32>
          %reduce_max3A_129 = arith.xori %all_reduce_ffs3A, %reduce_max3A_128 : vector<16xi32>
          %reduce_max3A_130 = tpu.scan <max>, %reduce_max3A_129 masked %reduce_max3A_126 : vector<16xi32>, vector<16xi1> -> vector<16xi32>
          %reduce_max3A_131 = arith.xori %reduce_max3A_130, %reduce_max3A_128 : vector<16xi32>
          %reduce_max3A_132 = vector.extract %reduce_max3A_131[15] : i32 from vector<16xi32>
          %add3A_133 = arith.constant 0 : i32
          %add3A_134 = arith.addi %add3A_133, %reduce_max3A_132 : i32
          %mul3A_135 = arith.constant 640 : i32
          %mul3A_136 = arith.muli %scan3A_51, %mul3A_135 : i32
          %mul3A_137 = arith.constant 16 : i32
          %mul3A_138 = arith.muli %add3A_134, %mul3A_137 : i32
          %add3A_139 = arith.addi %mul3A_136, %mul3A_138 : i32
          %get3A_140 = arith.index_cast %add3A_139 : i32 to index
          %get3A_141 = tpu.vector_load %arg7[%get3A_140] {strides = array<i32>} : memref<5120xi32, #tpu.memory_space<vmem>>, vector<16xi32>,
          %ne3A = arith.constant 0 : i32
          %ne3A_142 = vector.broadcast %ne3A : i32 to vector<16xi32>
          %ne3A_143 = arith.cmpi ne, %get3A_141, %ne3A_142 : vector<16xi32>
          %shift_left3A = arith.constant 1 : i32
          %shift_left3A_144 = vector.broadcast %shift_left3A : i32 to vector<16xi32>
          %shift_left3A_145 = arith.shli %shift_left3A_144, %iota3A : vector<16xi32>
          %jit3A_146 = arith.constant 0 : i32
          %broadcast_in_dim3A_147 = vector.broadcast %jit3A_146 : i32 to vector<16xi32>
          %select_n3A_148 = arith.select %ne3A_143, %shift_left3A_145, %broadcast_in_dim3A_147 : vector<16xi1>, vector<16xi32>
          %reduce_sum3A = arith.constant true
          %reduce_sum3A_149 = vector.broadcast %reduce_sum3A : i1 to vector<16xi1>
          %reduce_sum3A_150 = tpu.scan <sum>, %select_n3A_148 masked %reduce_sum3A_149 : vector<16xi32>, vector<16xi1> -> vector<16xi32>
          %reduce_sum3A_151 = vector.extract %reduce_sum3A_150[15] : i32 from vector<16xi32>
          %while3A_152:2 = scf.while (%while3A_156 = %reduce_sum3A_151, %while3A_157 = %while3A_117) : (i32, i32) -> (i32, i32) {
            %ne3A_158 = arith.constant 0 : i32
            %ne3A_159 = arith.cmpi ne, %while3A_156, %ne3A_158 : i32
            %lt3A = arith.constant 32 : i32
            %lt3A_160 = arith.cmpi slt, %while3A_157, %lt3A : i32
            %and3A_161 = arith.andi %ne3A_159, %lt3A_160 : i1
            scf.condition(%and3A_161) %while3A_156, %while3A_157 : i32, i32
          } do {
          ^bb0(%while3A_156: i32, %while3A_157: i32):
            %shift_right_arithmetic3A_158 = vector.broadcast %while3A_156 : i32 to vector<16xi32>
            %shift_right_arithmetic3A_159 = arith.shrsi %shift_right_arithmetic3A_158, %iota3A : vector<16xi32>
            %and3A_160 = arith.constant 1 : i32
            %and3A_161 = vector.broadcast %and3A_160 : i32 to vector<16xi32>
            %and3A_162 = arith.andi %shift_right_arithmetic3A_159, %and3A_161 : vector<16xi32>
            %eq3A_163 = arith.constant 1 : i32
            %eq3A_164 = vector.broadcast %eq3A_163 : i32 to vector<16xi32>
            %eq3A_165 = arith.cmpi eq, %and3A_162, %eq3A_164 : vector<16xi32>
            %all_reduce_ffs3A_166 = tpu.all_reduce %eq3A_165 {dim = 0 : i64, kind = #tpu.reduction_kind<find_first_set>} : vector<16xi1> -> vector<16xi32>
            %eq3A_167 = arith.cmpi eq, %iota3A, %all_reduce_ffs3A_166 : vector<16xi32>
            %jit3A_168 = arith.constant 0 : i32
            %broadcast_in_dim3A_169 = vector.broadcast %jit3A_168 : i32 to vector<16xi32>
            %select_n3A_170 = arith.select %eq3A_167, %get3A_141, %broadcast_in_dim3A_169 : vector<16xi1>, vector<16xi32>
            %reduce_max3A_171 = arith.constant true
            %reduce_max3A_172 = vector.broadcast %reduce_max3A_171 : i1 to vector<16xi1>
            %reduce_max3A_173 = arith.constant -2147483648 : i32
            %reduce_max3A_174 = vector.broadcast %reduce_max3A_173 : i32 to vector<16xi32>
            %reduce_max3A_175 = arith.xori %select_n3A_170, %reduce_max3A_174 : vector<16xi32>
            %reduce_max3A_176 = tpu.scan <max>, %reduce_max3A_175 masked %reduce_max3A_172 : vector<16xi32>, vector<16xi1> -> vector<16xi32>
            %reduce_max3A_177 = arith.xori %reduce_max3A_176, %reduce_max3A_174 : vector<16xi32>
            %reduce_max3A_178 = vector.extract %reduce_max3A_177[15] : i32 from vector<16xi32>
            %mul3A_179 = arith.constant 16 : i32
            %mul3A_180 = arith.muli %add3A_134, %mul3A_179 : i32
            %add3A_181 = vector.broadcast %mul3A_180 : i32 to vector<16xi32>
            %add3A_182 = arith.addi %add3A_181, %all_reduce_ffs3A_166 : vector<16xi32>
            %mul3A_183 = arith.constant 16 : i32
            %mul3A_184 = vector.broadcast %mul3A_183 : i32 to vector<16xi32>
            %mul3A_185 = arith.muli %add3A_182, %mul3A_184 : vector<16xi32>
            %while3A_186:2 = scf.while (%while3A_190 = %reduce_max3A_178, %while3A_191 = %while3A_157) : (i32, i32) -> (i32, i32) {
              %ne3A_192 = arith.constant 0 : i32
              %ne3A_193 = arith.cmpi ne, %while3A_190, %ne3A_192 : i32
              %lt3A = arith.constant 32 : i32
              %lt3A_194 = arith.cmpi slt, %while3A_191, %lt3A : i32
              %and3A_195 = arith.andi %ne3A_193, %lt3A_194 : i1
              scf.condition(%and3A_195) %while3A_190, %while3A_191 : i32, i32
            } do {
            ^bb0(%while3A_190: i32, %while3A_191: i32):
              %shift_right_arithmetic3A_192 = vector.broadcast %while3A_190 : i32 to vector<16xi32>
              %shift_right_arithmetic3A_193 = arith.shrsi %shift_right_arithmetic3A_192, %iota3A : vector<16xi32>
              %and3A_194 = arith.constant 1 : i32
              %and3A_195 = vector.broadcast %and3A_194 : i32 to vector<16xi32>
              %and3A_196 = arith.andi %shift_right_arithmetic3A_193, %and3A_195 : vector<16xi32>
              %eq3A_197 = arith.constant 1 : i32
              %eq3A_198 = vector.broadcast %eq3A_197 : i32 to vector<16xi32>
              %eq3A_199 = arith.cmpi eq, %and3A_196, %eq3A_198 : vector<16xi32>
              %all_reduce_ffs3A_200 = tpu.all_reduce %eq3A_199 {dim = 0 : i64, kind = #tpu.reduction_kind<find_first_set>} : vector<16xi1> -> vector<16xi32>
              %add3A_201 = arith.addi %mul3A_185, %all_reduce_ffs3A_200 : vector<16xi32>
              %and3A_202 = arith.constant -16 : i32
              %and3A_203 = arith.andi %while3A_191, %and3A_202 : i32
              %add3A_204 = arith.addi %mul3A_53, %and3A_203 : i32
              %get3A_205 = arith.index_cast %add3A_204 : i32 to index
              %get3A_206 = tpu.vector_load %arg10[%get3A_205] {strides = array<i32>} : memref<256xi32, #tpu.memory_space<vmem>>, vector<16xi32>,
              %and3A_207 = arith.constant 15 : i32
              %and3A_208 = arith.andi %while3A_191, %and3A_207 : i32
              %eq3A_209 = vector.broadcast %and3A_208 : i32 to vector<16xi32>
              %eq3A_210 = arith.cmpi eq, %iota3A, %eq3A_209 : vector<16xi32>
              %select_n3A_211 = arith.select %eq3A_210, %add3A_201, %get3A_206 : vector<16xi1>, vector<16xi32>
              %swap3A_212 = arith.index_cast %add3A_204 : i32 to index
              %swap3A_213 = tpu.vector_load %arg10[%swap3A_212] {strides = array<i32>} : memref<256xi32, #tpu.memory_space<vmem>>, vector<16xi32>,
              tpu.vector_store %arg10[%swap3A_212], %select_n3A_211 {strides = array<i32>} : memref<256xi32, #tpu.memory_space<vmem>>, vector<16xi32>,
              %sub3A_214 = arith.constant 1 : i32
              %sub3A_215 = arith.subi %while3A_190, %sub3A_214 : i32
              %and3A_216 = arith.andi %while3A_190, %sub3A_215 : i32
              %add3A_217 = arith.constant 1 : i32
              %add3A_218 = arith.addi %while3A_191, %add3A_217 : i32
              scf.yield %and3A_216, %add3A_218 : i32, i32
            }
            %sub3A_187 = arith.constant 1 : i32
            %sub3A_188 = arith.subi %while3A_156, %sub3A_187 : i32
            %and3A_189 = arith.andi %while3A_156, %sub3A_188 : i32
            scf.yield %and3A_189, %while3A_186#1 : i32, i32
          }
          %sub3A_153 = arith.constant 1 : i32
          %sub3A_154 = arith.subi %while3A_116, %sub3A_153 : i32
          %and3A_155 = arith.andi %while3A_116, %sub3A_154 : i32
          scf.yield %and3A_155, %while3A_152#1 : i32, i32
        }
        %eq3A_74 = arith.constant 1 : i32
        %eq3A_75 = vector.broadcast %eq3A_74 : i32 to vector<16xi32>
        %eq3A_76 = arith.cmpi eq, %iota3A, %eq3A_75 : vector<16xi32>
        %jit3A_77 = arith.constant 0 : i32
        %broadcast_in_dim3A_78 = vector.broadcast %jit3A_77 : i32 to vector<16xi32>
        %select_n3A_79 = arith.select %eq3A_76, %get3A_62, %broadcast_in_dim3A_78 : vector<16xi1>, vector<16xi32>
        %reduce_max3A_80 = arith.constant true
        %reduce_max3A_81 = vector.broadcast %reduce_max3A_80 : i1 to vector<16xi1>
        %reduce_max3A_82 = arith.constant -2147483648 : i32
        %reduce_max3A_83 = vector.broadcast %reduce_max3A_82 : i32 to vector<16xi32>
        %reduce_max3A_84 = arith.xori %select_n3A_79, %reduce_max3A_83 : vector<16xi32>
        %reduce_max3A_85 = tpu.scan <max>, %reduce_max3A_84 masked %reduce_max3A_81 : vector<16xi32>, vector<16xi1> -> vector<16xi32>
        %reduce_max3A_86 = arith.xori %reduce_max3A_85, %reduce_max3A_83 : vector<16xi32>
        %reduce_max3A_87 = vector.extract %reduce_max3A_86[15] : i32 from vector<16xi32>
        %while3A_88:2 = scf.while (%while3A_116 = %reduce_max3A_87, %while3A_117 = %while3A_73#1) : (i32, i32) -> (i32, i32) {
          %ne3A = arith.constant 0 : i32
          %ne3A_118 = arith.cmpi ne, %while3A_116, %ne3A : i32
          %lt3A = arith.constant 32 : i32
          %lt3A_119 = arith.cmpi slt, %while3A_117, %lt3A : i32
          %and3A_120 = arith.andi %ne3A_118, %lt3A_119 : i1
          scf.condition(%and3A_120) %while3A_116, %while3A_117 : i32, i32
        } do {
        ^bb0(%while3A_116: i32, %while3A_117: i32):
          %shift_right_arithmetic3A = vector.broadcast %while3A_116 : i32 to vector<16xi32>
          %shift_right_arithmetic3A_118 = arith.shrsi %shift_right_arithmetic3A, %iota3A : vector<16xi32>
          %and3A_119 = arith.constant 1 : i32
          %and3A_120 = vector.broadcast %and3A_119 : i32 to vector<16xi32>
          %and3A_121 = arith.andi %shift_right_arithmetic3A_118, %and3A_120 : vector<16xi32>
          %eq3A_122 = arith.constant 1 : i32
          %eq3A_123 = vector.broadcast %eq3A_122 : i32 to vector<16xi32>
          %eq3A_124 = arith.cmpi eq, %and3A_121, %eq3A_123 : vector<16xi32>
          %all_reduce_ffs3A = tpu.all_reduce %eq3A_124 {dim = 0 : i64, kind = #tpu.reduction_kind<find_first_set>} : vector<16xi1> -> vector<16xi32>
          %reduce_max3A_125 = arith.constant true
          %reduce_max3A_126 = vector.broadcast %reduce_max3A_125 : i1 to vector<16xi1>
          %reduce_max3A_127 = arith.constant -2147483648 : i32
          %reduce_max3A_128 = vector.broadcast %reduce_max3A_127 : i32 to vector<16xi32>
          %reduce_max3A_129 = arith.xori %all_reduce_ffs3A, %reduce_max3A_128 : vector<16xi32>
          %reduce_max3A_130 = tpu.scan <max>, %reduce_max3A_129 masked %reduce_max3A_126 : vector<16xi32>, vector<16xi1> -> vector<16xi32>
          %reduce_max3A_131 = arith.xori %reduce_max3A_130, %reduce_max3A_128 : vector<16xi32>
          %reduce_max3A_132 = vector.extract %reduce_max3A_131[15] : i32 from vector<16xi32>
          %add3A_133 = arith.constant 16 : i32
          %add3A_134 = arith.addi %add3A_133, %reduce_max3A_132 : i32
          %mul3A_135 = arith.constant 640 : i32
          %mul3A_136 = arith.muli %scan3A_51, %mul3A_135 : i32
          %mul3A_137 = arith.constant 16 : i32
          %mul3A_138 = arith.muli %add3A_134, %mul3A_137 : i32
          %add3A_139 = arith.addi %mul3A_136, %mul3A_138 : i32
          %get3A_140 = arith.index_cast %add3A_139 : i32 to index
          %get3A_141 = tpu.vector_load %arg7[%get3A_140] {strides = array<i32>} : memref<5120xi32, #tpu.memory_space<vmem>>, vector<16xi32>,
          %ne3A = arith.constant 0 : i32
          %ne3A_142 = vector.broadcast %ne3A : i32 to vector<16xi32>
          %ne3A_143 = arith.cmpi ne, %get3A_141, %ne3A_142 : vector<16xi32>
          %shift_left3A = arith.constant 1 : i32
          %shift_left3A_144 = vector.broadcast %shift_left3A : i32 to vector<16xi32>
          %shift_left3A_145 = arith.shli %shift_left3A_144, %iota3A : vector<16xi32>
          %jit3A_146 = arith.constant 0 : i32
          %broadcast_in_dim3A_147 = vector.broadcast %jit3A_146 : i32 to vector<16xi32>
          %select_n3A_148 = arith.select %ne3A_143, %shift_left3A_145, %broadcast_in_dim3A_147 : vector<16xi1>, vector<16xi32>
          %reduce_sum3A = arith.constant true
          %reduce_sum3A_149 = vector.broadcast %reduce_sum3A : i1 to vector<16xi1>
          %reduce_sum3A_150 = tpu.scan <sum>, %select_n3A_148 masked %reduce_sum3A_149 : vector<16xi32>, vector<16xi1> -> vector<16xi32>
          %reduce_sum3A_151 = vector.extract %reduce_sum3A_150[15] : i32 from vector<16xi32>
          %while3A_152:2 = scf.while (%while3A_156 = %reduce_sum3A_151, %while3A_157 = %while3A_117) : (i32, i32) -> (i32, i32) {
            %ne3A_158 = arith.constant 0 : i32
            %ne3A_159 = arith.cmpi ne, %while3A_156, %ne3A_158 : i32
            %lt3A = arith.constant 32 : i32
            %lt3A_160 = arith.cmpi slt, %while3A_157, %lt3A : i32
            %and3A_161 = arith.andi %ne3A_159, %lt3A_160 : i1
            scf.condition(%and3A_161) %while3A_156, %while3A_157 : i32, i32
          } do {
          ^bb0(%while3A_156: i32, %while3A_157: i32):
            %shift_right_arithmetic3A_158 = vector.broadcast %while3A_156 : i32 to vector<16xi32>
            %shift_right_arithmetic3A_159 = arith.shrsi %shift_right_arithmetic3A_158, %iota3A : vector<16xi32>
            %and3A_160 = arith.constant 1 : i32
            %and3A_161 = vector.broadcast %and3A_160 : i32 to vector<16xi32>
            %and3A_162 = arith.andi %shift_right_arithmetic3A_159, %and3A_161 : vector<16xi32>
            %eq3A_163 = arith.constant 1 : i32
            %eq3A_164 = vector.broadcast %eq3A_163 : i32 to vector<16xi32>
            %eq3A_165 = arith.cmpi eq, %and3A_162, %eq3A_164 : vector<16xi32>
            %all_reduce_ffs3A_166 = tpu.all_reduce %eq3A_165 {dim = 0 : i64, kind = #tpu.reduction_kind<find_first_set>} : vector<16xi1> -> vector<16xi32>
            %eq3A_167 = arith.cmpi eq, %iota3A, %all_reduce_ffs3A_166 : vector<16xi32>
            %jit3A_168 = arith.constant 0 : i32
            %broadcast_in_dim3A_169 = vector.broadcast %jit3A_168 : i32 to vector<16xi32>
            %select_n3A_170 = arith.select %eq3A_167, %get3A_141, %broadcast_in_dim3A_169 : vector<16xi1>, vector<16xi32>
            %reduce_max3A_171 = arith.constant true
            %reduce_max3A_172 = vector.broadcast %reduce_max3A_171 : i1 to vector<16xi1>
            %reduce_max3A_173 = arith.constant -2147483648 : i32
            %reduce_max3A_174 = vector.broadcast %reduce_max3A_173 : i32 to vector<16xi32>
            %reduce_max3A_175 = arith.xori %select_n3A_170, %reduce_max3A_174 : vector<16xi32>
            %reduce_max3A_176 = tpu.scan <max>, %reduce_max3A_175 masked %reduce_max3A_172 : vector<16xi32>, vector<16xi1> -> vector<16xi32>
            %reduce_max3A_177 = arith.xori %reduce_max3A_176, %reduce_max3A_174 : vector<16xi32>
            %reduce_max3A_178 = vector.extract %reduce_max3A_177[15] : i32 from vector<16xi32>
            %mul3A_179 = arith.constant 16 : i32
            %mul3A_180 = arith.muli %add3A_134, %mul3A_179 : i32
            %add3A_181 = vector.broadcast %mul3A_180 : i32 to vector<16xi32>
            %add3A_182 = arith.addi %add3A_181, %all_reduce_ffs3A_166 : vector<16xi32>
            %mul3A_183 = arith.constant 16 : i32
            %mul3A_184 = vector.broadcast %mul3A_183 : i32 to vector<16xi32>
            %mul3A_185 = arith.muli %add3A_182, %mul3A_184 : vector<16xi32>
            %while3A_186:2 = scf.while (%while3A_190 = %reduce_max3A_178, %while3A_191 = %while3A_157) : (i32, i32) -> (i32, i32) {
              %ne3A_192 = arith.constant 0 : i32
              %ne3A_193 = arith.cmpi ne, %while3A_190, %ne3A_192 : i32
              %lt3A = arith.constant 32 : i32
              %lt3A_194 = arith.cmpi slt, %while3A_191, %lt3A : i32
              %and3A_195 = arith.andi %ne3A_193, %lt3A_194 : i1
              scf.condition(%and3A_195) %while3A_190, %while3A_191 : i32, i32
            } do {
            ^bb0(%while3A_190: i32, %while3A_191: i32):
              %shift_right_arithmetic3A_192 = vector.broadcast %while3A_190 : i32 to vector<16xi32>
              %shift_right_arithmetic3A_193 = arith.shrsi %shift_right_arithmetic3A_192, %iota3A : vector<16xi32>
              %and3A_194 = arith.constant 1 : i32
              %and3A_195 = vector.broadcast %and3A_194 : i32 to vector<16xi32>
              %and3A_196 = arith.andi %shift_right_arithmetic3A_193, %and3A_195 : vector<16xi32>
              %eq3A_197 = arith.constant 1 : i32
              %eq3A_198 = vector.broadcast %eq3A_197 : i32 to vector<16xi32>
              %eq3A_199 = arith.cmpi eq, %and3A_196, %eq3A_198 : vector<16xi32>
              %all_reduce_ffs3A_200 = tpu.all_reduce %eq3A_199 {dim = 0 : i64, kind = #tpu.reduction_kind<find_first_set>} : vector<16xi1> -> vector<16xi32>
              %add3A_201 = arith.addi %mul3A_185, %all_reduce_ffs3A_200 : vector<16xi32>
              %and3A_202 = arith.constant -16 : i32
              %and3A_203 = arith.andi %while3A_191, %and3A_202 : i32
              %add3A_204 = arith.addi %mul3A_53, %and3A_203 : i32
              %get3A_205 = arith.index_cast %add3A_204 : i32 to index
              %get3A_206 = tpu.vector_load %arg10[%get3A_205] {strides = array<i32>} : memref<256xi32, #tpu.memory_space<vmem>>, vector<16xi32>,
              %and3A_207 = arith.constant 15 : i32
              %and3A_208 = arith.andi %while3A_191, %and3A_207 : i32
              %eq3A_209 = vector.broadcast %and3A_208 : i32 to vector<16xi32>
              %eq3A_210 = arith.cmpi eq, %iota3A, %eq3A_209 : vector<16xi32>
              %select_n3A_211 = arith.select %eq3A_210, %add3A_201, %get3A_206 : vector<16xi1>, vector<16xi32>
              %swap3A_212 = arith.index_cast %add3A_204 : i32 to index
              %swap3A_213 = tpu.vector_load %arg10[%swap3A_212] {strides = array<i32>} : memref<256xi32, #tpu.memory_space<vmem>>, vector<16xi32>,
              tpu.vector_store %arg10[%swap3A_212], %select_n3A_211 {strides = array<i32>} : memref<256xi32, #tpu.memory_space<vmem>>, vector<16xi32>,
              %sub3A_214 = arith.constant 1 : i32
              %sub3A_215 = arith.subi %while3A_190, %sub3A_214 : i32
              %and3A_216 = arith.andi %while3A_190, %sub3A_215 : i32
              %add3A_217 = arith.constant 1 : i32
              %add3A_218 = arith.addi %while3A_191, %add3A_217 : i32
              scf.yield %and3A_216, %add3A_218 : i32, i32
            }
            %sub3A_187 = arith.constant 1 : i32
            %sub3A_188 = arith.subi %while3A_156, %sub3A_187 : i32
            %and3A_189 = arith.andi %while3A_156, %sub3A_188 : i32
            scf.yield %and3A_189, %while3A_186#1 : i32, i32
          }
          %sub3A_153 = arith.constant 1 : i32
          %sub3A_154 = arith.subi %while3A_116, %sub3A_153 : i32
          %and3A_155 = arith.andi %while3A_116, %sub3A_154 : i32
          scf.yield %and3A_155, %while3A_152#1 : i32, i32
        }
        %eq3A_89 = arith.constant 2 : i32
        %eq3A_90 = vector.broadcast %eq3A_89 : i32 to vector<16xi32>
        %eq3A_91 = arith.cmpi eq, %iota3A, %eq3A_90 : vector<16xi32>
        %jit3A_92 = arith.constant 0 : i32
        %broadcast_in_dim3A_93 = vector.broadcast %jit3A_92 : i32 to vector<16xi32>
        %select_n3A_94 = arith.select %eq3A_91, %get3A_62, %broadcast_in_dim3A_93 : vector<16xi1>, vector<16xi32>
        %reduce_max3A_95 = arith.constant true
        %reduce_max3A_96 = vector.broadcast %reduce_max3A_95 : i1 to vector<16xi1>
        %reduce_max3A_97 = arith.constant -2147483648 : i32
        %reduce_max3A_98 = vector.broadcast %reduce_max3A_97 : i32 to vector<16xi32>
        %reduce_max3A_99 = arith.xori %select_n3A_94, %reduce_max3A_98 : vector<16xi32>
        %reduce_max3A_100 = tpu.scan <max>, %reduce_max3A_99 masked %reduce_max3A_96 : vector<16xi32>, vector<16xi1> -> vector<16xi32>
        %reduce_max3A_101 = arith.xori %reduce_max3A_100, %reduce_max3A_98 : vector<16xi32>
        %reduce_max3A_102 = vector.extract %reduce_max3A_101[15] : i32 from vector<16xi32>
        %while3A_103:2 = scf.while (%while3A_116 = %reduce_max3A_102, %while3A_117 = %while3A_88#1) : (i32, i32) -> (i32, i32) {
          %ne3A = arith.constant 0 : i32
          %ne3A_118 = arith.cmpi ne, %while3A_116, %ne3A : i32
          %lt3A = arith.constant 32 : i32
          %lt3A_119 = arith.cmpi slt, %while3A_117, %lt3A : i32
          %and3A_120 = arith.andi %ne3A_118, %lt3A_119 : i1
          scf.condition(%and3A_120) %while3A_116, %while3A_117 : i32, i32
        } do {
        ^bb0(%while3A_116: i32, %while3A_117: i32):
          %shift_right_arithmetic3A = vector.broadcast %while3A_116 : i32 to vector<16xi32>
          %shift_right_arithmetic3A_118 = arith.shrsi %shift_right_arithmetic3A, %iota3A : vector<16xi32>
          %and3A_119 = arith.constant 1 : i32
          %and3A_120 = vector.broadcast %and3A_119 : i32 to vector<16xi32>
          %and3A_121 = arith.andi %shift_right_arithmetic3A_118, %and3A_120 : vector<16xi32>
          %eq3A_122 = arith.constant 1 : i32
          %eq3A_123 = vector.broadcast %eq3A_122 : i32 to vector<16xi32>
          %eq3A_124 = arith.cmpi eq, %and3A_121, %eq3A_123 : vector<16xi32>
          %all_reduce_ffs3A = tpu.all_reduce %eq3A_124 {dim = 0 : i64, kind = #tpu.reduction_kind<find_first_set>} : vector<16xi1> -> vector<16xi32>
          %reduce_max3A_125 = arith.constant true
          %reduce_max3A_126 = vector.broadcast %reduce_max3A_125 : i1 to vector<16xi1>
          %reduce_max3A_127 = arith.constant -2147483648 : i32
          %reduce_max3A_128 = vector.broadcast %reduce_max3A_127 : i32 to vector<16xi32>
          %reduce_max3A_129 = arith.xori %all_reduce_ffs3A, %reduce_max3A_128 : vector<16xi32>
          %reduce_max3A_130 = tpu.scan <max>, %reduce_max3A_129 masked %reduce_max3A_126 : vector<16xi32>, vector<16xi1> -> vector<16xi32>
          %reduce_max3A_131 = arith.xori %reduce_max3A_130, %reduce_max3A_128 : vector<16xi32>
          %reduce_max3A_132 = vector.extract %reduce_max3A_131[15] : i32 from vector<16xi32>
          %add3A_133 = arith.constant 32 : i32
          %add3A_134 = arith.addi %add3A_133, %reduce_max3A_132 : i32
          %mul3A_135 = arith.constant 640 : i32
          %mul3A_136 = arith.muli %scan3A_51, %mul3A_135 : i32
          %mul3A_137 = arith.constant 16 : i32
          %mul3A_138 = arith.muli %add3A_134, %mul3A_137 : i32
          %add3A_139 = arith.addi %mul3A_136, %mul3A_138 : i32
          %get3A_140 = arith.index_cast %add3A_139 : i32 to index
          %get3A_141 = tpu.vector_load %arg7[%get3A_140] {strides = array<i32>} : memref<5120xi32, #tpu.memory_space<vmem>>, vector<16xi32>,
          %ne3A = arith.constant 0 : i32
          %ne3A_142 = vector.broadcast %ne3A : i32 to vector<16xi32>
          %ne3A_143 = arith.cmpi ne, %get3A_141, %ne3A_142 : vector<16xi32>
          %shift_left3A = arith.constant 1 : i32
          %shift_left3A_144 = vector.broadcast %shift_left3A : i32 to vector<16xi32>
          %shift_left3A_145 = arith.shli %shift_left3A_144, %iota3A : vector<16xi32>
          %jit3A_146 = arith.constant 0 : i32
          %broadcast_in_dim3A_147 = vector.broadcast %jit3A_146 : i32 to vector<16xi32>
          %select_n3A_148 = arith.select %ne3A_143, %shift_left3A_145, %broadcast_in_dim3A_147 : vector<16xi1>, vector<16xi32>
          %reduce_sum3A = arith.constant true
          %reduce_sum3A_149 = vector.broadcast %reduce_sum3A : i1 to vector<16xi1>
          %reduce_sum3A_150 = tpu.scan <sum>, %select_n3A_148 masked %reduce_sum3A_149 : vector<16xi32>, vector<16xi1> -> vector<16xi32>
          %reduce_sum3A_151 = vector.extract %reduce_sum3A_150[15] : i32 from vector<16xi32>
          %while3A_152:2 = scf.while (%while3A_156 = %reduce_sum3A_151, %while3A_157 = %while3A_117) : (i32, i32) -> (i32, i32) {
            %ne3A_158 = arith.constant 0 : i32
            %ne3A_159 = arith.cmpi ne, %while3A_156, %ne3A_158 : i32
            %lt3A = arith.constant 32 : i32
            %lt3A_160 = arith.cmpi slt, %while3A_157, %lt3A : i32
            %and3A_161 = arith.andi %ne3A_159, %lt3A_160 : i1
            scf.condition(%and3A_161) %while3A_156, %while3A_157 : i32, i32
          } do {
          ^bb0(%while3A_156: i32, %while3A_157: i32):
            %shift_right_arithmetic3A_158 = vector.broadcast %while3A_156 : i32 to vector<16xi32>
            %shift_right_arithmetic3A_159 = arith.shrsi %shift_right_arithmetic3A_158, %iota3A : vector<16xi32>
            %and3A_160 = arith.constant 1 : i32
            %and3A_161 = vector.broadcast %and3A_160 : i32 to vector<16xi32>
            %and3A_162 = arith.andi %shift_right_arithmetic3A_159, %and3A_161 : vector<16xi32>
            %eq3A_163 = arith.constant 1 : i32
            %eq3A_164 = vector.broadcast %eq3A_163 : i32 to vector<16xi32>
            %eq3A_165 = arith.cmpi eq, %and3A_162, %eq3A_164 : vector<16xi32>
            %all_reduce_ffs3A_166 = tpu.all_reduce %eq3A_165 {dim = 0 : i64, kind = #tpu.reduction_kind<find_first_set>} : vector<16xi1> -> vector<16xi32>
            %eq3A_167 = arith.cmpi eq, %iota3A, %all_reduce_ffs3A_166 : vector<16xi32>
            %jit3A_168 = arith.constant 0 : i32
            %broadcast_in_dim3A_169 = vector.broadcast %jit3A_168 : i32 to vector<16xi32>
            %select_n3A_170 = arith.select %eq3A_167, %get3A_141, %broadcast_in_dim3A_169 : vector<16xi1>, vector<16xi32>
            %reduce_max3A_171 = arith.constant true
            %reduce_max3A_172 = vector.broadcast %reduce_max3A_171 : i1 to vector<16xi1>
            %reduce_max3A_173 = arith.constant -2147483648 : i32
            %reduce_max3A_174 = vector.broadcast %reduce_max3A_173 : i32 to vector<16xi32>
            %reduce_max3A_175 = arith.xori %select_n3A_170, %reduce_max3A_174 : vector<16xi32>
            %reduce_max3A_176 = tpu.scan <max>, %reduce_max3A_175 masked %reduce_max3A_172 : vector<16xi32>, vector<16xi1> -> vector<16xi32>
            %reduce_max3A_177 = arith.xori %reduce_max3A_176, %reduce_max3A_174 : vector<16xi32>
            %reduce_max3A_178 = vector.extract %reduce_max3A_177[15] : i32 from vector<16xi32>
            %mul3A_179 = arith.constant 16 : i32
            %mul3A_180 = arith.muli %add3A_134, %mul3A_179 : i32
            %add3A_181 = vector.broadcast %mul3A_180 : i32 to vector<16xi32>
            %add3A_182 = arith.addi %add3A_181, %all_reduce_ffs3A_166 : vector<16xi32>
            %mul3A_183 = arith.constant 16 : i32
            %mul3A_184 = vector.broadcast %mul3A_183 : i32 to vector<16xi32>
            %mul3A_185 = arith.muli %add3A_182, %mul3A_184 : vector<16xi32>
            %while3A_186:2 = scf.while (%while3A_190 = %reduce_max3A_178, %while3A_191 = %while3A_157) : (i32, i32) -> (i32, i32) {
              %ne3A_192 = arith.constant 0 : i32
              %ne3A_193 = arith.cmpi ne, %while3A_190, %ne3A_192 : i32
              %lt3A = arith.constant 32 : i32
              %lt3A_194 = arith.cmpi slt, %while3A_191, %lt3A : i32
              %and3A_195 = arith.andi %ne3A_193, %lt3A_194 : i1
              scf.condition(%and3A_195) %while3A_190, %while3A_191 : i32, i32
            } do {
            ^bb0(%while3A_190: i32, %while3A_191: i32):
              %shift_right_arithmetic3A_192 = vector.broadcast %while3A_190 : i32 to vector<16xi32>
              %shift_right_arithmetic3A_193 = arith.shrsi %shift_right_arithmetic3A_192, %iota3A : vector<16xi32>
              %and3A_194 = arith.constant 1 : i32
              %and3A_195 = vector.broadcast %and3A_194 : i32 to vector<16xi32>
              %and3A_196 = arith.andi %shift_right_arithmetic3A_193, %and3A_195 : vector<16xi32>
              %eq3A_197 = arith.constant 1 : i32
              %eq3A_198 = vector.broadcast %eq3A_197 : i32 to vector<16xi32>
              %eq3A_199 = arith.cmpi eq, %and3A_196, %eq3A_198 : vector<16xi32>
              %all_reduce_ffs3A_200 = tpu.all_reduce %eq3A_199 {dim = 0 : i64, kind = #tpu.reduction_kind<find_first_set>} : vector<16xi1> -> vector<16xi32>
              %add3A_201 = arith.addi %mul3A_185, %all_reduce_ffs3A_200 : vector<16xi32>
              %and3A_202 = arith.constant -16 : i32
              %and3A_203 = arith.andi %while3A_191, %and3A_202 : i32
              %add3A_204 = arith.addi %mul3A_53, %and3A_203 : i32
              %get3A_205 = arith.index_cast %add3A_204 : i32 to index
              %get3A_206 = tpu.vector_load %arg10[%get3A_205] {strides = array<i32>} : memref<256xi32, #tpu.memory_space<vmem>>, vector<16xi32>,
              %and3A_207 = arith.constant 15 : i32
              %and3A_208 = arith.andi %while3A_191, %and3A_207 : i32
              %eq3A_209 = vector.broadcast %and3A_208 : i32 to vector<16xi32>
              %eq3A_210 = arith.cmpi eq, %iota3A, %eq3A_209 : vector<16xi32>
              %select_n3A_211 = arith.select %eq3A_210, %add3A_201, %get3A_206 : vector<16xi1>, vector<16xi32>
              %swap3A_212 = arith.index_cast %add3A_204 : i32 to index
              %swap3A_213 = tpu.vector_load %arg10[%swap3A_212] {strides = array<i32>} : memref<256xi32, #tpu.memory_space<vmem>>, vector<16xi32>,
              tpu.vector_store %arg10[%swap3A_212], %select_n3A_211 {strides = array<i32>} : memref<256xi32, #tpu.memory_space<vmem>>, vector<16xi32>,
              %sub3A_214 = arith.constant 1 : i32
              %sub3A_215 = arith.subi %while3A_190, %sub3A_214 : i32
              %and3A_216 = arith.andi %while3A_190, %sub3A_215 : i32
              %add3A_217 = arith.constant 1 : i32
              %add3A_218 = arith.addi %while3A_191, %add3A_217 : i32
              scf.yield %and3A_216, %add3A_218 : i32, i32
            }
            %sub3A_187 = arith.constant 1 : i32
            %sub3A_188 = arith.subi %while3A_156, %sub3A_187 : i32
            %and3A_189 = arith.andi %while3A_156, %sub3A_188 : i32
            scf.yield %and3A_189, %while3A_186#1 : i32, i32
          }
          %sub3A_153 = arith.constant 1 : i32
          %sub3A_154 = arith.subi %while3A_116, %sub3A_153 : i32
          %and3A_155 = arith.andi %while3A_116, %sub3A_154 : i32
          scf.yield %and3A_155, %while3A_152#1 : i32, i32
        }
        %add3A_104 = arith.addi %sub3A_32, %scan3A_51 : i32
        %and3A = arith.constant -16 : i32
        %and3A_105 = arith.andi %add3A_104, %and3A : i32
        %get3A_106 = arith.index_cast %and3A_105 : i32 to index
        %get3A_107 = tpu.vector_load %arg13[%get3A_106] {strides = array<i32>} : memref<320xf32, #tpu.memory_space<vmem>>, vector<16xf32>,
        %and3A_108 = arith.constant 15 : i32
        %and3A_109 = arith.andi %add3A_104, %and3A_108 : i32
        %eq3A_110 = vector.broadcast %and3A_109 : i32 to vector<16xi32>
        %eq3A_111 = arith.cmpi eq, %iota3A, %eq3A_110 : vector<16xi32>
        %convert_element_type3A = arith.sitofp %while3A_103#1 : i32 to f32
        %broadcast_in_dim3A_112 = vector.broadcast %convert_element_type3A : f32 to vector<16xf32>
        %select_n3A_113 = arith.select %eq3A_111, %broadcast_in_dim3A_112, %get3A_107 : vector<16xi1>, vector<16xf32>
        %swap3A_114 = arith.index_cast %and3A_105 : i32 to index
        %swap3A_115 = tpu.vector_load %arg13[%swap3A_114] {strides = array<i32>} : memref<320xf32, #tpu.memory_space<vmem>>, vector<16xf32>,
        tpu.vector_store %arg13[%swap3A_114], %select_n3A_113 {strides = array<i32>} : memref<320xf32, #tpu.memory_space<vmem>>, vector<16xf32>,
      }
      %scan3A_38 = arith.constant 8 : i32
      %dma_start3A_39 = arith.constant 0 : i32
      %dma_start3A_40 = arith.constant 0 : i32
      %dma_start3A_41 = tpu.memref_slice %arg4[%dma_start3A_39, %dma_start3A_40] : memref<10240x128xf32, #tpu.memory_space<hbm>> -> memref<10240x128xf32, #tpu.memory_space<hbm>>
      tpu.enqueue_indirect_dma source(%dma_start3A_41 : memref<10240x128xf32, #tpu.memory_space<hbm>>) target(%arg12 : memref<256x128xf32, #tpu.memory_space<vmem>>) offsets(%arg10 : memref<256xi32, #tpu.memory_space<vmem>>) semaphore(%arg15 : memref<!tpu.dma_semaphore, #tpu.memory_space<semaphore_mem>>)
      %dma_wait3A = arith.constant 0 : i32
      %dma_wait3A_42 = arith.constant 0 : i32
      %dma_wait3A_43 = tpu.memref_slice %arg4[%dma_wait3A, %dma_wait3A_42] : memref<10240x128xf32, #tpu.memory_space<hbm>> -> memref<10240x128xf32, #tpu.memory_space<hbm>>
      tpu.wait_indirect_dma semaphore(%arg14 : memref<!tpu.dma_semaphore, #tpu.memory_space<semaphore_mem>>) src(%dma_wait3A_43 : memref<10240x128xf32, #tpu.memory_space<hbm>>) dst(%arg11 : memref<256x128xf32, #tpu.memory_space<vmem>>)
      %mul3A_44 = arith.constant 32 : i32
      %mul3A_45 = arith.muli %add3A_13, %mul3A_44 : i32
      "tpu.region"() ({
        %run_scoped3A = tpu.sem_alloc : memref<!tpu.dma_semaphore, #tpu.memory_space<semaphore_mem>>
        %dma_start3A_51 = arith.constant 0 : i32
        %dma_start3A_52 = tpu.memref_slice %arg5[%mul3A_45, %dma_start3A_51] : memref<327680x128xf32, #tpu.memory_space<hbm>> -> memref<256x128xf32, #tpu.memory_space<hbm>>
        %dma_start3A_53 = arith.constant 0 : i32
        %dma_start3A_54 = tpu.memref_slice %arg5[%mul3A_45, %dma_start3A_53] : memref<327680x128xf32, #tpu.memory_space<hbm>> -> memref<256x128xf32, #tpu.memory_space<hbm>>
        tpu.enqueue_dma source(%arg11 : memref<256x128xf32, #tpu.memory_space<vmem>>) target(%dma_start3A_54 : memref<256x128xf32, #tpu.memory_space<hbm>>) target_semaphore(%run_scoped3A : memref<!tpu.dma_semaphore, #tpu.memory_space<semaphore_mem>>)
        %dma_wait3A_55 = arith.constant 0 : i32
        %dma_wait3A_56 = tpu.memref_slice %arg5[%mul3A_45, %dma_wait3A_55] : memref<327680x128xf32, #tpu.memory_space<hbm>> -> memref<256x128xf32, #tpu.memory_space<hbm>>
        %dma_wait3A_57 = arith.constant 0 : i32
        %dma_wait3A_58 = tpu.memref_slice %arg5[%mul3A_45, %dma_wait3A_57] : memref<327680x128xf32, #tpu.memory_space<hbm>> -> memref<256x128xf32, #tpu.memory_space<hbm>>
        tpu.wait_dma2 semaphore(%run_scoped3A : memref<!tpu.dma_semaphore, #tpu.memory_space<semaphore_mem>>) src(%arg11 : memref<256x128xf32, #tpu.memory_space<vmem>>) dst(%dma_wait3A_58 : memref<256x128xf32, #tpu.memory_space<hbm>>)
        tpu.yield
      }) : () -> ()
      %dma_wait3A_46 = arith.constant 0 : i32
      %dma_wait3A_47 = arith.constant 0 : i32
      %dma_wait3A_48 = tpu.memref_slice %arg4[%dma_wait3A_46, %dma_wait3A_47] : memref<10240x128xf32, #tpu.memory_space<hbm>> -> memref<10240x128xf32, #tpu.memory_space<hbm>>
      tpu.wait_indirect_dma semaphore(%arg15 : memref<!tpu.dma_semaphore, #tpu.memory_space<semaphore_mem>>) src(%dma_wait3A_48 : memref<10240x128xf32, #tpu.memory_space<hbm>>) dst(%arg12 : memref<256x128xf32, #tpu.memory_space<vmem>>)
      %mul3A_49 = arith.constant 32 : i32
      %mul3A_50 = arith.muli %add3A_15, %mul3A_49 : i32
      "tpu.region"() ({
        %run_scoped3A = tpu.sem_alloc : memref<!tpu.dma_semaphore, #tpu.memory_space<semaphore_mem>>
        %dma_start3A_51 = arith.constant 0 : i32
        %dma_start3A_52 = tpu.memref_slice %arg5[%mul3A_50, %dma_start3A_51] : memref<327680x128xf32, #tpu.memory_space<hbm>> -> memref<256x128xf32, #tpu.memory_space<hbm>>
        %dma_start3A_53 = arith.constant 0 : i32
        %dma_start3A_54 = tpu.memref_slice %arg5[%mul3A_50, %dma_start3A_53] : memref<327680x128xf32, #tpu.memory_space<hbm>> -> memref<256x128xf32, #tpu.memory_space<hbm>>
        tpu.enqueue_dma source(%arg12 : memref<256x128xf32, #tpu.memory_space<vmem>>) target(%dma_start3A_54 : memref<256x128xf32, #tpu.memory_space<hbm>>) target_semaphore(%run_scoped3A : memref<!tpu.dma_semaphore, #tpu.memory_space<semaphore_mem>>)
        %dma_wait3A_55 = arith.constant 0 : i32
        %dma_wait3A_56 = tpu.memref_slice %arg5[%mul3A_50, %dma_wait3A_55] : memref<327680x128xf32, #tpu.memory_space<hbm>> -> memref<256x128xf32, #tpu.memory_space<hbm>>
        %dma_wait3A_57 = arith.constant 0 : i32
        %dma_wait3A_58 = tpu.memref_slice %arg5[%mul3A_50, %dma_wait3A_57] : memref<327680x128xf32, #tpu.memory_space<hbm>> -> memref<256x128xf32, #tpu.memory_space<hbm>>
        tpu.wait_dma2 semaphore(%run_scoped3A : memref<!tpu.dma_semaphore, #tpu.memory_space<semaphore_mem>>) src(%arg12 : memref<256x128xf32, #tpu.memory_space<vmem>>) dst(%dma_wait3A_58 : memref<256x128xf32, #tpu.memory_space<hbm>>)
        tpu.yield
      }) : () -> ()
    }
    %scan3A_7 = arith.constant 20 : i32
    "tpu.region"() ({
      %run_scoped3A = tpu.sem_alloc : memref<!tpu.dma_semaphore, #tpu.memory_space<semaphore_mem>>
      %dma_start3A = tpu.memref_slice %arg6[%mul3A_2] : memref<10240xf32, #tpu.memory_space<hbm>> -> memref<320xf32, #tpu.memory_space<hbm>>
      %dma_start3A_8 = tpu.memref_slice %arg6[%mul3A_2] : memref<10240xf32, #tpu.memory_space<hbm>> -> memref<320xf32, #tpu.memory_space<hbm>>
      tpu.enqueue_dma source(%arg13 : memref<320xf32, #tpu.memory_space<vmem>>) target(%dma_start3A_8 : memref<320xf32, #tpu.memory_space<hbm>>) target_semaphore(%run_scoped3A : memref<!tpu.dma_semaphore, #tpu.memory_space<semaphore_mem>>)
      %dma_wait3A = tpu.memref_slice %arg6[%mul3A_2] : memref<10240xf32, #tpu.memory_space<hbm>> -> memref<320xf32, #tpu.memory_space<hbm>>
      %dma_wait3A_9 = tpu.memref_slice %arg6[%mul3A_2] : memref<10240xf32, #tpu.memory_space<hbm>> -> memref<320xf32, #tpu.memory_space<hbm>>
      tpu.wait_dma2 semaphore(%run_scoped3A : memref<!tpu.dma_semaphore, #tpu.memory_space<semaphore_mem>>) src(%arg13 : memref<320xf32, #tpu.memory_space<vmem>>) dst(%dma_wait3A_9 : memref<320xf32, #tpu.memory_space<hbm>>)
      tpu.yield
    }) : () -> ()
    return
  }
}

module attributes {stable_mosaic.version = 14 : i64} {
  func.func @_sweep_body(%arg0: i32, %arg1: memref<8x8xf32, #tpu.memory_space<vmem>>, %arg2: memref<8x10240xf32, #tpu.memory_space<vmem>>, %arg3: memref<1024x64xf32, #tpu.memory_space<vmem>>, %arg4: memref<8x640xi32, #tpu.memory_space<vmem>>, %arg5: memref<8x16xi32, #tpu.memory_space<vmem>>) attributes {dimension_semantics = [#tpu.dimension_semantics<arbitrary>], iteration_bounds = array<i64: 1280>, scalar_prefetch = 0 : i64, scratch_operands = 0 : i64, tpu.core_type = #tpu.core_type<tc>, window_params = [{transform_indices = @transform_0, window_bounds = array<i64: 8, 8>}, {pipeline_mode = #tpu.pipeline_mode<synchronous>, transform_indices = @transform_1, window_bounds = array<i64: 8, 10240>}, {pipeline_mode = #tpu.pipeline_mode<synchronous>, transform_indices = @transform_2, window_bounds = array<i64: 1024, 64>}, {transform_indices = @transform_3, window_bounds = array<i64: 8, 640>}, {transform_indices = @transform_4, window_bounds = array<i64: 8, 16>}]} {
    %get3A = arith.constant 0 : index
    %get3A_0 = arith.constant 0 : index
    %get3A_1 = vector.load %arg1[%get3A, %get3A_0] : memref<8x8xf32, #tpu.memory_space<vmem>>, vector<8x8xf32>
    %get3A_2 = arith.constant 0 : index
    %get3A_3 = arith.constant 0 : index
    %get3A_4 = vector.load %arg2[%get3A_2, %get3A_3] : memref<8x10240xf32, #tpu.memory_space<vmem>>, vector<8x10240xf32>
    %slice3A = vector.extract_strided_slice %get3A_1 {offsets = [0, 0], sizes = [8, 1], strides = [1, 1]} : vector<8x8xf32> to vector<8x1xf32>
    %slice3A_5 = vector.extract_strided_slice %get3A_4 {offsets = [0, 0], sizes = [1, 10240], strides = [1, 1]} : vector<8x10240xf32> to vector<1x10240xf32>
    %sub3A = vector.broadcast %slice3A : vector<8x1xf32> to vector<8x10240xf32>
    %sub3A_6 = vector.broadcast %slice3A_5 : vector<1x10240xf32> to vector<8x10240xf32>
    %sub3A_7 = arith.subf %sub3A, %sub3A_6 : vector<8x10240xf32>
    %slice3A_8 = vector.extract_strided_slice %get3A_1 {offsets = [0, 1], sizes = [8, 1], strides = [1, 1]} : vector<8x8xf32> to vector<8x1xf32>
    %slice3A_9 = vector.extract_strided_slice %get3A_4 {offsets = [1, 0], sizes = [1, 10240], strides = [1, 1]} : vector<8x10240xf32> to vector<1x10240xf32>
    %sub3A_10 = vector.broadcast %slice3A_8 : vector<8x1xf32> to vector<8x10240xf32>
    %sub3A_11 = vector.broadcast %slice3A_9 : vector<1x10240xf32> to vector<8x10240xf32>
    %sub3A_12 = arith.subf %sub3A_10, %sub3A_11 : vector<8x10240xf32>
    %slice3A_13 = vector.extract_strided_slice %get3A_1 {offsets = [0, 2], sizes = [8, 1], strides = [1, 1]} : vector<8x8xf32> to vector<8x1xf32>
    %slice3A_14 = vector.extract_strided_slice %get3A_4 {offsets = [2, 0], sizes = [1, 10240], strides = [1, 1]} : vector<8x10240xf32> to vector<1x10240xf32>
    %sub3A_15 = vector.broadcast %slice3A_13 : vector<8x1xf32> to vector<8x10240xf32>
    %sub3A_16 = vector.broadcast %slice3A_14 : vector<1x10240xf32> to vector<8x10240xf32>
    %sub3A_17 = arith.subf %sub3A_15, %sub3A_16 : vector<8x10240xf32>
    %mul3A = arith.mulf %sub3A_7, %sub3A_7 : vector<8x10240xf32>
    %mul3A_18 = arith.mulf %sub3A_12, %sub3A_12 : vector<8x10240xf32>
    %add3A = arith.addf %mul3A, %mul3A_18 : vector<8x10240xf32>
    %mul3A_19 = arith.mulf %sub3A_17, %sub3A_17 : vector<8x10240xf32>
    %add3A_20 = arith.addf %add3A, %mul3A_19 : vector<8x10240xf32>
    %iota3A = tpu.iota {dimensions = array<i32: 1>} : vector<8x10240xi32>
    %convert_element_type3A = arith.sitofp %iota3A : vector<8x10240xi32> to vector<8x10240xf32>
    %convert_element_type3A_21 = arith.sitofp %arg0 : i32 to f32
    %mul3A_22 = arith.constant 8.000000e+00 : f32
    %mul3A_23 = arith.mulf %mul3A_22, %convert_element_type3A_21 : f32
    %iota3A_24 = tpu.iota {dimensions = array<i32: 0>} : vector<8x1xi32>
    %convert_element_type3A_25 = arith.sitofp %iota3A_24 : vector<8x1xi32> to vector<8x1xf32>
    %add3A_26 = vector.broadcast %mul3A_23 : f32 to vector<8x1xf32>
    %add3A_27 = arith.addf %add3A_26, %convert_element_type3A_25 : vector<8x1xf32>
    %le3A = arith.constant 2.500000e+01 : f32
    %le3A_28 = vector.broadcast %le3A : f32 to vector<8x10240xf32>
    %le3A_29 = arith.cmpf ole, %add3A_20, %le3A_28 : vector<8x10240xf32>
    %ne3A = vector.broadcast %add3A_27 : vector<8x1xf32> to vector<8x10240xf32>
    %ne3A_30 = arith.cmpf one, %convert_element_type3A, %ne3A : vector<8x10240xf32>
    %and3A = arith.andi %le3A_29, %ne3A_30 : vector<8x10240xi1>
    %convert_element_type3A_31 = arith.extui %and3A : vector<8x10240xi1> to vector<8x10240xi32>
    %convert_element_type3A_32 = arith.sitofp %convert_element_type3A_31 : vector<8x10240xi32> to vector<8x10240xf32>
    %get3A_33 = arith.constant 0 : index
    %get3A_34 = arith.constant 0 : index
    %get3A_35 = vector.load %arg3[%get3A_33, %get3A_34] : memref<1024x64xf32, #tpu.memory_space<vmem>>, vector<1024x64xf32>
    %slice3A_36 = vector.extract_strided_slice %convert_element_type3A_32 {offsets = [0, 0], sizes = [8, 1024], strides = [1, 1]} : vector<8x10240xf32> to vector<8x1024xf32>
    %dot_general3A = arith.constant dense<0.000000e+00> : vector<8x64xf32>
    %dot_general3A_37 = tpu.matmul %slice3A_36, %get3A_35, %dot_general3A {dimension_numbers = #tpu.dot_dimension_numbers<[1], [0], [0], [1], [0, 0, 1, 1], [], []>, transpose_lhs_hint = false} : vector<8x1024xf32>, vector<1024x64xf32>, vector<8x64xf32> -> vector<8x64xf32>
    %convert_element_type3A_38 = arith.fptosi %dot_general3A_37 : vector<8x64xf32> to vector<8x64xi32>
    %swap3A = arith.constant 0 : index
    %swap3A_39 = arith.constant 0 : index
    %swap3A_40 = vector.load %arg4[%swap3A, %swap3A_39] : memref<8x640xi32, #tpu.memory_space<vmem>>, vector<8x64xi32>
    tpu.vector_store %arg4[%swap3A, %swap3A_39], %convert_element_type3A_38 {strides = array<i32>} : memref<8x640xi32, #tpu.memory_space<vmem>>, vector<8x64xi32>,
    %slice3A_41 = vector.extract_strided_slice %convert_element_type3A_32 {offsets = [0, 1024], sizes = [8, 1024], strides = [1, 1]} : vector<8x10240xf32> to vector<8x1024xf32>
    %dot_general3A_42 = arith.constant dense<0.000000e+00> : vector<8x64xf32>
    %dot_general3A_43 = tpu.matmul %slice3A_41, %get3A_35, %dot_general3A_42 {dimension_numbers = #tpu.dot_dimension_numbers<[1], [0], [0], [1], [0, 0, 1, 1], [], []>, transpose_lhs_hint = false} : vector<8x1024xf32>, vector<1024x64xf32>, vector<8x64xf32> -> vector<8x64xf32>
    %convert_element_type3A_44 = arith.fptosi %dot_general3A_43 : vector<8x64xf32> to vector<8x64xi32>
    %swap3A_45 = arith.constant 0 : index
    %swap3A_46 = arith.constant 64 : index
    %swap3A_47 = vector.load %arg4[%swap3A_45, %swap3A_46] : memref<8x640xi32, #tpu.memory_space<vmem>>, vector<8x64xi32>
    tpu.vector_store %arg4[%swap3A_45, %swap3A_46], %convert_element_type3A_44 {strides = array<i32>} : memref<8x640xi32, #tpu.memory_space<vmem>>, vector<8x64xi32>,
    %slice3A_48 = vector.extract_strided_slice %convert_element_type3A_32 {offsets = [0, 2048], sizes = [8, 1024], strides = [1, 1]} : vector<8x10240xf32> to vector<8x1024xf32>
    %dot_general3A_49 = arith.constant dense<0.000000e+00> : vector<8x64xf32>
    %dot_general3A_50 = tpu.matmul %slice3A_48, %get3A_35, %dot_general3A_49 {dimension_numbers = #tpu.dot_dimension_numbers<[1], [0], [0], [1], [0, 0, 1, 1], [], []>, transpose_lhs_hint = false} : vector<8x1024xf32>, vector<1024x64xf32>, vector<8x64xf32> -> vector<8x64xf32>
    %convert_element_type3A_51 = arith.fptosi %dot_general3A_50 : vector<8x64xf32> to vector<8x64xi32>
    %swap3A_52 = arith.constant 0 : index
    %swap3A_53 = arith.constant 128 : index
    %swap3A_54 = vector.load %arg4[%swap3A_52, %swap3A_53] : memref<8x640xi32, #tpu.memory_space<vmem>>, vector<8x64xi32>
    tpu.vector_store %arg4[%swap3A_52, %swap3A_53], %convert_element_type3A_51 {strides = array<i32>} : memref<8x640xi32, #tpu.memory_space<vmem>>, vector<8x64xi32>,
    %slice3A_55 = vector.extract_strided_slice %convert_element_type3A_32 {offsets = [0, 3072], sizes = [8, 1024], strides = [1, 1]} : vector<8x10240xf32> to vector<8x1024xf32>
    %dot_general3A_56 = arith.constant dense<0.000000e+00> : vector<8x64xf32>
    %dot_general3A_57 = tpu.matmul %slice3A_55, %get3A_35, %dot_general3A_56 {dimension_numbers = #tpu.dot_dimension_numbers<[1], [0], [0], [1], [0, 0, 1, 1], [], []>, transpose_lhs_hint = false} : vector<8x1024xf32>, vector<1024x64xf32>, vector<8x64xf32> -> vector<8x64xf32>
    %convert_element_type3A_58 = arith.fptosi %dot_general3A_57 : vector<8x64xf32> to vector<8x64xi32>
    %swap3A_59 = arith.constant 0 : index
    %swap3A_60 = arith.constant 192 : index
    %swap3A_61 = vector.load %arg4[%swap3A_59, %swap3A_60] : memref<8x640xi32, #tpu.memory_space<vmem>>, vector<8x64xi32>
    tpu.vector_store %arg4[%swap3A_59, %swap3A_60], %convert_element_type3A_58 {strides = array<i32>} : memref<8x640xi32, #tpu.memory_space<vmem>>, vector<8x64xi32>,
    %slice3A_62 = vector.extract_strided_slice %convert_element_type3A_32 {offsets = [0, 4096], sizes = [8, 1024], strides = [1, 1]} : vector<8x10240xf32> to vector<8x1024xf32>
    %dot_general3A_63 = arith.constant dense<0.000000e+00> : vector<8x64xf32>
    %dot_general3A_64 = tpu.matmul %slice3A_62, %get3A_35, %dot_general3A_63 {dimension_numbers = #tpu.dot_dimension_numbers<[1], [0], [0], [1], [0, 0, 1, 1], [], []>, transpose_lhs_hint = false} : vector<8x1024xf32>, vector<1024x64xf32>, vector<8x64xf32> -> vector<8x64xf32>
    %convert_element_type3A_65 = arith.fptosi %dot_general3A_64 : vector<8x64xf32> to vector<8x64xi32>
    %swap3A_66 = arith.constant 0 : index
    %swap3A_67 = arith.constant 256 : index
    %swap3A_68 = vector.load %arg4[%swap3A_66, %swap3A_67] : memref<8x640xi32, #tpu.memory_space<vmem>>, vector<8x64xi32>
    tpu.vector_store %arg4[%swap3A_66, %swap3A_67], %convert_element_type3A_65 {strides = array<i32>} : memref<8x640xi32, #tpu.memory_space<vmem>>, vector<8x64xi32>,
    %slice3A_69 = vector.extract_strided_slice %convert_element_type3A_32 {offsets = [0, 5120], sizes = [8, 1024], strides = [1, 1]} : vector<8x10240xf32> to vector<8x1024xf32>
    %dot_general3A_70 = arith.constant dense<0.000000e+00> : vector<8x64xf32>
    %dot_general3A_71 = tpu.matmul %slice3A_69, %get3A_35, %dot_general3A_70 {dimension_numbers = #tpu.dot_dimension_numbers<[1], [0], [0], [1], [0, 0, 1, 1], [], []>, transpose_lhs_hint = false} : vector<8x1024xf32>, vector<1024x64xf32>, vector<8x64xf32> -> vector<8x64xf32>
    %convert_element_type3A_72 = arith.fptosi %dot_general3A_71 : vector<8x64xf32> to vector<8x64xi32>
    %swap3A_73 = arith.constant 0 : index
    %swap3A_74 = arith.constant 320 : index
    %swap3A_75 = vector.load %arg4[%swap3A_73, %swap3A_74] : memref<8x640xi32, #tpu.memory_space<vmem>>, vector<8x64xi32>
    tpu.vector_store %arg4[%swap3A_73, %swap3A_74], %convert_element_type3A_72 {strides = array<i32>} : memref<8x640xi32, #tpu.memory_space<vmem>>, vector<8x64xi32>,
    %slice3A_76 = vector.extract_strided_slice %convert_element_type3A_32 {offsets = [0, 6144], sizes = [8, 1024], strides = [1, 1]} : vector<8x10240xf32> to vector<8x1024xf32>
    %dot_general3A_77 = arith.constant dense<0.000000e+00> : vector<8x64xf32>
    %dot_general3A_78 = tpu.matmul %slice3A_76, %get3A_35, %dot_general3A_77 {dimension_numbers = #tpu.dot_dimension_numbers<[1], [0], [0], [1], [0, 0, 1, 1], [], []>, transpose_lhs_hint = false} : vector<8x1024xf32>, vector<1024x64xf32>, vector<8x64xf32> -> vector<8x64xf32>
    %convert_element_type3A_79 = arith.fptosi %dot_general3A_78 : vector<8x64xf32> to vector<8x64xi32>
    %swap3A_80 = arith.constant 0 : index
    %swap3A_81 = arith.constant 384 : index
    %swap3A_82 = vector.load %arg4[%swap3A_80, %swap3A_81] : memref<8x640xi32, #tpu.memory_space<vmem>>, vector<8x64xi32>
    tpu.vector_store %arg4[%swap3A_80, %swap3A_81], %convert_element_type3A_79 {strides = array<i32>} : memref<8x640xi32, #tpu.memory_space<vmem>>, vector<8x64xi32>,
    %slice3A_83 = vector.extract_strided_slice %convert_element_type3A_32 {offsets = [0, 7168], sizes = [8, 1024], strides = [1, 1]} : vector<8x10240xf32> to vector<8x1024xf32>
    %dot_general3A_84 = arith.constant dense<0.000000e+00> : vector<8x64xf32>
    %dot_general3A_85 = tpu.matmul %slice3A_83, %get3A_35, %dot_general3A_84 {dimension_numbers = #tpu.dot_dimension_numbers<[1], [0], [0], [1], [0, 0, 1, 1], [], []>, transpose_lhs_hint = false} : vector<8x1024xf32>, vector<1024x64xf32>, vector<8x64xf32> -> vector<8x64xf32>
    %convert_element_type3A_86 = arith.fptosi %dot_general3A_85 : vector<8x64xf32> to vector<8x64xi32>
    %swap3A_87 = arith.constant 0 : index
    %swap3A_88 = arith.constant 448 : index
    %swap3A_89 = vector.load %arg4[%swap3A_87, %swap3A_88] : memref<8x640xi32, #tpu.memory_space<vmem>>, vector<8x64xi32>
    tpu.vector_store %arg4[%swap3A_87, %swap3A_88], %convert_element_type3A_86 {strides = array<i32>} : memref<8x640xi32, #tpu.memory_space<vmem>>, vector<8x64xi32>,
    %slice3A_90 = vector.extract_strided_slice %convert_element_type3A_32 {offsets = [0, 8192], sizes = [8, 1024], strides = [1, 1]} : vector<8x10240xf32> to vector<8x1024xf32>
    %dot_general3A_91 = arith.constant dense<0.000000e+00> : vector<8x64xf32>
    %dot_general3A_92 = tpu.matmul %slice3A_90, %get3A_35, %dot_general3A_91 {dimension_numbers = #tpu.dot_dimension_numbers<[1], [0], [0], [1], [0, 0, 1, 1], [], []>, transpose_lhs_hint = false} : vector<8x1024xf32>, vector<1024x64xf32>, vector<8x64xf32> -> vector<8x64xf32>
    %convert_element_type3A_93 = arith.fptosi %dot_general3A_92 : vector<8x64xf32> to vector<8x64xi32>
    %swap3A_94 = arith.constant 0 : index
    %swap3A_95 = arith.constant 512 : index
    %swap3A_96 = vector.load %arg4[%swap3A_94, %swap3A_95] : memref<8x640xi32, #tpu.memory_space<vmem>>, vector<8x64xi32>
    tpu.vector_store %arg4[%swap3A_94, %swap3A_95], %convert_element_type3A_93 {strides = array<i32>} : memref<8x640xi32, #tpu.memory_space<vmem>>, vector<8x64xi32>,
    %slice3A_97 = vector.extract_strided_slice %convert_element_type3A_32 {offsets = [0, 9216], sizes = [8, 1024], strides = [1, 1]} : vector<8x10240xf32> to vector<8x1024xf32>
    %dot_general3A_98 = arith.constant dense<0.000000e+00> : vector<8x64xf32>
    %dot_general3A_99 = tpu.matmul %slice3A_97, %get3A_35, %dot_general3A_98 {dimension_numbers = #tpu.dot_dimension_numbers<[1], [0], [0], [1], [0, 0, 1, 1], [], []>, transpose_lhs_hint = false} : vector<8x1024xf32>, vector<1024x64xf32>, vector<8x64xf32> -> vector<8x64xf32>
    %convert_element_type3A_100 = arith.fptosi %dot_general3A_99 : vector<8x64xf32> to vector<8x64xi32>
    %swap3A_101 = arith.constant 0 : index
    %swap3A_102 = arith.constant 576 : index
    %swap3A_103 = vector.load %arg4[%swap3A_101, %swap3A_102] : memref<8x640xi32, #tpu.memory_space<vmem>>, vector<8x64xi32>
    tpu.vector_store %arg4[%swap3A_101, %swap3A_102], %convert_element_type3A_100 {strides = array<i32>} : memref<8x640xi32, #tpu.memory_space<vmem>>, vector<8x64xi32>,
    %broadcast_in_dim3A = arith.constant 0 : i32
    %broadcast_in_dim3A_104 = vector.broadcast %broadcast_in_dim3A : i32 to vector<8x1xi32>
    %broadcast_in_dim3A_105 = arith.constant 0 : i32
    %broadcast_in_dim3A_106 = vector.broadcast %broadcast_in_dim3A_105 : i32 to vector<8x1xi32>
    %broadcast_in_dim3A_107 = arith.constant 0 : i32
    %broadcast_in_dim3A_108 = vector.broadcast %broadcast_in_dim3A_107 : i32 to vector<8x1xi32>
    %slice3A_109 = vector.extract_strided_slice %dot_general3A_37 {offsets = [0, 0], sizes = [8, 16], strides = [1, 1]} : vector<8x64xf32> to vector<8x16xf32>
    %reduce_sum3A = arith.constant dense<0.000000e+00> : vector<8xf32>
    %reduce_sum3A_110 = vector.multi_reduction <add>, %slice3A_109, %reduce_sum3A [1] : vector<8x16xf32> to vector<8xf32>
    %broadcast_in_dim3A_111 = vector.shape_cast %reduce_sum3A_110 : vector<8xf32> to vector<8x1xf32>
    %gt3A = arith.constant 0.000000e+00 : f32
    %gt3A_112 = vector.broadcast %gt3A : f32 to vector<8x1xf32>
    %gt3A_113 = arith.cmpf ogt, %broadcast_in_dim3A_111, %gt3A_112 : vector<8x1xf32>
    %convert_element_type3A_114 = arith.extui %gt3A_113 : vector<8x1xi1> to vector<8x1xi32>
    %shift_left3A = arith.constant 0 : i32
    %shift_left3A_115 = vector.broadcast %shift_left3A : i32 to vector<8x1xi32>
    %shift_left3A_116 = arith.shli %convert_element_type3A_114, %shift_left3A_115 : vector<8x1xi32>
    %or3A = arith.ori %broadcast_in_dim3A_104, %shift_left3A_116 : vector<8x1xi32>
    %slice3A_117 = vector.extract_strided_slice %dot_general3A_37 {offsets = [0, 16], sizes = [8, 16], strides = [1, 1]} : vector<8x64xf32> to vector<8x16xf32>
    %reduce_sum3A_118 = arith.constant dense<0.000000e+00> : vector<8xf32>
    %reduce_sum3A_119 = vector.multi_reduction <add>, %slice3A_117, %reduce_sum3A_118 [1] : vector<8x16xf32> to vector<8xf32>
    %broadcast_in_dim3A_120 = vector.shape_cast %reduce_sum3A_119 : vector<8xf32> to vector<8x1xf32>
    %gt3A_121 = arith.constant 0.000000e+00 : f32
    %gt3A_122 = vector.broadcast %gt3A_121 : f32 to vector<8x1xf32>
    %gt3A_123 = arith.cmpf ogt, %broadcast_in_dim3A_120, %gt3A_122 : vector<8x1xf32>
    %convert_element_type3A_124 = arith.extui %gt3A_123 : vector<8x1xi1> to vector<8x1xi32>
    %shift_left3A_125 = arith.constant 1 : i32
    %shift_left3A_126 = vector.broadcast %shift_left3A_125 : i32 to vector<8x1xi32>
    %shift_left3A_127 = arith.shli %convert_element_type3A_124, %shift_left3A_126 : vector<8x1xi32>
    %or3A_128 = arith.ori %or3A, %shift_left3A_127 : vector<8x1xi32>
    %slice3A_129 = vector.extract_strided_slice %dot_general3A_37 {offsets = [0, 32], sizes = [8, 16], strides = [1, 1]} : vector<8x64xf32> to vector<8x16xf32>
    %reduce_sum3A_130 = arith.constant dense<0.000000e+00> : vector<8xf32>
    %reduce_sum3A_131 = vector.multi_reduction <add>, %slice3A_129, %reduce_sum3A_130 [1] : vector<8x16xf32> to vector<8xf32>
    %broadcast_in_dim3A_132 = vector.shape_cast %reduce_sum3A_131 : vector<8xf32> to vector<8x1xf32>
    %gt3A_133 = arith.constant 0.000000e+00 : f32
    %gt3A_134 = vector.broadcast %gt3A_133 : f32 to vector<8x1xf32>
    %gt3A_135 = arith.cmpf ogt, %broadcast_in_dim3A_132, %gt3A_134 : vector<8x1xf32>
    %convert_element_type3A_136 = arith.extui %gt3A_135 : vector<8x1xi1> to vector<8x1xi32>
    %shift_left3A_137 = arith.constant 2 : i32
    %shift_left3A_138 = vector.broadcast %shift_left3A_137 : i32 to vector<8x1xi32>
    %shift_left3A_139 = arith.shli %convert_element_type3A_136, %shift_left3A_138 : vector<8x1xi32>
    %or3A_140 = arith.ori %or3A_128, %shift_left3A_139 : vector<8x1xi32>
    %slice3A_141 = vector.extract_strided_slice %dot_general3A_37 {offsets = [0, 48], sizes = [8, 16], strides = [1, 1]} : vector<8x64xf32> to vector<8x16xf32>
    %reduce_sum3A_142 = arith.constant dense<0.000000e+00> : vector<8xf32>
    %reduce_sum3A_143 = vector.multi_reduction <add>, %slice3A_141, %reduce_sum3A_142 [1] : vector<8x16xf32> to vector<8xf32>
    %broadcast_in_dim3A_144 = vector.shape_cast %reduce_sum3A_143 : vector<8xf32> to vector<8x1xf32>
    %gt3A_145 = arith.constant 0.000000e+00 : f32
    %gt3A_146 = vector.broadcast %gt3A_145 : f32 to vector<8x1xf32>
    %gt3A_147 = arith.cmpf ogt, %broadcast_in_dim3A_144, %gt3A_146 : vector<8x1xf32>
    %convert_element_type3A_148 = arith.extui %gt3A_147 : vector<8x1xi1> to vector<8x1xi32>
    %shift_left3A_149 = arith.constant 3 : i32
    %shift_left3A_150 = vector.broadcast %shift_left3A_149 : i32 to vector<8x1xi32>
    %shift_left3A_151 = arith.shli %convert_element_type3A_148, %shift_left3A_150 : vector<8x1xi32>
    %or3A_152 = arith.ori %or3A_140, %shift_left3A_151 : vector<8x1xi32>
    %slice3A_153 = vector.extract_strided_slice %dot_general3A_43 {offsets = [0, 0], sizes = [8, 16], strides = [1, 1]} : vector<8x64xf32> to vector<8x16xf32>
    %reduce_sum3A_154 = arith.constant dense<0.000000e+00> : vector<8xf32>
    %reduce_sum3A_155 = vector.multi_reduction <add>, %slice3A_153, %reduce_sum3A_154 [1] : vector<8x16xf32> to vector<8xf32>
    %broadcast_in_dim3A_156 = vector.shape_cast %reduce_sum3A_155 : vector<8xf32> to vector<8x1xf32>
    %gt3A_157 = arith.constant 0.000000e+00 : f32
    %gt3A_158 = vector.broadcast %gt3A_157 : f32 to vector<8x1xf32>
    %gt3A_159 = arith.cmpf ogt, %broadcast_in_dim3A_156, %gt3A_158 : vector<8x1xf32>
    %convert_element_type3A_160 = arith.extui %gt3A_159 : vector<8x1xi1> to vector<8x1xi32>
    %shift_left3A_161 = arith.constant 4 : i32
    %shift_left3A_162 = vector.broadcast %shift_left3A_161 : i32 to vector<8x1xi32>
    %shift_left3A_163 = arith.shli %convert_element_type3A_160, %shift_left3A_162 : vector<8x1xi32>
    %or3A_164 = arith.ori %or3A_152, %shift_left3A_163 : vector<8x1xi32>
    %slice3A_165 = vector.extract_strided_slice %dot_general3A_43 {offsets = [0, 16], sizes = [8, 16], strides = [1, 1]} : vector<8x64xf32> to vector<8x16xf32>
    %reduce_sum3A_166 = arith.constant dense<0.000000e+00> : vector<8xf32>
    %reduce_sum3A_167 = vector.multi_reduction <add>, %slice3A_165, %reduce_sum3A_166 [1] : vector<8x16xf32> to vector<8xf32>
    %broadcast_in_dim3A_168 = vector.shape_cast %reduce_sum3A_167 : vector<8xf32> to vector<8x1xf32>
    %gt3A_169 = arith.constant 0.000000e+00 : f32
    %gt3A_170 = vector.broadcast %gt3A_169 : f32 to vector<8x1xf32>
    %gt3A_171 = arith.cmpf ogt, %broadcast_in_dim3A_168, %gt3A_170 : vector<8x1xf32>
    %convert_element_type3A_172 = arith.extui %gt3A_171 : vector<8x1xi1> to vector<8x1xi32>
    %shift_left3A_173 = arith.constant 5 : i32
    %shift_left3A_174 = vector.broadcast %shift_left3A_173 : i32 to vector<8x1xi32>
    %shift_left3A_175 = arith.shli %convert_element_type3A_172, %shift_left3A_174 : vector<8x1xi32>
    %or3A_176 = arith.ori %or3A_164, %shift_left3A_175 : vector<8x1xi32>
    %slice3A_177 = vector.extract_strided_slice %dot_general3A_43 {offsets = [0, 32], sizes = [8, 16], strides = [1, 1]} : vector<8x64xf32> to vector<8x16xf32>
    %reduce_sum3A_178 = arith.constant dense<0.000000e+00> : vector<8xf32>
    %reduce_sum3A_179 = vector.multi_reduction <add>, %slice3A_177, %reduce_sum3A_178 [1] : vector<8x16xf32> to vector<8xf32>
    %broadcast_in_dim3A_180 = vector.shape_cast %reduce_sum3A_179 : vector<8xf32> to vector<8x1xf32>
    %gt3A_181 = arith.constant 0.000000e+00 : f32
    %gt3A_182 = vector.broadcast %gt3A_181 : f32 to vector<8x1xf32>
    %gt3A_183 = arith.cmpf ogt, %broadcast_in_dim3A_180, %gt3A_182 : vector<8x1xf32>
    %convert_element_type3A_184 = arith.extui %gt3A_183 : vector<8x1xi1> to vector<8x1xi32>
    %shift_left3A_185 = arith.constant 6 : i32
    %shift_left3A_186 = vector.broadcast %shift_left3A_185 : i32 to vector<8x1xi32>
    %shift_left3A_187 = arith.shli %convert_element_type3A_184, %shift_left3A_186 : vector<8x1xi32>
    %or3A_188 = arith.ori %or3A_176, %shift_left3A_187 : vector<8x1xi32>
    %slice3A_189 = vector.extract_strided_slice %dot_general3A_43 {offsets = [0, 48], sizes = [8, 16], strides = [1, 1]} : vector<8x64xf32> to vector<8x16xf32>
    %reduce_sum3A_190 = arith.constant dense<0.000000e+00> : vector<8xf32>
    %reduce_sum3A_191 = vector.multi_reduction <add>, %slice3A_189, %reduce_sum3A_190 [1] : vector<8x16xf32> to vector<8xf32>
    %broadcast_in_dim3A_192 = vector.shape_cast %reduce_sum3A_191 : vector<8xf32> to vector<8x1xf32>
    %gt3A_193 = arith.constant 0.000000e+00 : f32
    %gt3A_194 = vector.broadcast %gt3A_193 : f32 to vector<8x1xf32>
    %gt3A_195 = arith.cmpf ogt, %broadcast_in_dim3A_192, %gt3A_194 : vector<8x1xf32>
    %convert_element_type3A_196 = arith.extui %gt3A_195 : vector<8x1xi1> to vector<8x1xi32>
    %shift_left3A_197 = arith.constant 7 : i32
    %shift_left3A_198 = vector.broadcast %shift_left3A_197 : i32 to vector<8x1xi32>
    %shift_left3A_199 = arith.shli %convert_element_type3A_196, %shift_left3A_198 : vector<8x1xi32>
    %or3A_200 = arith.ori %or3A_188, %shift_left3A_199 : vector<8x1xi32>
    %slice3A_201 = vector.extract_strided_slice %dot_general3A_50 {offsets = [0, 0], sizes = [8, 16], strides = [1, 1]} : vector<8x64xf32> to vector<8x16xf32>
    %reduce_sum3A_202 = arith.constant dense<0.000000e+00> : vector<8xf32>
    %reduce_sum3A_203 = vector.multi_reduction <add>, %slice3A_201, %reduce_sum3A_202 [1] : vector<8x16xf32> to vector<8xf32>
    %broadcast_in_dim3A_204 = vector.shape_cast %reduce_sum3A_203 : vector<8xf32> to vector<8x1xf32>
    %gt3A_205 = arith.constant 0.000000e+00 : f32
    %gt3A_206 = vector.broadcast %gt3A_205 : f32 to vector<8x1xf32>
    %gt3A_207 = arith.cmpf ogt, %broadcast_in_dim3A_204, %gt3A_206 : vector<8x1xf32>
    %convert_element_type3A_208 = arith.extui %gt3A_207 : vector<8x1xi1> to vector<8x1xi32>
    %shift_left3A_209 = arith.constant 8 : i32
    %shift_left3A_210 = vector.broadcast %shift_left3A_209 : i32 to vector<8x1xi32>
    %shift_left3A_211 = arith.shli %convert_element_type3A_208, %shift_left3A_210 : vector<8x1xi32>
    %or3A_212 = arith.ori %or3A_200, %shift_left3A_211 : vector<8x1xi32>
    %slice3A_213 = vector.extract_strided_slice %dot_general3A_50 {offsets = [0, 16], sizes = [8, 16], strides = [1, 1]} : vector<8x64xf32> to vector<8x16xf32>
    %reduce_sum3A_214 = arith.constant dense<0.000000e+00> : vector<8xf32>
    %reduce_sum3A_215 = vector.multi_reduction <add>, %slice3A_213, %reduce_sum3A_214 [1] : vector<8x16xf32> to vector<8xf32>
    %broadcast_in_dim3A_216 = vector.shape_cast %reduce_sum3A_215 : vector<8xf32> to vector<8x1xf32>
    %gt3A_217 = arith.constant 0.000000e+00 : f32
    %gt3A_218 = vector.broadcast %gt3A_217 : f32 to vector<8x1xf32>
    %gt3A_219 = arith.cmpf ogt, %broadcast_in_dim3A_216, %gt3A_218 : vector<8x1xf32>
    %convert_element_type3A_220 = arith.extui %gt3A_219 : vector<8x1xi1> to vector<8x1xi32>
    %shift_left3A_221 = arith.constant 9 : i32
    %shift_left3A_222 = vector.broadcast %shift_left3A_221 : i32 to vector<8x1xi32>
    %shift_left3A_223 = arith.shli %convert_element_type3A_220, %shift_left3A_222 : vector<8x1xi32>
    %or3A_224 = arith.ori %or3A_212, %shift_left3A_223 : vector<8x1xi32>
    %slice3A_225 = vector.extract_strided_slice %dot_general3A_50 {offsets = [0, 32], sizes = [8, 16], strides = [1, 1]} : vector<8x64xf32> to vector<8x16xf32>
    %reduce_sum3A_226 = arith.constant dense<0.000000e+00> : vector<8xf32>
    %reduce_sum3A_227 = vector.multi_reduction <add>, %slice3A_225, %reduce_sum3A_226 [1] : vector<8x16xf32> to vector<8xf32>
    %broadcast_in_dim3A_228 = vector.shape_cast %reduce_sum3A_227 : vector<8xf32> to vector<8x1xf32>
    %gt3A_229 = arith.constant 0.000000e+00 : f32
    %gt3A_230 = vector.broadcast %gt3A_229 : f32 to vector<8x1xf32>
    %gt3A_231 = arith.cmpf ogt, %broadcast_in_dim3A_228, %gt3A_230 : vector<8x1xf32>
    %convert_element_type3A_232 = arith.extui %gt3A_231 : vector<8x1xi1> to vector<8x1xi32>
    %shift_left3A_233 = arith.constant 10 : i32
    %shift_left3A_234 = vector.broadcast %shift_left3A_233 : i32 to vector<8x1xi32>
    %shift_left3A_235 = arith.shli %convert_element_type3A_232, %shift_left3A_234 : vector<8x1xi32>
    %or3A_236 = arith.ori %or3A_224, %shift_left3A_235 : vector<8x1xi32>
    %slice3A_237 = vector.extract_strided_slice %dot_general3A_50 {offsets = [0, 48], sizes = [8, 16], strides = [1, 1]} : vector<8x64xf32> to vector<8x16xf32>
    %reduce_sum3A_238 = arith.constant dense<0.000000e+00> : vector<8xf32>
    %reduce_sum3A_239 = vector.multi_reduction <add>, %slice3A_237, %reduce_sum3A_238 [1] : vector<8x16xf32> to vector<8xf32>
    %broadcast_in_dim3A_240 = vector.shape_cast %reduce_sum3A_239 : vector<8xf32> to vector<8x1xf32>
    %gt3A_241 = arith.constant 0.000000e+00 : f32
    %gt3A_242 = vector.broadcast %gt3A_241 : f32 to vector<8x1xf32>
    %gt3A_243 = arith.cmpf ogt, %broadcast_in_dim3A_240, %gt3A_242 : vector<8x1xf32>
    %convert_element_type3A_244 = arith.extui %gt3A_243 : vector<8x1xi1> to vector<8x1xi32>
    %shift_left3A_245 = arith.constant 11 : i32
    %shift_left3A_246 = vector.broadcast %shift_left3A_245 : i32 to vector<8x1xi32>
    %shift_left3A_247 = arith.shli %convert_element_type3A_244, %shift_left3A_246 : vector<8x1xi32>
    %or3A_248 = arith.ori %or3A_236, %shift_left3A_247 : vector<8x1xi32>
    %slice3A_249 = vector.extract_strided_slice %dot_general3A_57 {offsets = [0, 0], sizes = [8, 16], strides = [1, 1]} : vector<8x64xf32> to vector<8x16xf32>
    %reduce_sum3A_250 = arith.constant dense<0.000000e+00> : vector<8xf32>
    %reduce_sum3A_251 = vector.multi_reduction <add>, %slice3A_249, %reduce_sum3A_250 [1] : vector<8x16xf32> to vector<8xf32>
    %broadcast_in_dim3A_252 = vector.shape_cast %reduce_sum3A_251 : vector<8xf32> to vector<8x1xf32>
    %gt3A_253 = arith.constant 0.000000e+00 : f32
    %gt3A_254 = vector.broadcast %gt3A_253 : f32 to vector<8x1xf32>
    %gt3A_255 = arith.cmpf ogt, %broadcast_in_dim3A_252, %gt3A_254 : vector<8x1xf32>
    %convert_element_type3A_256 = arith.extui %gt3A_255 : vector<8x1xi1> to vector<8x1xi32>
    %shift_left3A_257 = arith.constant 12 : i32
    %shift_left3A_258 = vector.broadcast %shift_left3A_257 : i32 to vector<8x1xi32>
    %shift_left3A_259 = arith.shli %convert_element_type3A_256, %shift_left3A_258 : vector<8x1xi32>
    %or3A_260 = arith.ori %or3A_248, %shift_left3A_259 : vector<8x1xi32>
    %slice3A_261 = vector.extract_strided_slice %dot_general3A_57 {offsets = [0, 16], sizes = [8, 16], strides = [1, 1]} : vector<8x64xf32> to vector<8x16xf32>
    %reduce_sum3A_262 = arith.constant dense<0.000000e+00> : vector<8xf32>
    %reduce_sum3A_263 = vector.multi_reduction <add>, %slice3A_261, %reduce_sum3A_262 [1] : vector<8x16xf32> to vector<8xf32>
    %broadcast_in_dim3A_264 = vector.shape_cast %reduce_sum3A_263 : vector<8xf32> to vector<8x1xf32>
    %gt3A_265 = arith.constant 0.000000e+00 : f32
    %gt3A_266 = vector.broadcast %gt3A_265 : f32 to vector<8x1xf32>
    %gt3A_267 = arith.cmpf ogt, %broadcast_in_dim3A_264, %gt3A_266 : vector<8x1xf32>
    %convert_element_type3A_268 = arith.extui %gt3A_267 : vector<8x1xi1> to vector<8x1xi32>
    %shift_left3A_269 = arith.constant 13 : i32
    %shift_left3A_270 = vector.broadcast %shift_left3A_269 : i32 to vector<8x1xi32>
    %shift_left3A_271 = arith.shli %convert_element_type3A_268, %shift_left3A_270 : vector<8x1xi32>
    %or3A_272 = arith.ori %or3A_260, %shift_left3A_271 : vector<8x1xi32>
    %slice3A_273 = vector.extract_strided_slice %dot_general3A_57 {offsets = [0, 32], sizes = [8, 16], strides = [1, 1]} : vector<8x64xf32> to vector<8x16xf32>
    %reduce_sum3A_274 = arith.constant dense<0.000000e+00> : vector<8xf32>
    %reduce_sum3A_275 = vector.multi_reduction <add>, %slice3A_273, %reduce_sum3A_274 [1] : vector<8x16xf32> to vector<8xf32>
    %broadcast_in_dim3A_276 = vector.shape_cast %reduce_sum3A_275 : vector<8xf32> to vector<8x1xf32>
    %gt3A_277 = arith.constant 0.000000e+00 : f32
    %gt3A_278 = vector.broadcast %gt3A_277 : f32 to vector<8x1xf32>
    %gt3A_279 = arith.cmpf ogt, %broadcast_in_dim3A_276, %gt3A_278 : vector<8x1xf32>
    %convert_element_type3A_280 = arith.extui %gt3A_279 : vector<8x1xi1> to vector<8x1xi32>
    %shift_left3A_281 = arith.constant 14 : i32
    %shift_left3A_282 = vector.broadcast %shift_left3A_281 : i32 to vector<8x1xi32>
    %shift_left3A_283 = arith.shli %convert_element_type3A_280, %shift_left3A_282 : vector<8x1xi32>
    %or3A_284 = arith.ori %or3A_272, %shift_left3A_283 : vector<8x1xi32>
    %slice3A_285 = vector.extract_strided_slice %dot_general3A_57 {offsets = [0, 48], sizes = [8, 16], strides = [1, 1]} : vector<8x64xf32> to vector<8x16xf32>
    %reduce_sum3A_286 = arith.constant dense<0.000000e+00> : vector<8xf32>
    %reduce_sum3A_287 = vector.multi_reduction <add>, %slice3A_285, %reduce_sum3A_286 [1] : vector<8x16xf32> to vector<8xf32>
    %broadcast_in_dim3A_288 = vector.shape_cast %reduce_sum3A_287 : vector<8xf32> to vector<8x1xf32>
    %gt3A_289 = arith.constant 0.000000e+00 : f32
    %gt3A_290 = vector.broadcast %gt3A_289 : f32 to vector<8x1xf32>
    %gt3A_291 = arith.cmpf ogt, %broadcast_in_dim3A_288, %gt3A_290 : vector<8x1xf32>
    %convert_element_type3A_292 = arith.extui %gt3A_291 : vector<8x1xi1> to vector<8x1xi32>
    %shift_left3A_293 = arith.constant 15 : i32
    %shift_left3A_294 = vector.broadcast %shift_left3A_293 : i32 to vector<8x1xi32>
    %shift_left3A_295 = arith.shli %convert_element_type3A_292, %shift_left3A_294 : vector<8x1xi32>
    %or3A_296 = arith.ori %or3A_284, %shift_left3A_295 : vector<8x1xi32>
    %slice3A_297 = vector.extract_strided_slice %dot_general3A_64 {offsets = [0, 0], sizes = [8, 16], strides = [1, 1]} : vector<8x64xf32> to vector<8x16xf32>
    %reduce_sum3A_298 = arith.constant dense<0.000000e+00> : vector<8xf32>
    %reduce_sum3A_299 = vector.multi_reduction <add>, %slice3A_297, %reduce_sum3A_298 [1] : vector<8x16xf32> to vector<8xf32>
    %broadcast_in_dim3A_300 = vector.shape_cast %reduce_sum3A_299 : vector<8xf32> to vector<8x1xf32>
    %gt3A_301 = arith.constant 0.000000e+00 : f32
    %gt3A_302 = vector.broadcast %gt3A_301 : f32 to vector<8x1xf32>
    %gt3A_303 = arith.cmpf ogt, %broadcast_in_dim3A_300, %gt3A_302 : vector<8x1xf32>
    %convert_element_type3A_304 = arith.extui %gt3A_303 : vector<8x1xi1> to vector<8x1xi32>
    %shift_left3A_305 = arith.constant 0 : i32
    %shift_left3A_306 = vector.broadcast %shift_left3A_305 : i32 to vector<8x1xi32>
    %shift_left3A_307 = arith.shli %convert_element_type3A_304, %shift_left3A_306 : vector<8x1xi32>
    %or3A_308 = arith.ori %broadcast_in_dim3A_106, %shift_left3A_307 : vector<8x1xi32>
    %slice3A_309 = vector.extract_strided_slice %dot_general3A_64 {offsets = [0, 16], sizes = [8, 16], strides = [1, 1]} : vector<8x64xf32> to vector<8x16xf32>
    %reduce_sum3A_310 = arith.constant dense<0.000000e+00> : vector<8xf32>
    %reduce_sum3A_311 = vector.multi_reduction <add>, %slice3A_309, %reduce_sum3A_310 [1] : vector<8x16xf32> to vector<8xf32>
    %broadcast_in_dim3A_312 = vector.shape_cast %reduce_sum3A_311 : vector<8xf32> to vector<8x1xf32>
    %gt3A_313 = arith.constant 0.000000e+00 : f32
    %gt3A_314 = vector.broadcast %gt3A_313 : f32 to vector<8x1xf32>
    %gt3A_315 = arith.cmpf ogt, %broadcast_in_dim3A_312, %gt3A_314 : vector<8x1xf32>
    %convert_element_type3A_316 = arith.extui %gt3A_315 : vector<8x1xi1> to vector<8x1xi32>
    %shift_left3A_317 = arith.constant 1 : i32
    %shift_left3A_318 = vector.broadcast %shift_left3A_317 : i32 to vector<8x1xi32>
    %shift_left3A_319 = arith.shli %convert_element_type3A_316, %shift_left3A_318 : vector<8x1xi32>
    %or3A_320 = arith.ori %or3A_308, %shift_left3A_319 : vector<8x1xi32>
    %slice3A_321 = vector.extract_strided_slice %dot_general3A_64 {offsets = [0, 32], sizes = [8, 16], strides = [1, 1]} : vector<8x64xf32> to vector<8x16xf32>
    %reduce_sum3A_322 = arith.constant dense<0.000000e+00> : vector<8xf32>
    %reduce_sum3A_323 = vector.multi_reduction <add>, %slice3A_321, %reduce_sum3A_322 [1] : vector<8x16xf32> to vector<8xf32>
    %broadcast_in_dim3A_324 = vector.shape_cast %reduce_sum3A_323 : vector<8xf32> to vector<8x1xf32>
    %gt3A_325 = arith.constant 0.000000e+00 : f32
    %gt3A_326 = vector.broadcast %gt3A_325 : f32 to vector<8x1xf32>
    %gt3A_327 = arith.cmpf ogt, %broadcast_in_dim3A_324, %gt3A_326 : vector<8x1xf32>
    %convert_element_type3A_328 = arith.extui %gt3A_327 : vector<8x1xi1> to vector<8x1xi32>
    %shift_left3A_329 = arith.constant 2 : i32
    %shift_left3A_330 = vector.broadcast %shift_left3A_329 : i32 to vector<8x1xi32>
    %shift_left3A_331 = arith.shli %convert_element_type3A_328, %shift_left3A_330 : vector<8x1xi32>
    %or3A_332 = arith.ori %or3A_320, %shift_left3A_331 : vector<8x1xi32>
    %slice3A_333 = vector.extract_strided_slice %dot_general3A_64 {offsets = [0, 48], sizes = [8, 16], strides = [1, 1]} : vector<8x64xf32> to vector<8x16xf32>
    %reduce_sum3A_334 = arith.constant dense<0.000000e+00> : vector<8xf32>
    %reduce_sum3A_335 = vector.multi_reduction <add>, %slice3A_333, %reduce_sum3A_334 [1] : vector<8x16xf32> to vector<8xf32>
    %broadcast_in_dim3A_336 = vector.shape_cast %reduce_sum3A_335 : vector<8xf32> to vector<8x1xf32>
    %gt3A_337 = arith.constant 0.000000e+00 : f32
    %gt3A_338 = vector.broadcast %gt3A_337 : f32 to vector<8x1xf32>
    %gt3A_339 = arith.cmpf ogt, %broadcast_in_dim3A_336, %gt3A_338 : vector<8x1xf32>
    %convert_element_type3A_340 = arith.extui %gt3A_339 : vector<8x1xi1> to vector<8x1xi32>
    %shift_left3A_341 = arith.constant 3 : i32
    %shift_left3A_342 = vector.broadcast %shift_left3A_341 : i32 to vector<8x1xi32>
    %shift_left3A_343 = arith.shli %convert_element_type3A_340, %shift_left3A_342 : vector<8x1xi32>
    %or3A_344 = arith.ori %or3A_332, %shift_left3A_343 : vector<8x1xi32>
    %slice3A_345 = vector.extract_strided_slice %dot_general3A_71 {offsets = [0, 0], sizes = [8, 16], strides = [1, 1]} : vector<8x64xf32> to vector<8x16xf32>
    %reduce_sum3A_346 = arith.constant dense<0.000000e+00> : vector<8xf32>
    %reduce_sum3A_347 = vector.multi_reduction <add>, %slice3A_345, %reduce_sum3A_346 [1] : vector<8x16xf32> to vector<8xf32>
    %broadcast_in_dim3A_348 = vector.shape_cast %reduce_sum3A_347 : vector<8xf32> to vector<8x1xf32>
    %gt3A_349 = arith.constant 0.000000e+00 : f32
    %gt3A_350 = vector.broadcast %gt3A_349 : f32 to vector<8x1xf32>
    %gt3A_351 = arith.cmpf ogt, %broadcast_in_dim3A_348, %gt3A_350 : vector<8x1xf32>
    %convert_element_type3A_352 = arith.extui %gt3A_351 : vector<8x1xi1> to vector<8x1xi32>
    %shift_left3A_353 = arith.constant 4 : i32
    %shift_left3A_354 = vector.broadcast %shift_left3A_353 : i32 to vector<8x1xi32>
    %shift_left3A_355 = arith.shli %convert_element_type3A_352, %shift_left3A_354 : vector<8x1xi32>
    %or3A_356 = arith.ori %or3A_344, %shift_left3A_355 : vector<8x1xi32>
    %slice3A_357 = vector.extract_strided_slice %dot_general3A_71 {offsets = [0, 16], sizes = [8, 16], strides = [1, 1]} : vector<8x64xf32> to vector<8x16xf32>
    %reduce_sum3A_358 = arith.constant dense<0.000000e+00> : vector<8xf32>
    %reduce_sum3A_359 = vector.multi_reduction <add>, %slice3A_357, %reduce_sum3A_358 [1] : vector<8x16xf32> to vector<8xf32>
    %broadcast_in_dim3A_360 = vector.shape_cast %reduce_sum3A_359 : vector<8xf32> to vector<8x1xf32>
    %gt3A_361 = arith.constant 0.000000e+00 : f32
    %gt3A_362 = vector.broadcast %gt3A_361 : f32 to vector<8x1xf32>
    %gt3A_363 = arith.cmpf ogt, %broadcast_in_dim3A_360, %gt3A_362 : vector<8x1xf32>
    %convert_element_type3A_364 = arith.extui %gt3A_363 : vector<8x1xi1> to vector<8x1xi32>
    %shift_left3A_365 = arith.constant 5 : i32
    %shift_left3A_366 = vector.broadcast %shift_left3A_365 : i32 to vector<8x1xi32>
    %shift_left3A_367 = arith.shli %convert_element_type3A_364, %shift_left3A_366 : vector<8x1xi32>
    %or3A_368 = arith.ori %or3A_356, %shift_left3A_367 : vector<8x1xi32>
    %slice3A_369 = vector.extract_strided_slice %dot_general3A_71 {offsets = [0, 32], sizes = [8, 16], strides = [1, 1]} : vector<8x64xf32> to vector<8x16xf32>
    %reduce_sum3A_370 = arith.constant dense<0.000000e+00> : vector<8xf32>
    %reduce_sum3A_371 = vector.multi_reduction <add>, %slice3A_369, %reduce_sum3A_370 [1] : vector<8x16xf32> to vector<8xf32>
    %broadcast_in_dim3A_372 = vector.shape_cast %reduce_sum3A_371 : vector<8xf32> to vector<8x1xf32>
    %gt3A_373 = arith.constant 0.000000e+00 : f32
    %gt3A_374 = vector.broadcast %gt3A_373 : f32 to vector<8x1xf32>
    %gt3A_375 = arith.cmpf ogt, %broadcast_in_dim3A_372, %gt3A_374 : vector<8x1xf32>
    %convert_element_type3A_376 = arith.extui %gt3A_375 : vector<8x1xi1> to vector<8x1xi32>
    %shift_left3A_377 = arith.constant 6 : i32
    %shift_left3A_378 = vector.broadcast %shift_left3A_377 : i32 to vector<8x1xi32>
    %shift_left3A_379 = arith.shli %convert_element_type3A_376, %shift_left3A_378 : vector<8x1xi32>
    %or3A_380 = arith.ori %or3A_368, %shift_left3A_379 : vector<8x1xi32>
    %slice3A_381 = vector.extract_strided_slice %dot_general3A_71 {offsets = [0, 48], sizes = [8, 16], strides = [1, 1]} : vector<8x64xf32> to vector<8x16xf32>
    %reduce_sum3A_382 = arith.constant dense<0.000000e+00> : vector<8xf32>
    %reduce_sum3A_383 = vector.multi_reduction <add>, %slice3A_381, %reduce_sum3A_382 [1] : vector<8x16xf32> to vector<8xf32>
    %broadcast_in_dim3A_384 = vector.shape_cast %reduce_sum3A_383 : vector<8xf32> to vector<8x1xf32>
    %gt3A_385 = arith.constant 0.000000e+00 : f32
    %gt3A_386 = vector.broadcast %gt3A_385 : f32 to vector<8x1xf32>
    %gt3A_387 = arith.cmpf ogt, %broadcast_in_dim3A_384, %gt3A_386 : vector<8x1xf32>
    %convert_element_type3A_388 = arith.extui %gt3A_387 : vector<8x1xi1> to vector<8x1xi32>
    %shift_left3A_389 = arith.constant 7 : i32
    %shift_left3A_390 = vector.broadcast %shift_left3A_389 : i32 to vector<8x1xi32>
    %shift_left3A_391 = arith.shli %convert_element_type3A_388, %shift_left3A_390 : vector<8x1xi32>
    %or3A_392 = arith.ori %or3A_380, %shift_left3A_391 : vector<8x1xi32>
    %slice3A_393 = vector.extract_strided_slice %dot_general3A_78 {offsets = [0, 0], sizes = [8, 16], strides = [1, 1]} : vector<8x64xf32> to vector<8x16xf32>
    %reduce_sum3A_394 = arith.constant dense<0.000000e+00> : vector<8xf32>
    %reduce_sum3A_395 = vector.multi_reduction <add>, %slice3A_393, %reduce_sum3A_394 [1] : vector<8x16xf32> to vector<8xf32>
    %broadcast_in_dim3A_396 = vector.shape_cast %reduce_sum3A_395 : vector<8xf32> to vector<8x1xf32>
    %gt3A_397 = arith.constant 0.000000e+00 : f32
    %gt3A_398 = vector.broadcast %gt3A_397 : f32 to vector<8x1xf32>
    %gt3A_399 = arith.cmpf ogt, %broadcast_in_dim3A_396, %gt3A_398 : vector<8x1xf32>
    %convert_element_type3A_400 = arith.extui %gt3A_399 : vector<8x1xi1> to vector<8x1xi32>
    %shift_left3A_401 = arith.constant 8 : i32
    %shift_left3A_402 = vector.broadcast %shift_left3A_401 : i32 to vector<8x1xi32>
    %shift_left3A_403 = arith.shli %convert_element_type3A_400, %shift_left3A_402 : vector<8x1xi32>
    %or3A_404 = arith.ori %or3A_392, %shift_left3A_403 : vector<8x1xi32>
    %slice3A_405 = vector.extract_strided_slice %dot_general3A_78 {offsets = [0, 16], sizes = [8, 16], strides = [1, 1]} : vector<8x64xf32> to vector<8x16xf32>
    %reduce_sum3A_406 = arith.constant dense<0.000000e+00> : vector<8xf32>
    %reduce_sum3A_407 = vector.multi_reduction <add>, %slice3A_405, %reduce_sum3A_406 [1] : vector<8x16xf32> to vector<8xf32>
    %broadcast_in_dim3A_408 = vector.shape_cast %reduce_sum3A_407 : vector<8xf32> to vector<8x1xf32>
    %gt3A_409 = arith.constant 0.000000e+00 : f32
    %gt3A_410 = vector.broadcast %gt3A_409 : f32 to vector<8x1xf32>
    %gt3A_411 = arith.cmpf ogt, %broadcast_in_dim3A_408, %gt3A_410 : vector<8x1xf32>
    %convert_element_type3A_412 = arith.extui %gt3A_411 : vector<8x1xi1> to vector<8x1xi32>
    %shift_left3A_413 = arith.constant 9 : i32
    %shift_left3A_414 = vector.broadcast %shift_left3A_413 : i32 to vector<8x1xi32>
    %shift_left3A_415 = arith.shli %convert_element_type3A_412, %shift_left3A_414 : vector<8x1xi32>
    %or3A_416 = arith.ori %or3A_404, %shift_left3A_415 : vector<8x1xi32>
    %slice3A_417 = vector.extract_strided_slice %dot_general3A_78 {offsets = [0, 32], sizes = [8, 16], strides = [1, 1]} : vector<8x64xf32> to vector<8x16xf32>
    %reduce_sum3A_418 = arith.constant dense<0.000000e+00> : vector<8xf32>
    %reduce_sum3A_419 = vector.multi_reduction <add>, %slice3A_417, %reduce_sum3A_418 [1] : vector<8x16xf32> to vector<8xf32>
    %broadcast_in_dim3A_420 = vector.shape_cast %reduce_sum3A_419 : vector<8xf32> to vector<8x1xf32>
    %gt3A_421 = arith.constant 0.000000e+00 : f32
    %gt3A_422 = vector.broadcast %gt3A_421 : f32 to vector<8x1xf32>
    %gt3A_423 = arith.cmpf ogt, %broadcast_in_dim3A_420, %gt3A_422 : vector<8x1xf32>
    %convert_element_type3A_424 = arith.extui %gt3A_423 : vector<8x1xi1> to vector<8x1xi32>
    %shift_left3A_425 = arith.constant 10 : i32
    %shift_left3A_426 = vector.broadcast %shift_left3A_425 : i32 to vector<8x1xi32>
    %shift_left3A_427 = arith.shli %convert_element_type3A_424, %shift_left3A_426 : vector<8x1xi32>
    %or3A_428 = arith.ori %or3A_416, %shift_left3A_427 : vector<8x1xi32>
    %slice3A_429 = vector.extract_strided_slice %dot_general3A_78 {offsets = [0, 48], sizes = [8, 16], strides = [1, 1]} : vector<8x64xf32> to vector<8x16xf32>
    %reduce_sum3A_430 = arith.constant dense<0.000000e+00> : vector<8xf32>
    %reduce_sum3A_431 = vector.multi_reduction <add>, %slice3A_429, %reduce_sum3A_430 [1] : vector<8x16xf32> to vector<8xf32>
    %broadcast_in_dim3A_432 = vector.shape_cast %reduce_sum3A_431 : vector<8xf32> to vector<8x1xf32>
    %gt3A_433 = arith.constant 0.000000e+00 : f32
    %gt3A_434 = vector.broadcast %gt3A_433 : f32 to vector<8x1xf32>
    %gt3A_435 = arith.cmpf ogt, %broadcast_in_dim3A_432, %gt3A_434 : vector<8x1xf32>
    %convert_element_type3A_436 = arith.extui %gt3A_435 : vector<8x1xi1> to vector<8x1xi32>
    %shift_left3A_437 = arith.constant 11 : i32
    %shift_left3A_438 = vector.broadcast %shift_left3A_437 : i32 to vector<8x1xi32>
    %shift_left3A_439 = arith.shli %convert_element_type3A_436, %shift_left3A_438 : vector<8x1xi32>
    %or3A_440 = arith.ori %or3A_428, %shift_left3A_439 : vector<8x1xi32>
    %slice3A_441 = vector.extract_strided_slice %dot_general3A_85 {offsets = [0, 0], sizes = [8, 16], strides = [1, 1]} : vector<8x64xf32> to vector<8x16xf32>
    %reduce_sum3A_442 = arith.constant dense<0.000000e+00> : vector<8xf32>
    %reduce_sum3A_443 = vector.multi_reduction <add>, %slice3A_441, %reduce_sum3A_442 [1] : vector<8x16xf32> to vector<8xf32>
    %broadcast_in_dim3A_444 = vector.shape_cast %reduce_sum3A_443 : vector<8xf32> to vector<8x1xf32>
    %gt3A_445 = arith.constant 0.000000e+00 : f32
    %gt3A_446 = vector.broadcast %gt3A_445 : f32 to vector<8x1xf32>
    %gt3A_447 = arith.cmpf ogt, %broadcast_in_dim3A_444, %gt3A_446 : vector<8x1xf32>
    %convert_element_type3A_448 = arith.extui %gt3A_447 : vector<8x1xi1> to vector<8x1xi32>
    %shift_left3A_449 = arith.constant 12 : i32
    %shift_left3A_450 = vector.broadcast %shift_left3A_449 : i32 to vector<8x1xi32>
    %shift_left3A_451 = arith.shli %convert_element_type3A_448, %shift_left3A_450 : vector<8x1xi32>
    %or3A_452 = arith.ori %or3A_440, %shift_left3A_451 : vector<8x1xi32>
    %slice3A_453 = vector.extract_strided_slice %dot_general3A_85 {offsets = [0, 16], sizes = [8, 16], strides = [1, 1]} : vector<8x64xf32> to vector<8x16xf32>
    %reduce_sum3A_454 = arith.constant dense<0.000000e+00> : vector<8xf32>
    %reduce_sum3A_455 = vector.multi_reduction <add>, %slice3A_453, %reduce_sum3A_454 [1] : vector<8x16xf32> to vector<8xf32>
    %broadcast_in_dim3A_456 = vector.shape_cast %reduce_sum3A_455 : vector<8xf32> to vector<8x1xf32>
    %gt3A_457 = arith.constant 0.000000e+00 : f32
    %gt3A_458 = vector.broadcast %gt3A_457 : f32 to vector<8x1xf32>
    %gt3A_459 = arith.cmpf ogt, %broadcast_in_dim3A_456, %gt3A_458 : vector<8x1xf32>
    %convert_element_type3A_460 = arith.extui %gt3A_459 : vector<8x1xi1> to vector<8x1xi32>
    %shift_left3A_461 = arith.constant 13 : i32
    %shift_left3A_462 = vector.broadcast %shift_left3A_461 : i32 to vector<8x1xi32>
    %shift_left3A_463 = arith.shli %convert_element_type3A_460, %shift_left3A_462 : vector<8x1xi32>
    %or3A_464 = arith.ori %or3A_452, %shift_left3A_463 : vector<8x1xi32>
    %slice3A_465 = vector.extract_strided_slice %dot_general3A_85 {offsets = [0, 32], sizes = [8, 16], strides = [1, 1]} : vector<8x64xf32> to vector<8x16xf32>
    %reduce_sum3A_466 = arith.constant dense<0.000000e+00> : vector<8xf32>
    %reduce_sum3A_467 = vector.multi_reduction <add>, %slice3A_465, %reduce_sum3A_466 [1] : vector<8x16xf32> to vector<8xf32>
    %broadcast_in_dim3A_468 = vector.shape_cast %reduce_sum3A_467 : vector<8xf32> to vector<8x1xf32>
    %gt3A_469 = arith.constant 0.000000e+00 : f32
    %gt3A_470 = vector.broadcast %gt3A_469 : f32 to vector<8x1xf32>
    %gt3A_471 = arith.cmpf ogt, %broadcast_in_dim3A_468, %gt3A_470 : vector<8x1xf32>
    %convert_element_type3A_472 = arith.extui %gt3A_471 : vector<8x1xi1> to vector<8x1xi32>
    %shift_left3A_473 = arith.constant 14 : i32
    %shift_left3A_474 = vector.broadcast %shift_left3A_473 : i32 to vector<8x1xi32>
    %shift_left3A_475 = arith.shli %convert_element_type3A_472, %shift_left3A_474 : vector<8x1xi32>
    %or3A_476 = arith.ori %or3A_464, %shift_left3A_475 : vector<8x1xi32>
    %slice3A_477 = vector.extract_strided_slice %dot_general3A_85 {offsets = [0, 48], sizes = [8, 16], strides = [1, 1]} : vector<8x64xf32> to vector<8x16xf32>
    %reduce_sum3A_478 = arith.constant dense<0.000000e+00> : vector<8xf32>
    %reduce_sum3A_479 = vector.multi_reduction <add>, %slice3A_477, %reduce_sum3A_478 [1] : vector<8x16xf32> to vector<8xf32>
    %broadcast_in_dim3A_480 = vector.shape_cast %reduce_sum3A_479 : vector<8xf32> to vector<8x1xf32>
    %gt3A_481 = arith.constant 0.000000e+00 : f32
    %gt3A_482 = vector.broadcast %gt3A_481 : f32 to vector<8x1xf32>
    %gt3A_483 = arith.cmpf ogt, %broadcast_in_dim3A_480, %gt3A_482 : vector<8x1xf32>
    %convert_element_type3A_484 = arith.extui %gt3A_483 : vector<8x1xi1> to vector<8x1xi32>
    %shift_left3A_485 = arith.constant 15 : i32
    %shift_left3A_486 = vector.broadcast %shift_left3A_485 : i32 to vector<8x1xi32>
    %shift_left3A_487 = arith.shli %convert_element_type3A_484, %shift_left3A_486 : vector<8x1xi32>
    %or3A_488 = arith.ori %or3A_476, %shift_left3A_487 : vector<8x1xi32>
    %slice3A_489 = vector.extract_strided_slice %dot_general3A_92 {offsets = [0, 0], sizes = [8, 16], strides = [1, 1]} : vector<8x64xf32> to vector<8x16xf32>
    %reduce_sum3A_490 = arith.constant dense<0.000000e+00> : vector<8xf32>
    %reduce_sum3A_491 = vector.multi_reduction <add>, %slice3A_489, %reduce_sum3A_490 [1] : vector<8x16xf32> to vector<8xf32>
    %broadcast_in_dim3A_492 = vector.shape_cast %reduce_sum3A_491 : vector<8xf32> to vector<8x1xf32>
    %gt3A_493 = arith.constant 0.000000e+00 : f32
    %gt3A_494 = vector.broadcast %gt3A_493 : f32 to vector<8x1xf32>
    %gt3A_495 = arith.cmpf ogt, %broadcast_in_dim3A_492, %gt3A_494 : vector<8x1xf32>
    %convert_element_type3A_496 = arith.extui %gt3A_495 : vector<8x1xi1> to vector<8x1xi32>
    %shift_left3A_497 = arith.constant 0 : i32
    %shift_left3A_498 = vector.broadcast %shift_left3A_497 : i32 to vector<8x1xi32>
    %shift_left3A_499 = arith.shli %convert_element_type3A_496, %shift_left3A_498 : vector<8x1xi32>
    %or3A_500 = arith.ori %broadcast_in_dim3A_108, %shift_left3A_499 : vector<8x1xi32>
    %slice3A_501 = vector.extract_strided_slice %dot_general3A_92 {offsets = [0, 16], sizes = [8, 16], strides = [1, 1]} : vector<8x64xf32> to vector<8x16xf32>
    %reduce_sum3A_502 = arith.constant dense<0.000000e+00> : vector<8xf32>
    %reduce_sum3A_503 = vector.multi_reduction <add>, %slice3A_501, %reduce_sum3A_502 [1] : vector<8x16xf32> to vector<8xf32>
    %broadcast_in_dim3A_504 = vector.shape_cast %reduce_sum3A_503 : vector<8xf32> to vector<8x1xf32>
    %gt3A_505 = arith.constant 0.000000e+00 : f32
    %gt3A_506 = vector.broadcast %gt3A_505 : f32 to vector<8x1xf32>
    %gt3A_507 = arith.cmpf ogt, %broadcast_in_dim3A_504, %gt3A_506 : vector<8x1xf32>
    %convert_element_type3A_508 = arith.extui %gt3A_507 : vector<8x1xi1> to vector<8x1xi32>
    %shift_left3A_509 = arith.constant 1 : i32
    %shift_left3A_510 = vector.broadcast %shift_left3A_509 : i32 to vector<8x1xi32>
    %shift_left3A_511 = arith.shli %convert_element_type3A_508, %shift_left3A_510 : vector<8x1xi32>
    %or3A_512 = arith.ori %or3A_500, %shift_left3A_511 : vector<8x1xi32>
    %slice3A_513 = vector.extract_strided_slice %dot_general3A_92 {offsets = [0, 32], sizes = [8, 16], strides = [1, 1]} : vector<8x64xf32> to vector<8x16xf32>
    %reduce_sum3A_514 = arith.constant dense<0.000000e+00> : vector<8xf32>
    %reduce_sum3A_515 = vector.multi_reduction <add>, %slice3A_513, %reduce_sum3A_514 [1] : vector<8x16xf32> to vector<8xf32>
    %broadcast_in_dim3A_516 = vector.shape_cast %reduce_sum3A_515 : vector<8xf32> to vector<8x1xf32>
    %gt3A_517 = arith.constant 0.000000e+00 : f32
    %gt3A_518 = vector.broadcast %gt3A_517 : f32 to vector<8x1xf32>
    %gt3A_519 = arith.cmpf ogt, %broadcast_in_dim3A_516, %gt3A_518 : vector<8x1xf32>
    %convert_element_type3A_520 = arith.extui %gt3A_519 : vector<8x1xi1> to vector<8x1xi32>
    %shift_left3A_521 = arith.constant 2 : i32
    %shift_left3A_522 = vector.broadcast %shift_left3A_521 : i32 to vector<8x1xi32>
    %shift_left3A_523 = arith.shli %convert_element_type3A_520, %shift_left3A_522 : vector<8x1xi32>
    %or3A_524 = arith.ori %or3A_512, %shift_left3A_523 : vector<8x1xi32>
    %slice3A_525 = vector.extract_strided_slice %dot_general3A_92 {offsets = [0, 48], sizes = [8, 16], strides = [1, 1]} : vector<8x64xf32> to vector<8x16xf32>
    %reduce_sum3A_526 = arith.constant dense<0.000000e+00> : vector<8xf32>
    %reduce_sum3A_527 = vector.multi_reduction <add>, %slice3A_525, %reduce_sum3A_526 [1] : vector<8x16xf32> to vector<8xf32>
    %broadcast_in_dim3A_528 = vector.shape_cast %reduce_sum3A_527 : vector<8xf32> to vector<8x1xf32>
    %gt3A_529 = arith.constant 0.000000e+00 : f32
    %gt3A_530 = vector.broadcast %gt3A_529 : f32 to vector<8x1xf32>
    %gt3A_531 = arith.cmpf ogt, %broadcast_in_dim3A_528, %gt3A_530 : vector<8x1xf32>
    %convert_element_type3A_532 = arith.extui %gt3A_531 : vector<8x1xi1> to vector<8x1xi32>
    %shift_left3A_533 = arith.constant 3 : i32
    %shift_left3A_534 = vector.broadcast %shift_left3A_533 : i32 to vector<8x1xi32>
    %shift_left3A_535 = arith.shli %convert_element_type3A_532, %shift_left3A_534 : vector<8x1xi32>
    %or3A_536 = arith.ori %or3A_524, %shift_left3A_535 : vector<8x1xi32>
    %slice3A_537 = vector.extract_strided_slice %dot_general3A_99 {offsets = [0, 0], sizes = [8, 16], strides = [1, 1]} : vector<8x64xf32> to vector<8x16xf32>
    %reduce_sum3A_538 = arith.constant dense<0.000000e+00> : vector<8xf32>
    %reduce_sum3A_539 = vector.multi_reduction <add>, %slice3A_537, %reduce_sum3A_538 [1] : vector<8x16xf32> to vector<8xf32>
    %broadcast_in_dim3A_540 = vector.shape_cast %reduce_sum3A_539 : vector<8xf32> to vector<8x1xf32>
    %gt3A_541 = arith.constant 0.000000e+00 : f32
    %gt3A_542 = vector.broadcast %gt3A_541 : f32 to vector<8x1xf32>
    %gt3A_543 = arith.cmpf ogt, %broadcast_in_dim3A_540, %gt3A_542 : vector<8x1xf32>
    %convert_element_type3A_544 = arith.extui %gt3A_543 : vector<8x1xi1> to vector<8x1xi32>
    %shift_left3A_545 = arith.constant 4 : i32
    %shift_left3A_546 = vector.broadcast %shift_left3A_545 : i32 to vector<8x1xi32>
    %shift_left3A_547 = arith.shli %convert_element_type3A_544, %shift_left3A_546 : vector<8x1xi32>
    %or3A_548 = arith.ori %or3A_536, %shift_left3A_547 : vector<8x1xi32>
    %slice3A_549 = vector.extract_strided_slice %dot_general3A_99 {offsets = [0, 16], sizes = [8, 16], strides = [1, 1]} : vector<8x64xf32> to vector<8x16xf32>
    %reduce_sum3A_550 = arith.constant dense<0.000000e+00> : vector<8xf32>
    %reduce_sum3A_551 = vector.multi_reduction <add>, %slice3A_549, %reduce_sum3A_550 [1] : vector<8x16xf32> to vector<8xf32>
    %broadcast_in_dim3A_552 = vector.shape_cast %reduce_sum3A_551 : vector<8xf32> to vector<8x1xf32>
    %gt3A_553 = arith.constant 0.000000e+00 : f32
    %gt3A_554 = vector.broadcast %gt3A_553 : f32 to vector<8x1xf32>
    %gt3A_555 = arith.cmpf ogt, %broadcast_in_dim3A_552, %gt3A_554 : vector<8x1xf32>
    %convert_element_type3A_556 = arith.extui %gt3A_555 : vector<8x1xi1> to vector<8x1xi32>
    %shift_left3A_557 = arith.constant 5 : i32
    %shift_left3A_558 = vector.broadcast %shift_left3A_557 : i32 to vector<8x1xi32>
    %shift_left3A_559 = arith.shli %convert_element_type3A_556, %shift_left3A_558 : vector<8x1xi32>
    %or3A_560 = arith.ori %or3A_548, %shift_left3A_559 : vector<8x1xi32>
    %slice3A_561 = vector.extract_strided_slice %dot_general3A_99 {offsets = [0, 32], sizes = [8, 16], strides = [1, 1]} : vector<8x64xf32> to vector<8x16xf32>
    %reduce_sum3A_562 = arith.constant dense<0.000000e+00> : vector<8xf32>
    %reduce_sum3A_563 = vector.multi_reduction <add>, %slice3A_561, %reduce_sum3A_562 [1] : vector<8x16xf32> to vector<8xf32>
    %broadcast_in_dim3A_564 = vector.shape_cast %reduce_sum3A_563 : vector<8xf32> to vector<8x1xf32>
    %gt3A_565 = arith.constant 0.000000e+00 : f32
    %gt3A_566 = vector.broadcast %gt3A_565 : f32 to vector<8x1xf32>
    %gt3A_567 = arith.cmpf ogt, %broadcast_in_dim3A_564, %gt3A_566 : vector<8x1xf32>
    %convert_element_type3A_568 = arith.extui %gt3A_567 : vector<8x1xi1> to vector<8x1xi32>
    %shift_left3A_569 = arith.constant 6 : i32
    %shift_left3A_570 = vector.broadcast %shift_left3A_569 : i32 to vector<8x1xi32>
    %shift_left3A_571 = arith.shli %convert_element_type3A_568, %shift_left3A_570 : vector<8x1xi32>
    %or3A_572 = arith.ori %or3A_560, %shift_left3A_571 : vector<8x1xi32>
    %slice3A_573 = vector.extract_strided_slice %dot_general3A_99 {offsets = [0, 48], sizes = [8, 16], strides = [1, 1]} : vector<8x64xf32> to vector<8x16xf32>
    %reduce_sum3A_574 = arith.constant dense<0.000000e+00> : vector<8xf32>
    %reduce_sum3A_575 = vector.multi_reduction <add>, %slice3A_573, %reduce_sum3A_574 [1] : vector<8x16xf32> to vector<8xf32>
    %broadcast_in_dim3A_576 = vector.shape_cast %reduce_sum3A_575 : vector<8xf32> to vector<8x1xf32>
    %gt3A_577 = arith.constant 0.000000e+00 : f32
    %gt3A_578 = vector.broadcast %gt3A_577 : f32 to vector<8x1xf32>
    %gt3A_579 = arith.cmpf ogt, %broadcast_in_dim3A_576, %gt3A_578 : vector<8x1xf32>
    %convert_element_type3A_580 = arith.extui %gt3A_579 : vector<8x1xi1> to vector<8x1xi32>
    %shift_left3A_581 = arith.constant 7 : i32
    %shift_left3A_582 = vector.broadcast %shift_left3A_581 : i32 to vector<8x1xi32>
    %shift_left3A_583 = arith.shli %convert_element_type3A_580, %shift_left3A_582 : vector<8x1xi32>
    %or3A_584 = arith.ori %or3A_572, %shift_left3A_583 : vector<8x1xi32>
    %broadcast_in_dim3A_585 = arith.constant 0 : i32
    %broadcast_in_dim3A_586 = vector.broadcast %broadcast_in_dim3A_585 : i32 to vector<8x13xi32>
    %concatenate3A = tpu.concatenate %or3A_296, %or3A_488, %or3A_584, %broadcast_in_dim3A_586 in 1 : vector<8x1xi32>, vector<8x1xi32>, vector<8x1xi32>, vector<8x13xi32> -> vector<8x16xi32>
    %swap3A_587 = arith.constant 0 : index
    %swap3A_588 = arith.constant 0 : index
    %swap3A_589 = vector.load %arg5[%swap3A_587, %swap3A_588] : memref<8x16xi32, #tpu.memory_space<vmem>>, vector<8x16xi32>
    tpu.vector_store %arg5[%swap3A_587, %swap3A_588], %concatenate3A {strides = array<i32>} : memref<8x16xi32, #tpu.memory_space<vmem>>, vector<8x16xi32>,
    return
  }
  func.func @transform_0(%arg0: i32) -> (i32, i32) {
    %c0_i32 = arith.constant 0 : i32
    %c0_i32_0 = arith.constant 0 : i32
    return %arg0, %c0_i32 : i32, i32
  }
  func.func @transform_1(%arg0: i32) -> (i32, i32) {
    %c0_i32 = arith.constant 0 : i32
    %c0_i32_0 = arith.constant 0 : i32
    %c0_i32_1 = arith.constant 0 : i32
    return %c0_i32, %c0_i32_0 : i32, i32
  }
  func.func @transform_2(%arg0: i32) -> (i32, i32) {
    %c0_i32 = arith.constant 0 : i32
    %c0_i32_0 = arith.constant 0 : i32
    %c0_i32_1 = arith.constant 0 : i32
    return %c0_i32, %c0_i32_0 : i32, i32
  }
  func.func @transform_3(%arg0: i32) -> (i32, i32) {
    %c0_i32 = arith.constant 0 : i32
    %c0_i32_0 = arith.constant 0 : i32
    return %arg0, %c0_i32 : i32, i32
  }
  func.func @transform_4(%arg0: i32) -> (i32, i32) {
    %c0_i32 = arith.constant 0 : i32
    %c0_i32_0 = arith.constant 0 : i32
    return %arg0, %c0_i32 : i32, i32
  }
}

module attributes {stable_mosaic.version = 14 : i64} {
  func.func @_pre_body(%arg0: i32, %arg1: memref<256x256xf32, #tpu.memory_space<vmem>>, %arg2: memref<256x96xf32, #tpu.memory_space<vmem>>, %arg3: memref<8x96xf32, #tpu.memory_space<vmem>>, %arg4: memref<96x96xf32, #tpu.memory_space<vmem>>, %arg5: memref<8x96xf32, #tpu.memory_space<vmem>>, %arg6: memref<96x96xf32, #tpu.memory_space<vmem>>, %arg7: memref<8x96xf32, #tpu.memory_space<vmem>>, %arg8: memref<256x96xf32, #tpu.memory_space<vmem>>, %arg9: memref<256x96xf32, #tpu.memory_space<vmem>>, %arg10: memref<256x96xf32, #tpu.memory_space<vmem>>) attributes {dimension_semantics = [#tpu.dimension_semantics<arbitrary>], iteration_bounds = array<i64: 40>, scalar_prefetch = 0 : i64, scratch_operands = 0 : i64, tpu.core_type = #tpu.core_type<tc>, window_params = [{transform_indices = @transform_0, window_bounds = array<i64: 256, 256>}, {pipeline_mode = #tpu.pipeline_mode<synchronous>, transform_indices = @transform_1, window_bounds = array<i64: 256, 96>}, {pipeline_mode = #tpu.pipeline_mode<synchronous>, transform_indices = @transform_2, window_bounds = array<i64: 8, 96>}, {pipeline_mode = #tpu.pipeline_mode<synchronous>, transform_indices = @transform_3, window_bounds = array<i64: 96, 96>}, {pipeline_mode = #tpu.pipeline_mode<synchronous>, transform_indices = @transform_4, window_bounds = array<i64: 8, 96>}, {pipeline_mode = #tpu.pipeline_mode<synchronous>, transform_indices = @transform_5, window_bounds = array<i64: 96, 96>}, {pipeline_mode = #tpu.pipeline_mode<synchronous>, transform_indices = @transform_6, window_bounds = array<i64: 8, 96>}, {transform_indices = @transform_7, window_bounds = array<i64: 256, 96>}, {transform_indices = @transform_8, window_bounds = array<i64: 256, 96>}, {transform_indices = @transform_9, window_bounds = array<i64: 256, 96>}]} {
    %get3A = arith.constant 0 : index
    %get3A_0 = arith.constant 0 : index
    %get3A_1 = vector.load %arg1[%get3A, %get3A_0] : memref<256x256xf32, #tpu.memory_space<vmem>>, vector<256x256xf32>
    %get3A_2 = arith.constant 0 : index
    %get3A_3 = arith.constant 0 : index
    %get3A_4 = vector.load %arg2[%get3A_2, %get3A_3] : memref<256x96xf32, #tpu.memory_space<vmem>>, vector<256x96xf32>
    %dot_general3A = arith.constant dense<0.000000e+00> : vector<256x96xf32>
    %dot_general3A_5 = tpu.matmul %get3A_1, %get3A_4, %dot_general3A {dimension_numbers = #tpu.dot_dimension_numbers<[1], [0], [0], [1], [0, 0, 1, 1], [], []>, transpose_lhs_hint = false} : vector<256x256xf32>, vector<256x96xf32>, vector<256x96xf32> -> vector<256x96xf32>
    %get3A_6 = arith.constant 0 : index
    %get3A_7 = arith.constant 0 : index
    %get3A_8 = vector.load %arg3[%get3A_6, %get3A_7] : memref<8x96xf32, #tpu.memory_space<vmem>>, vector<1x96xf32>
    %add3A = vector.broadcast %get3A_8 : vector<1x96xf32> to vector<256x96xf32>
    %add3A_9 = arith.addf %dot_general3A_5, %add3A : vector<256x96xf32>
    %neg3A = arith.constant 0.000000e+00 : f32
    %neg3A_10 = vector.broadcast %neg3A : f32 to vector<256x96xf32>
    %neg3A_11 = arith.subf %neg3A_10, %add3A_9 : vector<256x96xf32>
    %exp3A = math.exp %neg3A_11 : vector<256x96xf32>
    %add3A_12 = arith.constant 1.000000e+00 : f32
    %add3A_13 = vector.broadcast %add3A_12 : f32 to vector<256x96xf32>
    %add3A_14 = arith.addf %add3A_13, %exp3A : vector<256x96xf32>
    %div3A = arith.divf %add3A_9, %add3A_14 : vector<256x96xf32>
    %swap3A = arith.constant 0 : index
    %swap3A_15 = arith.constant 0 : index
    %swap3A_16 = vector.load %arg8[%swap3A, %swap3A_15] : memref<256x96xf32, #tpu.memory_space<vmem>>, vector<256x96xf32>
    tpu.vector_store %arg8[%swap3A, %swap3A_15], %div3A {strides = array<i32>} : memref<256x96xf32, #tpu.memory_space<vmem>>, vector<256x96xf32>,
    %get3A_17 = arith.constant 0 : index
    %get3A_18 = arith.constant 0 : index
    %get3A_19 = vector.load %arg4[%get3A_17, %get3A_18] : memref<96x96xf32, #tpu.memory_space<vmem>>, vector<96x96xf32>
    %dot_general3A_20 = arith.constant dense<0.000000e+00> : vector<256x96xf32>
    %dot_general3A_21 = tpu.matmul %div3A, %get3A_19, %dot_general3A_20 {dimension_numbers = #tpu.dot_dimension_numbers<[1], [0], [0], [1], [0, 0, 1, 1], [], []>, transpose_lhs_hint = false} : vector<256x96xf32>, vector<96x96xf32>, vector<256x96xf32> -> vector<256x96xf32>
    %get3A_22 = arith.constant 0 : index
    %get3A_23 = arith.constant 0 : index
    %get3A_24 = vector.load %arg5[%get3A_22, %get3A_23] : memref<8x96xf32, #tpu.memory_space<vmem>>, vector<1x96xf32>
    %add3A_25 = vector.broadcast %get3A_24 : vector<1x96xf32> to vector<256x96xf32>
    %add3A_26 = arith.addf %dot_general3A_21, %add3A_25 : vector<256x96xf32>
    %swap3A_27 = arith.constant 0 : index
    %swap3A_28 = arith.constant 0 : index
    %swap3A_29 = vector.load %arg9[%swap3A_27, %swap3A_28] : memref<256x96xf32, #tpu.memory_space<vmem>>, vector<256x96xf32>
    tpu.vector_store %arg9[%swap3A_27, %swap3A_28], %add3A_26 {strides = array<i32>} : memref<256x96xf32, #tpu.memory_space<vmem>>, vector<256x96xf32>,
    %get3A_30 = arith.constant 0 : index
    %get3A_31 = arith.constant 0 : index
    %get3A_32 = vector.load %arg6[%get3A_30, %get3A_31] : memref<96x96xf32, #tpu.memory_space<vmem>>, vector<96x96xf32>
    %dot_general3A_33 = arith.constant dense<0.000000e+00> : vector<256x96xf32>
    %dot_general3A_34 = tpu.matmul %div3A, %get3A_32, %dot_general3A_33 {dimension_numbers = #tpu.dot_dimension_numbers<[1], [0], [0], [1], [0, 0, 1, 1], [], []>, transpose_lhs_hint = false} : vector<256x96xf32>, vector<96x96xf32>, vector<256x96xf32> -> vector<256x96xf32>
    %get3A_35 = arith.constant 0 : index
    %get3A_36 = arith.constant 0 : index
    %get3A_37 = vector.load %arg7[%get3A_35, %get3A_36] : memref<8x96xf32, #tpu.memory_space<vmem>>, vector<1x96xf32>
    %add3A_38 = vector.broadcast %get3A_37 : vector<1x96xf32> to vector<256x96xf32>
    %add3A_39 = arith.addf %dot_general3A_34, %add3A_38 : vector<256x96xf32>
    %swap3A_40 = arith.constant 0 : index
    %swap3A_41 = arith.constant 0 : index
    %swap3A_42 = vector.load %arg10[%swap3A_40, %swap3A_41] : memref<256x96xf32, #tpu.memory_space<vmem>>, vector<256x96xf32>
    tpu.vector_store %arg10[%swap3A_40, %swap3A_41], %add3A_39 {strides = array<i32>} : memref<256x96xf32, #tpu.memory_space<vmem>>, vector<256x96xf32>,
    return
  }
  func.func @transform_0(%arg0: i32) -> (i32, i32) {
    %c0_i32 = arith.constant 0 : i32
    %c0_i32_0 = arith.constant 0 : i32
    return %arg0, %c0_i32 : i32, i32
  }
  func.func @transform_1(%arg0: i32) -> (i32, i32) {
    %c0_i32 = arith.constant 0 : i32
    %c0_i32_0 = arith.constant 0 : i32
    %c0_i32_1 = arith.constant 0 : i32
    return %c0_i32, %c0_i32_0 : i32, i32
  }
  func.func @transform_2(%arg0: i32) -> (i32, i32) {
    %c0_i32 = arith.constant 0 : i32
    %c0_i32_0 = arith.constant 0 : i32
    %c0_i32_1 = arith.constant 0 : i32
    return %c0_i32, %c0_i32_0 : i32, i32
  }
  func.func @transform_3(%arg0: i32) -> (i32, i32) {
    %c0_i32 = arith.constant 0 : i32
    %c0_i32_0 = arith.constant 0 : i32
    %c0_i32_1 = arith.constant 0 : i32
    return %c0_i32, %c0_i32_0 : i32, i32
  }
  func.func @transform_4(%arg0: i32) -> (i32, i32) {
    %c0_i32 = arith.constant 0 : i32
    %c0_i32_0 = arith.constant 0 : i32
    %c0_i32_1 = arith.constant 0 : i32
    return %c0_i32, %c0_i32_0 : i32, i32
  }
  func.func @transform_5(%arg0: i32) -> (i32, i32) {
    %c0_i32 = arith.constant 0 : i32
    %c0_i32_0 = arith.constant 0 : i32
    %c0_i32_1 = arith.constant 0 : i32
    return %c0_i32, %c0_i32_0 : i32, i32
  }
  func.func @transform_6(%arg0: i32) -> (i32, i32) {
    %c0_i32 = arith.constant 0 : i32
    %c0_i32_0 = arith.constant 0 : i32
    %c0_i32_1 = arith.constant 0 : i32
    return %c0_i32, %c0_i32_0 : i32, i32
  }
  func.func @transform_7(%arg0: i32) -> (i32, i32) {
    %c0_i32 = arith.constant 0 : i32
    %c0_i32_0 = arith.constant 0 : i32
    return %arg0, %c0_i32 : i32, i32
  }
  func.func @transform_8(%arg0: i32) -> (i32, i32) {
    %c0_i32 = arith.constant 0 : i32
    %c0_i32_0 = arith.constant 0 : i32
    return %arg0, %c0_i32 : i32, i32
  }
  func.func @transform_9(%arg0: i32) -> (i32, i32) {
    %c0_i32 = arith.constant 0 : i32
    %c0_i32_0 = arith.constant 0 : i32
    return %arg0, %c0_i32 : i32, i32
  }
}

module attributes {stable_mosaic.version = 14 : i64} {
  func.func @_fill_body(%arg0: i32, %arg1: memref<32x8xf32, #tpu.memory_space<vmem>>, %arg2: memref<1024x128xf32, #tpu.memory_space<vmem>>, %arg3: memref<1x1x32xf32, #tpu.memory_space<vmem>>, %arg4: memref<8x32xf32, #tpu.memory_space<vmem>>) attributes {dimension_semantics = [#tpu.dimension_semantics<arbitrary>], iteration_bounds = array<i64: 320>, scalar_prefetch = 0 : i64, scratch_operands = 0 : i64, tpu.core_type = #tpu.core_type<tc>, window_params = [{transform_indices = @transform_0, window_bounds = array<i64: 32, 8>}, {transform_indices = @transform_1, window_bounds = array<i64: 1024, 128>}, {transform_indices = @transform_2, window_bounds = array<i64: 1, 1, 32>}, {pipeline_mode = #tpu.pipeline_mode<synchronous>, transform_indices = @transform_3, window_bounds = array<i64: 8, 32>}]} {
    %get3A = arith.constant 0 : index
    %get3A_0 = arith.constant 0 : index
    %get3A_1 = vector.load %arg1[%get3A, %get3A_0] : memref<32x8xf32, #tpu.memory_space<vmem>>, vector<32x8xf32>
    %get3A_2 = arith.constant 0 : index
    %get3A_3 = arith.constant 0 : index
    %get3A_4 = vector.load %arg2[%get3A_2, %get3A_3] : memref<1024x128xf32, #tpu.memory_space<vmem>>, vector<1024x128xf32>
    %get3A_5 = arith.constant 0 : index
    %get3A_6 = arith.constant 0 : index
    %get3A_7 = arith.constant 0 : index
    %get3A_8 = vector.load %arg3[%get3A_5, %get3A_6, %get3A_7] : memref<1x1x32xf32, #tpu.memory_space<vmem>>, vector<1x1x32xf32>
    %get3A_9 = vector.shape_cast %get3A_8 : vector<1x1x32xf32> to vector<1x32xf32>
    %slice3A = vector.extract_strided_slice %get3A_1 {offsets = [0, 0], sizes = [32, 3], strides = [1, 1]} : vector<32x8xf32> to vector<32x3xf32>
    %slice3A_10 = vector.extract_strided_slice %get3A_4 {offsets = [0, 96], sizes = [1024, 3], strides = [1, 1]} : vector<1024x128xf32> to vector<1024x3xf32>
    %reshape3A = vector.shape_cast %slice3A_10 : vector<1024x3xf32> to vector<32x32x3xf32>
    %broadcast_in_dim3A = vector.shape_cast %slice3A : vector<32x3xf32> to vector<32x1x3xf32>
    %sub3A = vector.broadcast %broadcast_in_dim3A : vector<32x1x3xf32> to vector<32x32x3xf32>
    %sub3A_11 = arith.subf %sub3A, %reshape3A : vector<32x32x3xf32>
    %mul3A = arith.mulf %sub3A_11, %sub3A_11 : vector<32x32x3xf32>
    %reduce_sum3A = arith.constant dense<0.000000e+00> : vector<32x32xf32>
    %reduce_sum3A_12 = vector.multi_reduction <add>, %mul3A, %reduce_sum3A [2] : vector<32x32x3xf32> to vector<32x32xf32>
    %iota3A = tpu.iota {dimensions = array<i32: 1>} : vector<32x32xi32>
    %convert_element_type3A = arith.sitofp %iota3A : vector<32x32xi32> to vector<32x32xf32>
    %reshape3A_13 = vector.shape_cast %get3A_9 : vector<1x32xf32> to vector<32x1xf32>
    %lt3A = vector.broadcast %reshape3A_13 : vector<32x1xf32> to vector<32x32xf32>
    %lt3A_14 = arith.cmpf olt, %convert_element_type3A, %lt3A : vector<32x32xf32>
    %convert_element_type3A_15 = arith.extui %lt3A_14 : vector<32x32xi1> to vector<32x32xi32>
    %convert_element_type3A_16 = arith.sitofp %convert_element_type3A_15 : vector<32x32xi32> to vector<32x32xf32>
    %add3A = arith.constant 9.99999996E-13 : f32
    %add3A_17 = vector.broadcast %add3A : f32 to vector<32x32xf32>
    %add3A_18 = arith.addf %reduce_sum3A_12, %add3A_17 : vector<32x32xf32>
    %sqrt3A = math.sqrt %add3A_18 : vector<32x32xf32>
    %iota3A_19 = tpu.iota {dimensions = array<i32: 2>} : vector<1x1x16xi32>
    %convert_element_type3A_20 = arith.sitofp %iota3A_19 : vector<1x1x16xi32> to vector<1x1x16xf32>
    %mul3A_21 = arith.constant 0.666666686 : f32
    %mul3A_22 = vector.broadcast %mul3A_21 : f32 to vector<1x1x16xf32>
    %mul3A_23 = arith.mulf %convert_element_type3A_20, %mul3A_22 : vector<1x1x16xf32>
    %broadcast_in_dim3A_24 = vector.shape_cast %sqrt3A : vector<32x32xf32> to vector<32x32x1xf32>
    %sub3A_25 = vector.broadcast %broadcast_in_dim3A_24 : vector<32x32x1xf32> to vector<32x32x16xf32>
    %sub3A_26 = vector.broadcast %mul3A_23 : vector<1x1x16xf32> to vector<32x32x16xf32>
    %sub3A_27 = arith.subf %sub3A_25, %sub3A_26 : vector<32x32x16xf32>
    %mul3A_28 = arith.constant -1.125000e+00 : f32
    %mul3A_29 = vector.broadcast %mul3A_28 : f32 to vector<32x32x16xf32>
    %mul3A_30 = arith.mulf %mul3A_29, %sub3A_27 : vector<32x32x16xf32>
    %mul3A_31 = arith.mulf %mul3A_30, %sub3A_27 : vector<32x32x16xf32>
    %exp3A = math.exp %mul3A_31 : vector<32x32x16xf32>
    %broadcast_in_dim3A_32 = vector.shape_cast %convert_element_type3A_16 : vector<32x32xf32> to vector<32x32x1xf32>
    %mul3A_33 = vector.broadcast %broadcast_in_dim3A_32 : vector<32x32x1xf32> to vector<32x32x16xf32>
    %mul3A_34 = arith.mulf %exp3A, %mul3A_33 : vector<32x32x16xf32>
    %reduce_sum3A_35 = arith.constant dense<0.000000e+00> : vector<32x16xf32>
    %reduce_sum3A_36 = vector.multi_reduction <add>, %mul3A_34, %reduce_sum3A_35 [1] : vector<32x32x16xf32> to vector<32x16xf32>
    %reduce_sum3A_37 = arith.constant dense<0.000000e+00> : vector<32xf32>
    %reduce_sum3A_38 = vector.multi_reduction <add>, %convert_element_type3A_16, %reduce_sum3A_37 [1] : vector<32x32xf32> to vector<32xf32>
    %broadcast_in_dim3A_39 = vector.shape_cast %reduce_sum3A_38 : vector<32xf32> to vector<32x1xf32>
    %slice3A_40 = vector.extract_strided_slice %reduce_sum3A_36 {offsets = [0, 0], sizes = [8, 16], strides = [1, 1]} : vector<32x16xf32> to vector<8x16xf32>
    %slice3A_41 = vector.extract_strided_slice %broadcast_in_dim3A_39 {offsets = [0, 0], sizes = [8, 1], strides = [1, 1]} : vector<32x1xf32> to vector<8x1xf32>
    %slice3A_42 = vector.extract_strided_slice %reduce_sum3A_36 {offsets = [8, 0], sizes = [8, 16], strides = [1, 1]} : vector<32x16xf32> to vector<8x16xf32>
    %add3A_43 = arith.addf %slice3A_40, %slice3A_42 : vector<8x16xf32>
    %slice3A_44 = vector.extract_strided_slice %broadcast_in_dim3A_39 {offsets = [8, 0], sizes = [8, 1], strides = [1, 1]} : vector<32x1xf32> to vector<8x1xf32>
    %add3A_45 = arith.addf %slice3A_41, %slice3A_44 : vector<8x1xf32>
    %slice3A_46 = vector.extract_strided_slice %reduce_sum3A_36 {offsets = [16, 0], sizes = [8, 16], strides = [1, 1]} : vector<32x16xf32> to vector<8x16xf32>
    %add3A_47 = arith.addf %add3A_43, %slice3A_46 : vector<8x16xf32>
    %slice3A_48 = vector.extract_strided_slice %broadcast_in_dim3A_39 {offsets = [16, 0], sizes = [8, 1], strides = [1, 1]} : vector<32x1xf32> to vector<8x1xf32>
    %add3A_49 = arith.addf %add3A_45, %slice3A_48 : vector<8x1xf32>
    %slice3A_50 = vector.extract_strided_slice %reduce_sum3A_36 {offsets = [24, 0], sizes = [8, 16], strides = [1, 1]} : vector<32x16xf32> to vector<8x16xf32>
    %add3A_51 = arith.addf %add3A_47, %slice3A_50 : vector<8x16xf32>
    %slice3A_52 = vector.extract_strided_slice %broadcast_in_dim3A_39 {offsets = [24, 0], sizes = [8, 1], strides = [1, 1]} : vector<32x1xf32> to vector<8x1xf32>
    %add3A_53 = arith.addf %add3A_49, %slice3A_52 : vector<8x1xf32>
    %broadcast_in_dim3A_54 = arith.constant 0.000000e+00 : f32
    %broadcast_in_dim3A_55 = vector.broadcast %broadcast_in_dim3A_54 : f32 to vector<8x15xf32>
    %concatenate3A = tpu.concatenate %add3A_51, %add3A_53, %broadcast_in_dim3A_55 in 1 : vector<8x16xf32>, vector<8x1xf32>, vector<8x15xf32> -> vector<8x32xf32>
    %eq3A = arith.constant 0 : i32
    %eq3A_56 = arith.cmpi eq, %arg0, %eq3A : i32
    %convert_element_type3A_57 = arith.extui %eq3A_56 : i1 to i32
    %cond3A = arith.constant 0 : i32
    %cond3A_58 = arith.cmpi ne, %convert_element_type3A_57, %cond3A : i32
    scf.if %cond3A_58 {
      %swap3A = arith.constant 0 : index
      %swap3A_63 = arith.constant 0 : index
      %swap3A_64 = vector.load %arg4[%swap3A, %swap3A_63] : memref<8x32xf32, #tpu.memory_space<vmem>>, vector<8x32xf32>
      tpu.vector_store %arg4[%swap3A, %swap3A_63], %concatenate3A {strides = array<i32>} : memref<8x32xf32, #tpu.memory_space<vmem>>, vector<8x32xf32>,
    } else {
    }
    %gt3A = arith.constant 0 : i32
    %gt3A_59 = arith.cmpi sgt, %arg0, %gt3A : i32
    %convert_element_type3A_60 = arith.extui %gt3A_59 : i1 to i32
    %cond3A_61 = arith.constant 0 : i32
    %cond3A_62 = arith.cmpi ne, %convert_element_type3A_60, %cond3A_61 : i32
    scf.if %cond3A_62 {
      %get3A_63 = arith.constant 0 : index
      %get3A_64 = arith.constant 0 : index
      %get3A_65 = vector.load %arg4[%get3A_63, %get3A_64] : memref<8x32xf32, #tpu.memory_space<vmem>>, vector<8x32xf32>
      %add3A_66 = arith.addf %get3A_65, %concatenate3A : vector<8x32xf32>
      %swap3A = arith.constant 0 : index
      %swap3A_67 = arith.constant 0 : index
      %swap3A_68 = vector.load %arg4[%swap3A, %swap3A_67] : memref<8x32xf32, #tpu.memory_space<vmem>>, vector<8x32xf32>
      tpu.vector_store %arg4[%swap3A, %swap3A_67], %add3A_66 {strides = array<i32>} : memref<8x32xf32, #tpu.memory_space<vmem>>, vector<8x32xf32>,
    } else {
    }
    return
  }
  func.func @transform_0(%arg0: i32) -> (i32, i32) {
    %c0_i32 = arith.constant 0 : i32
    %c0_i32_0 = arith.constant 0 : i32
    return %arg0, %c0_i32 : i32, i32
  }
  func.func @transform_1(%arg0: i32) -> (i32, i32) {
    %c0_i32 = arith.constant 0 : i32
    %c0_i32_0 = arith.constant 0 : i32
    return %arg0, %c0_i32 : i32, i32
  }
  func.func @transform_2(%arg0: i32) -> (i32, i32, i32) {
    %c0_i32 = arith.constant 0 : i32
    %c0_i32_0 = arith.constant 0 : i32
    %c0_i32_1 = arith.constant 0 : i32
    return %arg0, %c0_i32, %c0_i32_0 : i32, i32, i32
  }
  func.func @transform_3(%arg0: i32) -> (i32, i32) {
    %c0_i32 = arith.constant 0 : i32
    %c0_i32_0 = arith.constant 0 : i32
    %c0_i32_1 = arith.constant 0 : i32
    return %c0_i32, %c0_i32_0 : i32, i32
  }
}

module attributes {stable_mosaic.version = 14 : i64} {
  func.func @_gat_body(%arg0: i32, %arg1: memref<32x96xf32, #tpu.memory_space<vmem>>, %arg2: memref<32x96xf32, #tpu.memory_space<vmem>>, %arg3: memref<32x96xf32, #tpu.memory_space<vmem>>, %arg4: memref<32x8xf32, #tpu.memory_space<vmem>>, %arg5: memref<1024x128xf32, #tpu.memory_space<vmem>>, %arg6: memref<1x1x32xf32, #tpu.memory_space<vmem>>, %arg7: memref<8x32xf32, #tpu.memory_space<vmem>>, %arg8: memref<16x96xf32, #tpu.memory_space<vmem>>, %arg9: memref<8x96xf32, #tpu.memory_space<vmem>>, %arg10: memref<8x96xf32, #tpu.memory_space<vmem>>, %arg11: memref<32x96xf32, #tpu.memory_space<vmem>>) attributes {dimension_semantics = [#tpu.dimension_semantics<arbitrary>], iteration_bounds = array<i64: 320>, scalar_prefetch = 0 : i64, scratch_operands = 0 : i64, tpu.core_type = #tpu.core_type<tc>, window_params = [{transform_indices = @transform_0, window_bounds = array<i64: 32, 96>}, {transform_indices = @transform_1, window_bounds = array<i64: 32, 96>}, {transform_indices = @transform_2, window_bounds = array<i64: 32, 96>}, {transform_indices = @transform_3, window_bounds = array<i64: 32, 8>}, {transform_indices = @transform_4, window_bounds = array<i64: 1024, 128>}, {transform_indices = @transform_5, window_bounds = array<i64: 1, 1, 32>}, {pipeline_mode = #tpu.pipeline_mode<synchronous>, transform_indices = @transform_6, window_bounds = array<i64: 8, 32>}, {pipeline_mode = #tpu.pipeline_mode<synchronous>, transform_indices = @transform_7, window_bounds = array<i64: 16, 96>}, {pipeline_mode = #tpu.pipeline_mode<synchronous>, transform_indices = @transform_8, window_bounds = array<i64: 8, 96>}, {pipeline_mode = #tpu.pipeline_mode<synchronous>, transform_indices = @transform_9, window_bounds = array<i64: 8, 96>}, {transform_indices = @transform_10, window_bounds = array<i64: 32, 96>}]} {
    %get3A = arith.constant 0 : index
    %get3A_0 = arith.constant 0 : index
    %get3A_1 = vector.load %arg5[%get3A, %get3A_0] : memref<1024x128xf32, #tpu.memory_space<vmem>>, vector<1024x128xf32>
    %get3A_2 = arith.constant 0 : index
    %get3A_3 = arith.constant 0 : index
    %get3A_4 = vector.load %arg4[%get3A_2, %get3A_3] : memref<32x8xf32, #tpu.memory_space<vmem>>, vector<32x8xf32>
    %get3A_5 = arith.constant 0 : index
    %get3A_6 = arith.constant 0 : index
    %get3A_7 = arith.constant 0 : index
    %get3A_8 = vector.load %arg6[%get3A_5, %get3A_6, %get3A_7] : memref<1x1x32xf32, #tpu.memory_space<vmem>>, vector<1x1x32xf32>
    %get3A_9 = vector.shape_cast %get3A_8 : vector<1x1x32xf32> to vector<1x32xf32>
    %slice3A = vector.extract_strided_slice %get3A_4 {offsets = [0, 0], sizes = [32, 3], strides = [1, 1]} : vector<32x8xf32> to vector<32x3xf32>
    %slice3A_10 = vector.extract_strided_slice %get3A_1 {offsets = [0, 96], sizes = [1024, 3], strides = [1, 1]} : vector<1024x128xf32> to vector<1024x3xf32>
    %reshape3A = vector.shape_cast %slice3A_10 : vector<1024x3xf32> to vector<32x32x3xf32>
    %broadcast_in_dim3A = vector.shape_cast %slice3A : vector<32x3xf32> to vector<32x1x3xf32>
    %sub3A = vector.broadcast %broadcast_in_dim3A : vector<32x1x3xf32> to vector<32x32x3xf32>
    %sub3A_11 = arith.subf %sub3A, %reshape3A : vector<32x32x3xf32>
    %mul3A = arith.mulf %sub3A_11, %sub3A_11 : vector<32x32x3xf32>
    %reduce_sum3A = arith.constant dense<0.000000e+00> : vector<32x32xf32>
    %reduce_sum3A_12 = vector.multi_reduction <add>, %mul3A, %reduce_sum3A [2] : vector<32x32x3xf32> to vector<32x32xf32>
    %iota3A = tpu.iota {dimensions = array<i32: 1>} : vector<32x32xi32>
    %convert_element_type3A = arith.sitofp %iota3A : vector<32x32xi32> to vector<32x32xf32>
    %reshape3A_13 = vector.shape_cast %get3A_9 : vector<1x32xf32> to vector<32x1xf32>
    %lt3A = vector.broadcast %reshape3A_13 : vector<32x1xf32> to vector<32x32xf32>
    %lt3A_14 = arith.cmpf olt, %convert_element_type3A, %lt3A : vector<32x32xf32>
    %convert_element_type3A_15 = arith.extui %lt3A_14 : vector<32x32xi1> to vector<32x32xi32>
    %convert_element_type3A_16 = arith.sitofp %convert_element_type3A_15 : vector<32x32xi32> to vector<32x32xf32>
    %add3A = arith.constant 9.99999996E-13 : f32
    %add3A_17 = vector.broadcast %add3A : f32 to vector<32x32xf32>
    %add3A_18 = arith.addf %reduce_sum3A_12, %add3A_17 : vector<32x32xf32>
    %sqrt3A = math.sqrt %add3A_18 : vector<32x32xf32>
    %iota3A_19 = tpu.iota {dimensions = array<i32: 2>} : vector<1x1x16xi32>
    %convert_element_type3A_20 = arith.sitofp %iota3A_19 : vector<1x1x16xi32> to vector<1x1x16xf32>
    %mul3A_21 = arith.constant 0.666666686 : f32
    %mul3A_22 = vector.broadcast %mul3A_21 : f32 to vector<1x1x16xf32>
    %mul3A_23 = arith.mulf %convert_element_type3A_20, %mul3A_22 : vector<1x1x16xf32>
    %broadcast_in_dim3A_24 = vector.shape_cast %sqrt3A : vector<32x32xf32> to vector<32x32x1xf32>
    %sub3A_25 = vector.broadcast %broadcast_in_dim3A_24 : vector<32x32x1xf32> to vector<32x32x16xf32>
    %sub3A_26 = vector.broadcast %mul3A_23 : vector<1x1x16xf32> to vector<32x32x16xf32>
    %sub3A_27 = arith.subf %sub3A_25, %sub3A_26 : vector<32x32x16xf32>
    %mul3A_28 = arith.constant -1.125000e+00 : f32
    %mul3A_29 = vector.broadcast %mul3A_28 : f32 to vector<32x32x16xf32>
    %mul3A_30 = arith.mulf %mul3A_29, %sub3A_27 : vector<32x32x16xf32>
    %mul3A_31 = arith.mulf %mul3A_30, %sub3A_27 : vector<32x32x16xf32>
    %exp3A = math.exp %mul3A_31 : vector<32x32x16xf32>
    %reshape3A_32 = vector.shape_cast %exp3A : vector<32x32x16xf32> to vector<1024x16xf32>
    %get3A_33 = arith.constant 0 : index
    %get3A_34 = arith.constant 0 : index
    %get3A_35 = vector.load %arg8[%get3A_33, %get3A_34] : memref<16x96xf32, #tpu.memory_space<vmem>>, vector<16x96xf32>
    %dot_general3A = arith.constant dense<0.000000e+00> : vector<1024x96xf32>
    %dot_general3A_36 = tpu.matmul %reshape3A_32, %get3A_35, %dot_general3A {dimension_numbers = #tpu.dot_dimension_numbers<[1], [0], [0], [1], [0, 0, 1, 1], [], []>, transpose_lhs_hint = false} : vector<1024x16xf32>, vector<16x96xf32>, vector<1024x96xf32> -> vector<1024x96xf32>
    %slice3A_37 = vector.extract_strided_slice %get3A_1 {offsets = [0, 0], sizes = [1024, 96], strides = [1, 1]} : vector<1024x128xf32> to vector<1024x96xf32>
    %reshape3A_38 = vector.shape_cast %slice3A_37 : vector<1024x96xf32> to vector<32x32x96xf32>
    %get3A_39 = arith.constant 0 : index
    %get3A_40 = arith.constant 0 : index
    %get3A_41 = vector.load %arg3[%get3A_39, %get3A_40] : memref<32x96xf32, #tpu.memory_space<vmem>>, vector<32x96xf32>
    %broadcast_in_dim3A_42 = vector.shape_cast %get3A_41 : vector<32x96xf32> to vector<32x1x96xf32>
    %add3A_43 = vector.broadcast %broadcast_in_dim3A_42 : vector<32x1x96xf32> to vector<32x32x96xf32>
    %add3A_44 = arith.addf %reshape3A_38, %add3A_43 : vector<32x32x96xf32>
    %reshape3A_45 = vector.shape_cast %dot_general3A_36 : vector<1024x96xf32> to vector<32x32x96xf32>
    %add3A_46 = arith.addf %add3A_44, %reshape3A_45 : vector<32x32x96xf32>
    %ge3A = arith.constant 0.000000e+00 : f32
    %ge3A_47 = vector.broadcast %ge3A : f32 to vector<32x32x96xf32>
    %ge3A_48 = arith.cmpf oge, %add3A_46, %ge3A_47 : vector<32x32x96xf32>
    %mul3A_49 = arith.constant 2.000000e-01 : f32
    %mul3A_50 = vector.broadcast %mul3A_49 : f32 to vector<32x32x96xf32>
    %mul3A_51 = arith.mulf %mul3A_50, %add3A_46 : vector<32x32x96xf32>
    %select_n3A = arith.select %ge3A_48, %add3A_46, %mul3A_51 : vector<32x32x96xi1>, vector<32x32x96xf32>
    %get3A_52 = arith.constant 0 : index
    %get3A_53 = arith.constant 0 : index
    %get3A_54 = vector.load %arg9[%get3A_52, %get3A_53] : memref<8x96xf32, #tpu.memory_space<vmem>>, vector<1x96xf32>
    %broadcast_in_dim3A_55 = vector.shape_cast %get3A_54 : vector<1x96xf32> to vector<1x1x96xf32>
    %mul3A_56 = vector.broadcast %broadcast_in_dim3A_55 : vector<1x1x96xf32> to vector<32x32x96xf32>
    %mul3A_57 = arith.mulf %select_n3A, %mul3A_56 : vector<32x32x96xf32>
    %reduce_sum3A_58 = arith.constant dense<0.000000e+00> : vector<32x32xf32>
    %reduce_sum3A_59 = vector.multi_reduction <add>, %mul3A_57, %reduce_sum3A_58 [2] : vector<32x32x96xf32> to vector<32x32xf32>
    %get3A_60 = arith.constant 0 : index
    %get3A_61 = arith.constant 0 : index
    %get3A_62 = vector.load %arg7[%get3A_60, %get3A_61] : memref<8x32xf32, #tpu.memory_space<vmem>>, vector<8x32xf32>
    %slice3A_63 = vector.extract_strided_slice %get3A_62 {offsets = [0, 0], sizes = [8, 16], strides = [1, 1]} : vector<8x32xf32> to vector<8x16xf32>
    %reduce_sum3A_64 = arith.constant dense<0.000000e+00> : vector<16xf32>
    %reduce_sum3A_65 = vector.multi_reduction <add>, %slice3A_63, %reduce_sum3A_64 [0] : vector<8x16xf32> to vector<16xf32>
    %broadcast_in_dim3A_66 = vector.shape_cast %reduce_sum3A_65 : vector<16xf32> to vector<1x16xf32>
    %slice3A_67 = vector.extract_strided_slice %get3A_62 {offsets = [0, 16], sizes = [8, 1], strides = [1, 1]} : vector<8x32xf32> to vector<8x1xf32>
    %reduce_sum3A_68 = vector.shape_cast %slice3A_67 : vector<8x1xf32> to vector<1x8x1xf32>
    %reduce_sum3A_69 = arith.constant dense<0.000000e+00> : vector<1xf32>
    %reduce_sum3A_70 = vector.multi_reduction <add>, %reduce_sum3A_68, %reduce_sum3A_69 [1, 2] : vector<1x8x1xf32> to vector<1xf32>
    %reduce_sum3A_71 = vector.shape_cast %reduce_sum3A_70 : vector<1xf32> to vector<1x1x1xf32>
    %reduce_sum3A_72 = vector.extract %reduce_sum3A_71[0, 0, 0] : f32 from vector<1x1x1xf32>
    %gt3A = arith.constant 0.000000e+00 : f32
    %gt3A_73 = arith.cmpf ogt, %reduce_sum3A_72, %gt3A : f32
    %max3A = arith.constant 1.000000e+00 : f32
    %max3A_74 = arith.maximumf %reduce_sum3A_72, %max3A : f32
    %div3A = vector.broadcast %max3A_74 : f32 to vector<1x16xf32>
    %div3A_75 = arith.divf %broadcast_in_dim3A_66, %div3A : vector<1x16xf32>
    %jit3A = arith.constant 0.000000e+00 : f32
    %broadcast_in_dim3A_76 = vector.broadcast %jit3A : f32 to vector<1x16xf32>
    %select_n3A_77 = arith.select %gt3A_73, %div3A_75, %broadcast_in_dim3A_76 : vector<1x16xf32>
    %get3A_78 = arith.constant 0 : index
    %get3A_79 = arith.constant 0 : index
    %get3A_80 = vector.load %arg8[%get3A_78, %get3A_79] : memref<16x96xf32, #tpu.memory_space<vmem>>, vector<16x96xf32>
    %dot_general3A_81 = arith.constant dense<0.000000e+00> : vector<1x96xf32>
    %dot_general3A_82 = tpu.matmul %select_n3A_77, %get3A_80, %dot_general3A_81 {dimension_numbers = #tpu.dot_dimension_numbers<[1], [0], [0], [1], [0, 0, 1, 1], [], []>, transpose_lhs_hint = false} : vector<1x16xf32>, vector<16x96xf32>, vector<1x96xf32> -> vector<1x96xf32>
    %get3A_83 = arith.constant 0 : index
    %get3A_84 = arith.constant 0 : index
    %get3A_85 = vector.load %arg2[%get3A_83, %get3A_84] : memref<32x96xf32, #tpu.memory_space<vmem>>, vector<32x96xf32>
    %get3A_86 = arith.constant 0 : index
    %get3A_87 = arith.constant 0 : index
    %get3A_88 = vector.load %arg3[%get3A_86, %get3A_87] : memref<32x96xf32, #tpu.memory_space<vmem>>, vector<32x96xf32>
    %add3A_89 = arith.addf %get3A_85, %get3A_88 : vector<32x96xf32>
    %add3A_90 = vector.broadcast %dot_general3A_82 : vector<1x96xf32> to vector<32x96xf32>
    %add3A_91 = arith.addf %add3A_89, %add3A_90 : vector<32x96xf32>
    %ge3A_92 = arith.constant 0.000000e+00 : f32
    %ge3A_93 = vector.broadcast %ge3A_92 : f32 to vector<32x96xf32>
    %ge3A_94 = arith.cmpf oge, %add3A_91, %ge3A_93 : vector<32x96xf32>
    %mul3A_95 = arith.constant 2.000000e-01 : f32
    %mul3A_96 = vector.broadcast %mul3A_95 : f32 to vector<32x96xf32>
    %mul3A_97 = arith.mulf %mul3A_96, %add3A_91 : vector<32x96xf32>
    %select_n3A_98 = arith.select %ge3A_94, %add3A_91, %mul3A_97 : vector<32x96xi1>, vector<32x96xf32>
    %mul3A_99 = vector.broadcast %get3A_54 : vector<1x96xf32> to vector<32x96xf32>
    %mul3A_100 = arith.mulf %select_n3A_98, %mul3A_99 : vector<32x96xf32>
    %reduce_sum3A_101 = arith.constant dense<0.000000e+00> : vector<32xf32>
    %reduce_sum3A_102 = vector.multi_reduction <add>, %mul3A_100, %reduce_sum3A_101 [1] : vector<32x96xf32> to vector<32xf32>
    %broadcast_in_dim3A_103 = vector.shape_cast %reduce_sum3A_102 : vector<32xf32> to vector<32x1xf32>
    %gt3A_104 = arith.constant 0.000000e+00 : f32
    %gt3A_105 = vector.broadcast %gt3A_104 : f32 to vector<32x32xf32>
    %gt3A_106 = arith.cmpf ogt, %convert_element_type3A_16, %gt3A_105 : vector<32x32xf32>
    %jit3A_107 = arith.constant -1.000000e+30 : f32
    %broadcast_in_dim3A_108 = vector.broadcast %jit3A_107 : f32 to vector<32x32xf32>
    %select_n3A_109 = arith.select %gt3A_106, %reduce_sum3A_59, %broadcast_in_dim3A_108 : vector<32x32xi1>, vector<32x32xf32>
    %reduce_max3A = arith.constant dense<0xFF800000> : vector<32xf32>
    %reduce_max3A_110 = vector.multi_reduction <maximumf>, %select_n3A_109, %reduce_max3A [1] : vector<32x32xf32> to vector<32xf32>
    %broadcast_in_dim3A_111 = vector.shape_cast %reduce_max3A_110 : vector<32xf32> to vector<32x1xf32>
    %max3A_112 = arith.maximumf %broadcast_in_dim3A_111, %broadcast_in_dim3A_103 : vector<32x1xf32>
    %sub3A_113 = vector.broadcast %max3A_112 : vector<32x1xf32> to vector<32x32xf32>
    %sub3A_114 = arith.subf %select_n3A_109, %sub3A_113 : vector<32x32xf32>
    %exp3A_115 = math.exp %sub3A_114 : vector<32x32xf32>
    %sub3A_116 = arith.subf %broadcast_in_dim3A_103, %max3A_112 : vector<32x1xf32>
    %exp3A_117 = math.exp %sub3A_116 : vector<32x1xf32>
    %reduce_sum3A_118 = arith.constant dense<0.000000e+00> : vector<32xf32>
    %reduce_sum3A_119 = vector.multi_reduction <add>, %exp3A_115, %reduce_sum3A_118 [1] : vector<32x32xf32> to vector<32xf32>
    %broadcast_in_dim3A_120 = vector.shape_cast %reduce_sum3A_119 : vector<32xf32> to vector<32x1xf32>
    %add3A_121 = arith.addf %broadcast_in_dim3A_120, %exp3A_117 : vector<32x1xf32>
    %div3A_122 = vector.broadcast %add3A_121 : vector<32x1xf32> to vector<32x32xf32>
    %div3A_123 = arith.divf %exp3A_115, %div3A_122 : vector<32x32xf32>
    %broadcast_in_dim3A_124 = vector.shape_cast %div3A_123 : vector<32x32xf32> to vector<32x32x1xf32>
    %mul3A_125 = vector.broadcast %broadcast_in_dim3A_124 : vector<32x32x1xf32> to vector<32x32x96xf32>
    %mul3A_126 = arith.mulf %mul3A_125, %reshape3A_38 : vector<32x32x96xf32>
    %reduce_sum3A_127 = arith.constant dense<0.000000e+00> : vector<32x96xf32>
    %reduce_sum3A_128 = vector.multi_reduction <add>, %mul3A_126, %reduce_sum3A_127 [1] : vector<32x32x96xf32> to vector<32x96xf32>
    %div3A_129 = arith.divf %exp3A_117, %add3A_121 : vector<32x1xf32>
    %get3A_130 = arith.constant 0 : index
    %get3A_131 = arith.constant 0 : index
    %get3A_132 = vector.load %arg2[%get3A_130, %get3A_131] : memref<32x96xf32, #tpu.memory_space<vmem>>, vector<32x96xf32>
    %mul3A_133 = vector.broadcast %div3A_129 : vector<32x1xf32> to vector<32x96xf32>
    %mul3A_134 = arith.mulf %mul3A_133, %get3A_132 : vector<32x96xf32>
    %add3A_135 = arith.addf %reduce_sum3A_128, %mul3A_134 : vector<32x96xf32>
    %get3A_136 = arith.constant 0 : index
    %get3A_137 = arith.constant 0 : index
    %get3A_138 = vector.load %arg10[%get3A_136, %get3A_137] : memref<8x96xf32, #tpu.memory_space<vmem>>, vector<1x96xf32>
    %add3A_139 = vector.broadcast %get3A_138 : vector<1x96xf32> to vector<32x96xf32>
    %add3A_140 = arith.addf %add3A_135, %add3A_139 : vector<32x96xf32>
    %get3A_141 = arith.constant 0 : index
    %get3A_142 = arith.constant 0 : index
    %get3A_143 = vector.load %arg1[%get3A_141, %get3A_142] : memref<32x96xf32, #tpu.memory_space<vmem>>, vector<32x96xf32>
    %neg3A = arith.constant 0.000000e+00 : f32
    %neg3A_144 = vector.broadcast %neg3A : f32 to vector<32x96xf32>
    %neg3A_145 = arith.subf %neg3A_144, %add3A_140 : vector<32x96xf32>
    %exp3A_146 = math.exp %neg3A_145 : vector<32x96xf32>
    %add3A_147 = arith.constant 1.000000e+00 : f32
    %add3A_148 = vector.broadcast %add3A_147 : f32 to vector<32x96xf32>
    %add3A_149 = arith.addf %add3A_148, %exp3A_146 : vector<32x96xf32>
    %div3A_150 = arith.divf %add3A_140, %add3A_149 : vector<32x96xf32>
    %add3A_151 = arith.addf %get3A_143, %div3A_150 : vector<32x96xf32>
    %swap3A = arith.constant 0 : index
    %swap3A_152 = arith.constant 0 : index
    %swap3A_153 = vector.load %arg11[%swap3A, %swap3A_152] : memref<32x96xf32, #tpu.memory_space<vmem>>, vector<32x96xf32>
    tpu.vector_store %arg11[%swap3A, %swap3A_152], %add3A_151 {strides = array<i32>} : memref<32x96xf32, #tpu.memory_space<vmem>>, vector<32x96xf32>,
    return
  }
  func.func @transform_0(%arg0: i32) -> (i32, i32) {
    %c0_i32 = arith.constant 0 : i32
    %c0_i32_0 = arith.constant 0 : i32
    return %arg0, %c0_i32 : i32, i32
  }
  func.func @transform_1(%arg0: i32) -> (i32, i32) {
    %c0_i32 = arith.constant 0 : i32
    %c0_i32_0 = arith.constant 0 : i32
    return %arg0, %c0_i32 : i32, i32
  }
  func.func @transform_2(%arg0: i32) -> (i32, i32) {
    %c0_i32 = arith.constant 0 : i32
    %c0_i32_0 = arith.constant 0 : i32
    return %arg0, %c0_i32 : i32, i32
  }
  func.func @transform_3(%arg0: i32) -> (i32, i32) {
    %c0_i32 = arith.constant 0 : i32
    %c0_i32_0 = arith.constant 0 : i32
    return %arg0, %c0_i32 : i32, i32
  }
  func.func @transform_4(%arg0: i32) -> (i32, i32) {
    %c0_i32 = arith.constant 0 : i32
    %c0_i32_0 = arith.constant 0 : i32
    return %arg0, %c0_i32 : i32, i32
  }
  func.func @transform_5(%arg0: i32) -> (i32, i32, i32) {
    %c0_i32 = arith.constant 0 : i32
    %c0_i32_0 = arith.constant 0 : i32
    %c0_i32_1 = arith.constant 0 : i32
    return %arg0, %c0_i32, %c0_i32_0 : i32, i32, i32
  }
  func.func @transform_6(%arg0: i32) -> (i32, i32) {
    %c0_i32 = arith.constant 0 : i32
    %c0_i32_0 = arith.constant 0 : i32
    %c0_i32_1 = arith.constant 0 : i32
    return %c0_i32, %c0_i32_0 : i32, i32
  }
  func.func @transform_7(%arg0: i32) -> (i32, i32) {
    %c0_i32 = arith.constant 0 : i32
    %c0_i32_0 = arith.constant 0 : i32
    %c0_i32_1 = arith.constant 0 : i32
    return %c0_i32, %c0_i32_0 : i32, i32
  }
  func.func @transform_8(%arg0: i32) -> (i32, i32) {
    %c0_i32 = arith.constant 0 : i32
    %c0_i32_0 = arith.constant 0 : i32
    %c0_i32_1 = arith.constant 0 : i32
    return %c0_i32, %c0_i32_0 : i32, i32
  }
  func.func @transform_9(%arg0: i32) -> (i32, i32) {
    %c0_i32 = arith.constant 0 : i32
    %c0_i32_0 = arith.constant 0 : i32
    %c0_i32_1 = arith.constant 0 : i32
    return %c0_i32, %c0_i32_0 : i32, i32
  }
  func.func @transform_10(%arg0: i32) -> (i32, i32) {
    %c0_i32 = arith.constant 0 : i32
    %c0_i32_0 = arith.constant 0 : i32
    return %arg0, %c0_i32 : i32, i32
  }
}

module attributes {stable_mosaic.version = 14 : i64} {
  func.func @_post_body(%arg0: i32, %arg1: memref<256x96xf32, #tpu.memory_space<vmem>>, %arg2: memref<96x192xf32, #tpu.memory_space<vmem>>, %arg3: memref<8x192xf32, #tpu.memory_space<vmem>>, %arg4: memref<192x96xf32, #tpu.memory_space<vmem>>, %arg5: memref<8x96xf32, #tpu.memory_space<vmem>>, %arg6: memref<96x96xf32, #tpu.memory_space<vmem>>, %arg7: memref<8x96xf32, #tpu.memory_space<vmem>>, %arg8: memref<96x128xf32, #tpu.memory_space<vmem>>, %arg9: memref<8x128xf32, #tpu.memory_space<vmem>>, %arg10: memref<256x128xf32, #tpu.memory_space<vmem>>) attributes {dimension_semantics = [#tpu.dimension_semantics<arbitrary>], iteration_bounds = array<i64: 40>, scalar_prefetch = 0 : i64, scratch_operands = 0 : i64, tpu.core_type = #tpu.core_type<tc>, window_params = [{transform_indices = @transform_0, window_bounds = array<i64: 256, 96>}, {pipeline_mode = #tpu.pipeline_mode<synchronous>, transform_indices = @transform_1, window_bounds = array<i64: 96, 192>}, {pipeline_mode = #tpu.pipeline_mode<synchronous>, transform_indices = @transform_2, window_bounds = array<i64: 8, 192>}, {pipeline_mode = #tpu.pipeline_mode<synchronous>, transform_indices = @transform_3, window_bounds = array<i64: 192, 96>}, {pipeline_mode = #tpu.pipeline_mode<synchronous>, transform_indices = @transform_4, window_bounds = array<i64: 8, 96>}, {pipeline_mode = #tpu.pipeline_mode<synchronous>, transform_indices = @transform_5, window_bounds = array<i64: 96, 96>}, {pipeline_mode = #tpu.pipeline_mode<synchronous>, transform_indices = @transform_6, window_bounds = array<i64: 8, 96>}, {pipeline_mode = #tpu.pipeline_mode<synchronous>, transform_indices = @transform_7, window_bounds = array<i64: 96, 128>}, {pipeline_mode = #tpu.pipeline_mode<synchronous>, transform_indices = @transform_8, window_bounds = array<i64: 8, 128>}, {transform_indices = @transform_9, window_bounds = array<i64: 256, 128>}]} {
    %get3A = arith.constant 0 : index
    %get3A_0 = arith.constant 0 : index
    %get3A_1 = vector.load %arg1[%get3A, %get3A_0] : memref<256x96xf32, #tpu.memory_space<vmem>>, vector<256x96xf32>
    %get3A_2 = arith.constant 0 : index
    %get3A_3 = arith.constant 0 : index
    %get3A_4 = vector.load %arg2[%get3A_2, %get3A_3] : memref<96x192xf32, #tpu.memory_space<vmem>>, vector<96x192xf32>
    %dot_general3A = arith.constant dense<0.000000e+00> : vector<256x192xf32>
    %dot_general3A_5 = tpu.matmul %get3A_1, %get3A_4, %dot_general3A {dimension_numbers = #tpu.dot_dimension_numbers<[1], [0], [0], [1], [0, 0, 1, 1], [], []>, transpose_lhs_hint = false} : vector<256x96xf32>, vector<96x192xf32>, vector<256x192xf32> -> vector<256x192xf32>
    %get3A_6 = arith.constant 0 : index
    %get3A_7 = arith.constant 0 : index
    %get3A_8 = vector.load %arg3[%get3A_6, %get3A_7] : memref<8x192xf32, #tpu.memory_space<vmem>>, vector<1x192xf32>
    %add3A = vector.broadcast %get3A_8 : vector<1x192xf32> to vector<256x192xf32>
    %add3A_9 = arith.addf %dot_general3A_5, %add3A : vector<256x192xf32>
    %neg3A = arith.constant 0.000000e+00 : f32
    %neg3A_10 = vector.broadcast %neg3A : f32 to vector<256x192xf32>
    %neg3A_11 = arith.subf %neg3A_10, %add3A_9 : vector<256x192xf32>
    %exp3A = math.exp %neg3A_11 : vector<256x192xf32>
    %add3A_12 = arith.constant 1.000000e+00 : f32
    %add3A_13 = vector.broadcast %add3A_12 : f32 to vector<256x192xf32>
    %add3A_14 = arith.addf %add3A_13, %exp3A : vector<256x192xf32>
    %div3A = arith.divf %add3A_9, %add3A_14 : vector<256x192xf32>
    %get3A_15 = arith.constant 0 : index
    %get3A_16 = arith.constant 0 : index
    %get3A_17 = vector.load %arg4[%get3A_15, %get3A_16] : memref<192x96xf32, #tpu.memory_space<vmem>>, vector<192x96xf32>
    %dot_general3A_18 = arith.constant dense<0.000000e+00> : vector<256x96xf32>
    %dot_general3A_19 = tpu.matmul %div3A, %get3A_17, %dot_general3A_18 {dimension_numbers = #tpu.dot_dimension_numbers<[1], [0], [0], [1], [0, 0, 1, 1], [], []>, transpose_lhs_hint = false} : vector<256x192xf32>, vector<192x96xf32>, vector<256x96xf32> -> vector<256x96xf32>
    %add3A_20 = arith.addf %get3A_1, %dot_general3A_19 : vector<256x96xf32>
    %get3A_21 = arith.constant 0 : index
    %get3A_22 = arith.constant 0 : index
    %get3A_23 = vector.load %arg5[%get3A_21, %get3A_22] : memref<8x96xf32, #tpu.memory_space<vmem>>, vector<1x96xf32>
    %add3A_24 = vector.broadcast %get3A_23 : vector<1x96xf32> to vector<256x96xf32>
    %add3A_25 = arith.addf %add3A_20, %add3A_24 : vector<256x96xf32>
    %get3A_26 = arith.constant 0 : index
    %get3A_27 = arith.constant 0 : index
    %get3A_28 = vector.load %arg6[%get3A_26, %get3A_27] : memref<96x96xf32, #tpu.memory_space<vmem>>, vector<96x96xf32>
    %dot_general3A_29 = arith.constant dense<0.000000e+00> : vector<256x96xf32>
    %dot_general3A_30 = tpu.matmul %add3A_25, %get3A_28, %dot_general3A_29 {dimension_numbers = #tpu.dot_dimension_numbers<[1], [0], [0], [1], [0, 0, 1, 1], [], []>, transpose_lhs_hint = false} : vector<256x96xf32>, vector<96x96xf32>, vector<256x96xf32> -> vector<256x96xf32>
    %get3A_31 = arith.constant 0 : index
    %get3A_32 = arith.constant 0 : index
    %get3A_33 = vector.load %arg7[%get3A_31, %get3A_32] : memref<8x96xf32, #tpu.memory_space<vmem>>, vector<1x96xf32>
    %add3A_34 = vector.broadcast %get3A_33 : vector<1x96xf32> to vector<256x96xf32>
    %add3A_35 = arith.addf %dot_general3A_30, %add3A_34 : vector<256x96xf32>
    %neg3A_36 = arith.constant 0.000000e+00 : f32
    %neg3A_37 = vector.broadcast %neg3A_36 : f32 to vector<256x96xf32>
    %neg3A_38 = arith.subf %neg3A_37, %add3A_35 : vector<256x96xf32>
    %exp3A_39 = math.exp %neg3A_38 : vector<256x96xf32>
    %add3A_40 = arith.constant 1.000000e+00 : f32
    %add3A_41 = vector.broadcast %add3A_40 : f32 to vector<256x96xf32>
    %add3A_42 = arith.addf %add3A_41, %exp3A_39 : vector<256x96xf32>
    %div3A_43 = arith.divf %add3A_35, %add3A_42 : vector<256x96xf32>
    %get3A_44 = arith.constant 0 : index
    %get3A_45 = arith.constant 0 : index
    %get3A_46 = vector.load %arg8[%get3A_44, %get3A_45] : memref<96x128xf32, #tpu.memory_space<vmem>>, vector<96x128xf32>
    %dot_general3A_47 = arith.constant dense<0.000000e+00> : vector<256x128xf32>
    %dot_general3A_48 = tpu.matmul %div3A_43, %get3A_46, %dot_general3A_47 {dimension_numbers = #tpu.dot_dimension_numbers<[1], [0], [0], [1], [0, 0, 1, 1], [], []>, transpose_lhs_hint = false} : vector<256x96xf32>, vector<96x128xf32>, vector<256x128xf32> -> vector<256x128xf32>
    %get3A_49 = arith.constant 0 : index
    %get3A_50 = arith.constant 0 : index
    %get3A_51 = vector.load %arg9[%get3A_49, %get3A_50] : memref<8x128xf32, #tpu.memory_space<vmem>>, vector<1x128xf32>
    %add3A_52 = vector.broadcast %get3A_51 : vector<1x128xf32> to vector<256x128xf32>
    %add3A_53 = arith.addf %dot_general3A_48, %add3A_52 : vector<256x128xf32>
    %swap3A = arith.constant 0 : index
    %swap3A_54 = arith.constant 0 : index
    %swap3A_55 = vector.load %arg10[%swap3A, %swap3A_54] : memref<256x128xf32, #tpu.memory_space<vmem>>, vector<256x128xf32>
    tpu.vector_store %arg10[%swap3A, %swap3A_54], %add3A_53 {strides = array<i32>} : memref<256x128xf32, #tpu.memory_space<vmem>>, vector<256x128xf32>,
    return
  }
  func.func @transform_0(%arg0: i32) -> (i32, i32) {
    %c0_i32 = arith.constant 0 : i32
    %c0_i32_0 = arith.constant 0 : i32
    return %arg0, %c0_i32 : i32, i32
  }
  func.func @transform_1(%arg0: i32) -> (i32, i32) {
    %c0_i32 = arith.constant 0 : i32
    %c0_i32_0 = arith.constant 0 : i32
    %c0_i32_1 = arith.constant 0 : i32
    return %c0_i32, %c0_i32_0 : i32, i32
  }
  func.func @transform_2(%arg0: i32) -> (i32, i32) {
    %c0_i32 = arith.constant 0 : i32
    %c0_i32_0 = arith.constant 0 : i32
    %c0_i32_1 = arith.constant 0 : i32
    return %c0_i32, %c0_i32_0 : i32, i32
  }
  func.func @transform_3(%arg0: i32) -> (i32, i32) {
    %c0_i32 = arith.constant 0 : i32
    %c0_i32_0 = arith.constant 0 : i32
    %c0_i32_1 = arith.constant 0 : i32
    return %c0_i32, %c0_i32_0 : i32, i32
  }
  func.func @transform_4(%arg0: i32) -> (i32, i32) {
    %c0_i32 = arith.constant 0 : i32
    %c0_i32_0 = arith.constant 0 : i32
    %c0_i32_1 = arith.constant 0 : i32
    return %c0_i32, %c0_i32_0 : i32, i32
  }
  func.func @transform_5(%arg0: i32) -> (i32, i32) {
    %c0_i32 = arith.constant 0 : i32
    %c0_i32_0 = arith.constant 0 : i32
    %c0_i32_1 = arith.constant 0 : i32
    return %c0_i32, %c0_i32_0 : i32, i32
  }
  func.func @transform_6(%arg0: i32) -> (i32, i32) {
    %c0_i32 = arith.constant 0 : i32
    %c0_i32_0 = arith.constant 0 : i32
    %c0_i32_1 = arith.constant 0 : i32
    return %c0_i32, %c0_i32_0 : i32, i32
  }
  func.func @transform_7(%arg0: i32) -> (i32, i32) {
    %c0_i32 = arith.constant 0 : i32
    %c0_i32_0 = arith.constant 0 : i32
    %c0_i32_1 = arith.constant 0 : i32
    return %c0_i32, %c0_i32_0 : i32, i32
  }
  func.func @transform_8(%arg0: i32) -> (i32, i32) {
    %c0_i32 = arith.constant 0 : i32
    %c0_i32_0 = arith.constant 0 : i32
    %c0_i32_1 = arith.constant 0 : i32
    return %c0_i32, %c0_i32_0 : i32, i32
  }
  func.func @transform_9(%arg0: i32) -> (i32, i32) {
    %c0_i32 = arith.constant 0 : i32
    %c0_i32_0 = arith.constant 0 : i32
    return %arg0, %c0_i32 : i32, i32
  }
}

</mosaic_0001>

<sc_bundles>
// kernel: kernel.8.cloned.1.call-start
scs
__scs_entry_jumppad:
0x0: {  	(pc) =	sbr.rel $0x88, $3  }
0x1: {  	(tag) =	ssettag $0x0;
	lr =	simm.s32 $0x1  }
0x2: {  	[smem:$0x3F8E] =	sst lr;
	_ =	strace $0xD0000000  }
0x3: {  	_ = 	snop  }
0x4: {  	_ = 	snop  }
0x5: {  	_ = 	snop  }
0x6: {  	_ = 	snop  }
0x7: {  	_ = 	snop  }
__scs_overlays_trampoline_lowered:
0x8: {  	[smem:$0x3F9D] =	sst s0  }
0x9: {  	[smem:$0x3F9E] =	sst s1  }
0xa: {  	[smem:$0x3F9F] =	sst s2  }
0xb: {  	[smem:$0x3FA0] =	sst s3  }
0xc: {  	[smem:$0x3FA1] =	sst s4  }
0xd: {  	[smem:$0x3FA2] =	sst s5  }
0xe: {  	[smem:$0x3FA3] =	sst s6  }
0xf: {  	[smem:$0x3FA4] =	sst s7  }
0x10: {  	[smem:$0x3FA5] =	sst s8  }
0x11: {  	[smem:$0x3FA6] =	sst s9;
	s0 =	simm.s32 @!p0 $0x0  }
0x12: {  	s1 =	sld [smem:$0x3F8C];
	s0 =	simm.s32 @p0 $0x1  }
0x13: {  	[smem:$0x3FA7] =	sst s0;
	s0 =	simm.s32 @!p1 $0x0  }
0x14: {  	s2 =	sld [smem:$0x3F8B];
	s0 =	simm.s32 @p1 $0x1  }
0x15: {  	[smem:$0x3FA8] =	sst s0;
	s0 =	simm.s32 @!p2 $0x0  }
0x16: {  	s3 =	sld [smem:$0x3FDB];
	s0 =	simm.s32 @p2 $0x1  }
0x17: {  	s4 =	simm.s32 $0x1BF5;
	[smem:$0x3FAA] =	sst s0  }
0x18: {  	s0 =	sld [smem:$0x3F8D];
	_ =	swait.ge [sflag:s4], $0x0  }
0x19: {  	s7 =	sld [smem:$0x3F8E]  }
0x1a: {  	s8 =	sadd.s32 $0xFFFFE003, lr  }
0x1b: {  	s9 =	sadd.s32 $0xFFFFFEF7, lr;
	s5 =	simm.s32 $0xFFFFFFFF;
	p2 =	slt.u32 s8, $0xFFFFF086  }
0x1c: {  	p1 =	slt.u32 s9, $0xF7A;
	s5 =	simm.s32 @!p2 $0x0  }
0x1d: {  	s5 =	simm.s32 @p1 $0x1;
	p0 =	seq.s32 s7, s2  }
0x1e: {  	s7 =	smul.u32 @!p0 $0xF7A, s2;
	p2 =	seq.s32 @!p0 s5, $0x0  }
0x1f: {  	s9 =	smul.u32 $0xF7A, s1;
	s8 =	simm.s32 @!p0 $0x1BF5;
	p2 =	por !p2, p0  }
0x20: {  	[sflag:s8] =	ssyncset.s32 @!p0 $0xFFFFF086;
	s6 =	sadd.s32 @!p0 s3, s7;
	s7 =	simm.s32 @!p0 $0x108  }
0x21: {  	s3 =	sadd.s32 s3, s9;
	s6 =	sadd.s32 @!p0 $0x88, s6;
	s7 =	simm.s32 @p2 $0x1082  }
0x22: {  	[simem:s7], [sflag:s8] =	dma.local @!p0 [hbm:s6], $0xF7A  }
0x23: {  	s9 =	sor.u32 $0xD0000000, s2;
	s6 =	simm.s32 $0x108;
	_ =	swait.ge @!p0 [sflag:s8], $0x0  }
0x24: {  	s3 =	sadd.s32 $0x88, s3;
	s6 =	simm.s32 @!p1 $0x1082;
	[sflag:s4] =	ssyncset.s32 $0xFFFFF086  }
0x25: {  	[simem:s6], [sflag:s4] =	dma.local [hbm:s3], $0xF7A  }
0x26: {  	[smem:$0x3F8E] =	sst s1;
	(tag) =	ssettag s2;
	_ =	strace s9  }
0x27: {  	s1 =	sld [smem:$0x3F9E]  }
0x28: {  	s2 =	sld [smem:$0x3F9F]  }
0x29: {  	s4 =	sld [smem:$0x3FA1]  }
0x2a: {  	p0 =	seq.s32 s5, $0x0;
	s5 =	sld [smem:$0x3FA2]  }
0x2b: {  	s6 =	sld [smem:$0x3FA3]  }
0x2c: {  	s7 =	sld [smem:$0x3FA4]  }
0x2d: {  	s3 =	simm.s32 $0x108;
	s8 =	sld [smem:$0x3FA5]  }
0x2e: {  	s3 =	simm.s32 @!p0 $0x1082;
	s9 =	sld [smem:$0x3FA6]  }
0x2f: {  	lr =	sadd.s32 s0, s3;
	s0 =	sld [smem:$0x3F9D]  }
0x30: {  	s3 =	sld [smem:$0x3FA0]  }
0x31: {  	[smem:$0x3FA9] =	sst s10  }
0x32: {  	s10 =	sld [smem:$0x3FA7];
	_ =	sdelay $0x3  }
0x33: {  	p0 =	seq.s32 s10, $0x1;
	s10 =	sld [smem:$0x3FA9];
	_ =	sdelay $0x3  }
0x34: {  	[smem:$0x3FA9] =	sst s10  }
0x35: {  	s10 =	sld [smem:$0x3FA8];
	_ =	sdelay $0x3  }
0x36: {  	p1 =	seq.s32 s10, $0x1;
	s10 =	sld [smem:$0x3FA9];
	_ =	sdelay $0x3  }
0x37: {  	[smem:$0x3FA9] =	sst s10  }
0x38: {  	s10 =	sld [smem:$0x3FAA]  }
0x39: {  	_ = 	snop;
	(pc) =	sbr.ind lr, $3  }
0x3a: {  	_ = 	snop  }
0x3b: {  	_ = 	snop  }
0x3c: {  	p2 =	seq.s32 s10, $0x1;
	s10 =	sld [smem:$0x3FA9]  }
0x3d: {  	_ =	shalt  }
0x3e: {  	_ =	shalt  }
0x3f: {  	_ =	shalt  }
0x40: {  	_ =	shalt  }
0x41: {  	_ =	shalt  }
0x42: {  	_ =	shalt  }
0x43: {  	_ =	shalt  }
0x44: {  	_ =	shalt  }
0x45: {  	_ =	shalt  }
0x46: {  	_ =	shalt  }
0x47: {  	_ =	shalt  }
0x48: {  	_ =	shalt  }
0x49: {  	_ =	shalt  }
0x4a: {  	_ =	shalt  }
0x4b: {  	_ =	shalt  }
0x4c: {  	_ =	shalt  }
0x4d: {  	_ =	shalt  }
0x4e: {  	_ =	shalt  }
0x4f: {  	_ =	shalt  }
0x50: {  	_ =	shalt  }
0x51: {  	_ =	shalt  }
0x52: {  	_ =	shalt  }
0x53: {  	_ =	shalt  }
0x54: {  	_ =	shalt  }
0x55: {  	_ =	shalt  }
0x56: {  	_ =	shalt  }
0x57: {  	_ =	shalt  }
0x58: {  	_ =	shalt  }
0x59: {  	_ =	shalt  }
0x5a: {  	_ =	shalt  }
0x5b: {  	_ =	shalt  }
0x5c: {  	_ =	shalt  }
0x5d: {  	_ =	shalt  }
0x5e: {  	_ =	shalt  }
0x5f: {  	_ =	shalt  }
0x60: {  	_ =	shalt  }
0x61: {  	_ =	shalt  }
0x62: {  	_ =	shalt  }
0x63: {  	_ =	shalt  }
0x64: {  	_ =	shalt  }
0x65: {  	_ =	shalt  }
0x66: {  	_ =	shalt  }
0x67: {  	_ =	shalt  }
0x68: {  	_ =	shalt  }
0x69: {  	_ =	shalt  }
0x6a: {  	_ =	shalt  }
0x6b: {  	_ =	shalt  }
0x6c: {  	_ =	shalt  }
0x6d: {  	_ =	shalt  }
0x6e: {  	_ =	shalt  }
0x6f: {  	_ =	shalt  }
0x70: {  	_ =	shalt  }
0x71: {  	_ =	shalt  }
0x72: {  	_ =	shalt  }
0x73: {  	_ =	shalt  }
0x74: {  	_ =	shalt  }
0x75: {  	_ =	shalt  }
0x76: {  	_ =	shalt  }
0x77: {  	_ =	shalt  }
0x78: {  	_ =	shalt  }
0x79: {  	_ =	shalt  }
0x7a: {  	_ =	shalt  }
0x7b: {  	_ =	shalt  }
0x7c: {  	_ =	shalt  }
0x7d: {  	_ =	shalt  }
0x7e: {  	_ =	shalt  }
0x7f: {  	_ =	shalt  }
0x80: {  	_ =	shalt  }
0x81: {  	_ =	shalt  }
0x82: {  	_ =	shalt  }
0x83: {  	_ =	shalt  }
0x84: {  	_ =	shalt  }
0x85: {  	_ =	shalt  }
0x86: {  	_ =	shalt  }
0x87: {  	_ =	shalt  }
.Lfunc_end0:
.L_simem_size_0:
called_computation_lowered:
.L_overlay_start_0:
0x88: {  	s2 =	sld [smem:$0x3FD9]  }
0x89: {  	s3 =	sld [smem:$0x3FFE];
	_ =	sdelay $0x1  }
0x8a: {  	s1 =	srdreg.scid  }
0x8b: {  	s0 =	sand.u32 $0x1, s1  }
0x8c: {  	s17 =	sshll.u32 s0, $0xA;
	s2 =	sadd.s32 s3, s2  }
0x8d: {  	s2 =	sadd.s32 s2, s17  }
0x8e: {  	[smem:$0x3FB5] =	sst s2  }
0x8f: {  	_ = 	snop  }
0x90: {  	s2 =	sld [smem:$0x3FD0];
	(tm) =	ssettm $0x1  }
0x91: {  	s18 =	sld [smem:$0x3FFB];
	_ =	sdelay $0x3  }
0x92: {  	_ =	strace s18  }
0x93: {  	s3 =	sld [smem:$0x3FFC];
	_ =	sdelay $0x3  }
0x94: {  	_ =	strace s3  }
0x95: {  	s3 =	sld [smem:$0x3FFD];
	_ =	sdelay $0x3  }
0x96: {  	_ =	strace s3  }
0x97: {  	_ =	strace $0x8FFFFFFF  }
0x98: {  	s19 =	sld [smem:$0x3FDB];
	_ =	sdelay $0x1  }
0x99: {  	s4 =	simm.s32 $_scs_section_size  }
0x9a: {  	s5 =	simm.s32 $_size__tile_overlayer_lowered;
	s6 =	simm.s32 $_tile_overlayer_lowered  }
0x9b: {  	s22 =	simm.s32 $0x1BFF;
	s21 =	sshll.u32 s6, $0x1;
	s3 =	sadd.s32 s4, s19  }
0x9c: {  	s7 =	simm.s32 $0x0;
	s20 =	sshll.u32 s5, $0x1;
	s5 =	sadd.s32 s21, s3  }
0x9d: {  	[timem:s7], [sflag:s22] =	dma.local [hbm:s5], s20  }
0x9e: {  	_ =	swait.ge [sflag:s22], s20  }
0x9f: {  	s4 =	ssub.s32 $0x0, s20;
	[sflag:s22] =	ssyncset.done $0x0  }
0xa0: {  	[sflag:s22] =	ssyncadd.s32 s4;
	_ =	sdelay $0x1  }
0xa1: {  	s23 =	simm.s32 $0x1B8B  }
0xa2: {  	_ =	swait.ge [sflag:s23], $0x1  }
0xa3: {  	[sflag:s23] =	ssyncset.done $0x0  }
0xa4: {  	s25 =	simm.s32 $0x1B8E;
	s24 =	sld [smem:$0x3FFE];
	[sflag:s23] =	ssyncadd.s32 $0xFFFFFFFF  }
0xa5: {  	s26 =	simm.s32 $execute0_lowered;
	[smem:$0x3FD2] =	sst s25  }
0xa6: {  	s5 =	sshll.u32 s26, $0x1;
	_ =	strace $0x80000046;
	[dreg:$0x1] =	wrdreg $0xFFFFFFFF  }
0xa7: {  	s28 =	simm.s32 $_size_execute0_lowered;
	s3 =	sadd.s32 s3, s5;
	[dreg:$0x0] =	wrdreg $0x0  }
0xa8: {  	s5 =	sshll.u32 s28, $0x1;
	[dreg:$0x2] =	wrdreg s3  }
0xa9: {  	[dreg:$0x3] =	wrdreg s5  }
0xaa: {  	[dreg:$0x4] =	wrdreg $0xC0  }
0xab: {  	_ =	task [dreg:s7], $0x5FFFF  }
0xac: {  	[dreg:$0x1] =	wrdreg $0xFFFFFFFF  }
0xad: {  	[dreg:$0x0] =	wrdreg $0x60  }
0xae: {  	[dreg:$0x2] =	wrdreg s24  }
0xaf: {  	[dreg:$0x3] =	wrdreg s2  }
0xb0: {  	[dreg:$0x4] =	wrdreg $0x9  }
0xb1: {  	_ =	task.clear_ibuf [dreg:s7], $0x5FFFF;
	_ =	strace $0x90000046  }
0xb2: {  	s29 =	simm.s32 $0x9;
	_ =	strace $0x80000048  }
0xb3: {  	_ =	swait.ge [sflag:s29], $0x1  }
0xb4: {  	[sflag:s29] =	ssyncadd.s32 $0xFFFFFFFF  }
0xb5: {  	_ =	strace $0x90000048  }
0xb6: {  	_ =	sfence  }
0xb7: {  	s30 =	sld [smem:$0x0];
	_ =	sdelay $0x2  }
0xb8: {  	s31 =	sshll.u32 s1, $0xD;
	s1 =	sshrl.u32 s1, $0x2  }
0xb9: {  	s3 =	sand.u32 $0x4000, s31;
	s1 =	sadd.s32 s1, s30  }
0xba: {  	s0 =	sor.u32 s3, s0;
	s1 =	sshll.u32 s1, $0x11  }
0xbb: {  	s0 =	sor.u32 s1, s0  }
0xbc: {  	s0 =	sadd.s32 $0x8F2B, s0  }
0xbd: {  	[sflag:s0] =	ssyncadd.remote.s32 $0x1  }
0xbe: {  	_ =	sfence.sel $0xFFFF  }
0xbf: {  	[dreg:$0x0] =	wrdreg $0xFFFFFFFF;
	(pc) =	sbr.abs _section_cstart, $3  }
0xc0: {  	[dreg:$0x1] =	wrdreg $0xFFFFFFFF  }
0xc1: {  	_ =	task.clear_ibuf [dreg:s7], $0x2FFFF;
	_ =	strace $0x9FFFFFFF  }
0xc2: {  	(tm) =	ssettm $0x7FFFFFFF  }
0xc3: {  	_ =	shalt  }
tec
execute0_lowered:
.L_overlay_start_1:
0x0: {  	(tag) =	ssettag $0x1  }
0x1: {  	s0 =	rddreg [dreg:$0x0];
	v0 =	vimm.s32 $0x8040201;
	v1 =	vimm.s32 $0x80402010  }
0x2: {  	s8 =	rddreg [dreg:$0x1];
	v0 =	vunpack.c.0.s8.s32 v0;
	v1 =	vunpack.c.0.s8.s32 v1  }
0x3: {  	s3 =	srdreg.scid;
	s1 =	stileid.u32;
	s2 =	simm.s32 $0x0;
	vm0 =	vcmask $0xF00  }
0x4: {  	s12 =	simm.s32 $0x100;
	s13 =	simm.s32 $0x1480;
	s14 =	simm.s32 $0x1680;
	v0 =	vnsel vm0, $0x8000, v0;
	v1 =	vand.u32 $0xFF, v1;
	vm0 =	vcmask $0x1F10  }
0x5: {  	s15 =	simm.s32 $0x1580;
	s16 =	simm.s32 $0x9680;
	s17 =	simm.s32 $0x1;
	v0 =	vsel vm0, v1, v0;
	vm0 =	vcmask $0x2320  }
0x6: {  	s18 =	simm.s32 $0x2;
	s20 =	simm.s32 $0x0;
	s6 =	sand.u32 $0x1, s3;
	v0 =	vsel vm0, $0x100, v0;
	vm0 =	vcmask $0x2724  }
0x7: {  	s30 =	sshll.u32 s1, $0x1;
	[smem:$0x7FF] =	sst s2;
	s4 =	sadd.s32 $0x143000, s0;
	v0 =	vsel vm0, $0x200, v0;
	vm0 =	vcmask $0x2B28  }
.Ltmp0:
0x8: {  	s5 =	sadd.s32 $0x7B000, s0;
	s3 =	sor.u32 s6, s30;
	v1 =	vsel vm0, $0x400, v0;
	vm0 =	vcmask $0x2F2C;
	(pc) =	sbr.rel .LBB2_1-.Ltmp0, $4  }
0x9: {  	vm1 =	vcmask $0x3330;
	vm2 =	vcmask $0x3734;
	s7 =	sadd.s32 $0x20B000, s0;
	s9 =	ssub.s32 $0x2, s6;
	s3 =	smul.u32 $0x140, s3;
	v1 =	vsel vm0, $0x800, v1  }
0xa: {  	v2 =	vlaneseq.u32;
	_ =	strace $0x80000047;
	s6 =	sadd.s32 $0x2B000, s0;
	s10 =	sshrl.u32 s9, $0x1;
	v0 =	vimm.s32 $0x27FF;
	v1 =	vsel vm1, $0x1000, v1  }
0xb: {  	s31 =	ssub.s32 s9, s10;
	s10 =	simm.s32 $0x3;
	s11 =	sshrl.u32 s3, $0x3;
	vm0 =	vmmov $0x1;
	v1 =	vsel vm2, $0x2000, v1;
	vm2 =	vcmask $0x3B38  }
0xc: {  	s9 =	smax.u32 s31, $0x1;
	s8 =	sadd.s32 s8, s11;
	s11 =	simm.s32 $0x1400;
	vm1 =	vcmask $0x308;
	v1 =	vsel vm2, $0x4000, v1;
	vm2 =	vcmask $0x70C  }
.LBB2_83:
0xd: {  	s20 =	sadd.s32 $0x1, s20  }
0xe: {  	p0 =	sne.s32 s20, s9  }
.Ltmp1:
0xf: {  	s0 =	simm.s32 $0x11680;
	(pc) =	sbr.rel @!p0 .LBB2_84-.Ltmp1, $4  }
0x10: {  	[hbm4b:s8+s2] =	stream.linear.scatter [tilespmem:s0], [sflag:$0x3], $0x140, $0x38;
	[tilespmem:$0x11800] =	vst v63  }
0x11: {  	_ =	swait.ge [sflag:s10], $0x140  }
0x12: {  	[sflag:s10] =	ssyncset.done $0x0  }
0x13: {  	[sflag:s10] =	ssyncadd.s32 $0xFFFFFEC0  }
.LBB2_1:
.Ltmp2:
0x14: {  	(pc) =	sbr.rel .LBB2_2-.Ltmp2, $2  }
0x15: {  	_ =	sdelay $0x2  }
0x16: {  	s21 =	simm.s32 $0x0  }
.LBB2_82:
0x17: {  	[tilespmem:s16], [sflag:$0x2] =	stream.indirect.gather [hbm4b:s6+s12], $0x80, s15, s12, $0xb8;
	[tilespmem:$0x11800] =	vst v63  }
0x18: {  	_ =	swait.ge [sflag:s17], $0x8000  }
0x19: {  	s0 =	sshll.u32 s22, $0x9;
	[sflag:s17] =	ssyncset.done $0x0  }
0x1a: {  	s0 =	sadd.s32 s7, s0;
	[sflag:s17] =	ssyncadd.s32 $0xFFFF8000  }
0x1b: {  	[hbm4b:s0+s2] =	stream.linear.scatter [tilespmem:s14], [sflag:$0x3], $0x8000, $0x38;
	[tilespmem:$0x11800] =	vst v63  }
0x1c: {  	_ =	swait.ge [sflag:s10], $0x8000  }
0x1d: {  	[sflag:s10] =	ssyncset.done $0x0  }
0x1e: {  	[sflag:s10] =	ssyncadd.s32 $0xFFFF8000  }
0x1f: {  	s31 =	sshll.u32 s24, $0x9;
	s21 =	sadd.s32 $0x1, s21;
	_ =	swait.ge [sflag:s18], $0x8000  }
0x20: {  	p0 =	sne.s32 s21, $0x14;
	s0 =	sand.u32 $0x1FFFF000, s31;
	[sflag:s18] =	ssyncset.done $0x0  }
.Ltmp3:
0x21: {  	s0 =	sadd.s32 s7, s0;
	[sflag:s18] =	ssyncadd.s32 $0xFFFF8000;
	(pc) =	sbr.rel @!p0 .LBB2_83-.Ltmp3, $4  }
0x22: {  	[hbm4b:s0+s2] =	stream.linear.scatter [tilespmem:s16], [sflag:$0x3], $0x8000, $0x38;
	[tilespmem:$0x11800] =	vst v63  }
0x23: {  	_ =	swait.ge [sflag:s10], $0x8000  }
0x24: {  	[sflag:s10] =	ssyncset.done $0x0  }
0x25: {  	[sflag:s10] =	ssyncadd.s32 $0xFFFF8000  }
.LBB2_2:
0x26: {  	s23 =	sshll.u32 s21, $0x4  }
0x27: {  	s22 =	sadd.s32 s3, s23  }
0x28: {  	s0 =	smul.u32 $0x50, s22;
	_ =	sdelay $0x1  }
0x29: {  	s24 =	simm.s32 $0x0;
	s0 =	sadd.s32 s4, s0  }
0x2a: {  	[tilespmem:s24], [sflag:$0x3] =	stream.linear.gather [hbm4b:s0+s24], $0x1400, $0x38;
	[tilespmem:$0x11800] =	vst v63  }
0x2b: {  	_ =	swait.ge [sflag:s10], $0x1400  }
0x2c: {  	s31 =	sshll.u32 s22, $0x1;
	[sflag:s10] =	ssyncset.done $0x0  }
.Ltmp4:
0x2d: {  	s0 =	sadd.s32 s5, s31;
	[sflag:s10] =	ssyncadd.s32 $0xFFFFEC00;
	(pc) =	sbr.rel .LBB2_3-.Ltmp4, $4  }
0x2e: {  	[tilespmem:s11], [sflag:$0x3] =	stream.linear.gather [hbm4b:s0+s24], $0x80, $0x38;
	[tilespmem:$0x11800] =	vst v63  }
0x2f: {  	_ =	swait.ge [sflag:s10], $0x80  }
0x30: {  	[sflag:s10] =	ssyncset.done $0x0  }
0x31: {  	[sflag:s10] =	ssyncadd.s32 $0xFFFFFF80  }
.LBB2_40:
0x32: {  	s25 =	smov.u32 @p0 s25  }
.LBB2_41:
0x33: {  	v3 =	vld [tilespmem:s23+$0x11680];
	v4 =	vmov s24;
	s24 =	sadd.s32 $0x1, s24  }
0x34: {  	p0 =	sne.s32 s24, $0x8  }
.Ltmp5:
0x35: {  	_ = 	snop;
	(pc) =	sbr.rel @!p0 .LBB2_42-.Ltmp5, $4  }
0x36: {  	s0 =	scvt.s32.f32 s25  }
0x37: {  	vm3 =	veq.s32 v4, v2  }
0x38: {  	v3 =	vsel vm3, s0, v3  }
0x39: {  	[tilespmem:s23+$0x11680] =	vst v3  }
.LBB2_3:
0x3a: {  	s0 =	sshll.u32 s24, $0x5  }
0x3b: {  	s25 =	sand.u32 $0x3FFFFFE0, s0  }
0x3c: {  	s31 =	sshll.u32 s24, $0x4;
	[tilespmem:s25+$0x1480] =	vst v0  }
0x3d: {  	s0 =	sand.u32 $0x3FFFFFF0, s31;
	[tilespmem:s25+$0x1490] =	vst v0  }
0x3e: {  	v3 =	vld [tilespmem:s0+$0x1400];
	_ =	sdelay $0x4  }
0x3f: {  	v4 =	vnsel vm0, $0x0, v3  }
0x40: {  	v4 =	vxor.u32 $0x80000000, v4  }
0x41: {  	(xrf0) =	vmax.scan.msk.u32 $0xffff, v4;
	_ =	sdelay $0x5  }
0x42: {  	v4, _, _ =	vpop (xrf0)  }
0x43: {  	(v2sf) =	vpush v4, $0xF;
	_ =	sdelay $0xe  }
0x44: {  	s0 =	spop (v2sf)  }
0x45: {  	p0 =	seq.s32 s0, $0x80000000  }
.Ltmp6:
0x46: {  	_ = 	snop;
	(pc) =	sbr.rel @p0 .LBB2_15-.Ltmp6, $2  }
0x47: {  	_ =	sdelay $0x2  }
0x48: {  	s26 =	sadd.s32 $0x1480, s25;
	s25 =	simm.s32 $0x0  }
.Ltmp7:
0x49: {  	(pc) =	sbr.rel .LBB2_5-.Ltmp7, $3  }
0x4a: {  	_ =	sdelay $0x1  }
0x4b: {  	v4 =	vmov s26  }
0x4c: {  	s28 =	sxor.u32 $0x80000000, s0;
	s29 =	smul.u32 $0x280, s24;
	s25 =	simm.s32 $0x0  }
.LBB2_12:
0x4d: {  	s25 =	smov.u32 @p0 s25  }
.LBB2_13:
0x4e: {  	s0 =	sadd.s32 $0xFFFFFFFF, s28  }
0x4f: {  	s28 =	sand.u32 s28, s0  }
0x50: {  	p0 =	seq.s32 s28, $0x0  }
0x51: {  	p1 =	slt.s32 @!p0 s25, $0x20  }
0x52: {  	p1 =	por p0, !p1  }
.Ltmp8:
0x53: {  	_ = 	snop;
	(pc) =	sbr.rel @p1 .LBB2_14-.Ltmp8, $1  }
0x54: {  	_ =	sdelay $0x3  }
.LBB2_5:
0x55: {  	v5 =	vand.u32 s28, v1  }
0x56: {  	vm3 =	vne.s32 v5, $0x0  }
0x57: {  	v5 =	vmctz.xlane vm3;
	_ =	sdelay $0x1  }
0x58: {  	v5 =	vxor.u32 $0x80000000, v5  }
0x59: {  	(xrf0) =	vmax.scan.msk.u32 $0xffff, v5;
	_ =	sdelay $0x5  }
0x5a: {  	v5, _, _ =	vpop (xrf0)  }
0x5b: {  	(v2sf) =	vpush v5, $0xF;
	_ =	sdelay $0xe  }
0x5c: {  	s0 =	spop (v2sf)  }
0x5d: {  	s0 =	sshll.u32 s0, $0x4  }
0x5e: {  	s30 =	sadd.s32 s29, s0  }
0x5f: {  	s31 =	sand.u32 $0x70, s0;
	s30 =	sand.u32 $0xFFFFFF80, s30  }
0x60: {  	s30 =	sor.u32 s31, s30  }
0x61: {  	v5 =	vld [tilespmem:s30+$0x0];
	_ =	sdelay $0x4  }
0x62: {  	vm3 =	veq.s32 v5, $0x0  }
0x63: {  	v6 =	vsel vm3, $0x0, v1  }
0x64: {  	(xrf0) =	vadd.scan.msk.s32 $0xffff, v6;
	_ =	sdelay $0x5  }
0x65: {  	v6, _, _ =	vpop (xrf0)  }
0x66: {  	(v2sf) =	vpush v6, $0xF;
	_ =	sdelay $0xe  }
0x67: {  	s30 =	spop (v2sf)  }
0x68: {  	p0 =	seq.s32 s30, $0x0  }
.Ltmp9:
0x69: {  	_ = 	snop;
	(pc) =	sbr.rel @p0 .LBB2_13-.Ltmp9, $1  }
0x6a: {  	_ =	sdelay $0x3  }
.Ltmp10:
0x6b: {  	(pc) =	sbr.rel .LBB2_7-.Ltmp10, $2  }
0x6c: {  	_ =	sdelay $0x2  }
0x6d: {  	v5 =	vxor.u32 $0x80000000, v5;
	v6 =	vmov s0  }
.LBB2_11:
0x6e: {  	s0 =	sadd.s32 $0xFFFFFFFF, s30  }
0x6f: {  	s30 =	sand.u32 s30, s0  }
0x70: {  	p0 =	seq.s32 s30, $0x0  }
0x71: {  	p1 =	slt.s32 @!p0 s25, $0x20  }
0x72: {  	p1 =	por p0, !p1  }
.Ltmp11:
0x73: {  	_ = 	snop;
	(pc) =	sbr.rel @p1 .LBB2_12-.Ltmp11, $1  }
0x74: {  	_ =	sdelay $0x3  }
.LBB2_7:
0x75: {  	v7 =	vand.u32 s30, v1  }
0x76: {  	vm3 =	vne.s32 v7, $0x0  }
0x77: {  	v7 =	vmctz.xlane vm3;
	_ =	sdelay $0x1  }
0x78: {  	vm3 =	veq.s32 v7, v2  }
0x79: {  	v8 =	vnsel vm3, $0x80000000, v5  }
0x7a: {  	(xrf0) =	vmax.scan.msk.u32 $0xffff, v8;
	_ =	sdelay $0x5  }
0x7b: {  	v8, _, _ =	vpop (xrf0)  }
0x7c: {  	(v2sf) =	vpush v8, $0xF;
	_ =	sdelay $0xe  }
0x7d: {  	s0 =	spop (v2sf)  }
0x7e: {  	p0 =	seq.s32 s0, $0x80000000  }
.Ltmp12:
0x7f: {  	_ = 	snop;
	(pc) =	sbr.rel @p0 .LBB2_11-.Ltmp12, $1  }
0x80: {  	_ =	sdelay $0x3  }
0x81: {  	v7 =	vadd.s32 v6, v7  }
0x82: {  	s31 =	sxor.u32 $0x80000000, s0;
	v7 =	vshll.u32 v7, $0x4  }
.LBB2_9:
0x83: {  	s1 =	sadd.s32 $0xFFFFFFFF, s31  }
0x84: {  	v8 =	vand.u32 s31, v1;
	s31 =	sand.u32 s31, s1  }
0x85: {  	s0 =	sand.u32 $0xFFFFFFF0, s25;
	p0 =	seq.s32 s31, $0x0  }
0x86: {  	v9 =	vld.idx.msk [tilespmem:v4+s0+$0x0 ss:$0x1], $0xffff;
	p1 =	slt.s32 @!p0 s25, $0x1F  }
0x87: {  	vm3 =	vne.s32 v8, $0x0;
	p1 =	por p0, !p1  }
.Ltmp13:
0x88: {  	s19 =	sand.u32 $0xF, s25;
	v8 =	vmctz.xlane vm3;
	(pc) =	sbr.rel @!p1 .LBB2_9-.Ltmp13, $4  }
0x89: {  	v10 =	vmov s19  }
0x8a: {  	vm3 =	veq.s32 v10, v2;
	v8 =	vadd.s32 v7, v8  }
0x8b: {  	v8 =	vsel vm3, v8, v9  }
0x8c: {  	s25 =	sadd.s32 $0x1, s25;
	[tilespmem:v4+s0+$0x0 ss:$0x1] =	vst.idx.msk $0xffff, v8  }
.Ltmp14:
0x8d: {  	(pc) =	sbr.rel .LBB2_11-.Ltmp14, $2  }
0x8e: {  	_ =	sdelay $0x2  }
0x8f: {  	s25 =	smov.u32 @p0 s25  }
.LBB2_14:
0x90: {  	s25 =	smov.u32 @p0 s25  }
.LBB2_15:
0x91: {  	v4 =	vsel vm1, $0x0, v3  }
0x92: {  	v4 =	vxor.u32 $0x80000000, v4  }
0x93: {  	(xrf0) =	vmax.scan.msk.u32 $0xffff, v4;
	_ =	sdelay $0x5  }
0x94: {  	v4, _, _ =	vpop (xrf0)  }
0x95: {  	(v2sf) =	vpush v4, $0xF;
	_ =	sdelay $0xe  }
0x96: {  	s0 =	spop (v2sf)  }
0x97: {  	p0 =	seq.s32 s0, $0x80000000  }
0x98: {  	p1 =	sgt.s32 @!p0 s25, $0x1F  }
0x99: {  	p1 =	por p0, p1  }
.Ltmp15:
0x9a: {  	_ = 	snop;
	(pc) =	sbr.rel @p1 .LBB2_16-.Ltmp15, $1  }
0x9b: {  	_ =	sdelay $0x3  }
.Ltmp16:
0x9c: {  	(pc) =	sbr.rel .LBB2_18-.Ltmp16, $3  }
0x9d: {  	_ =	sdelay $0x1  }
0x9e: {  	v4 =	vmov s26  }
0x9f: {  	s28 =	sxor.u32 $0x80000000, s0;
	s29 =	smul.u32 $0x280, s24  }
.LBB2_25:
0xa0: {  	s25 =	smov.u32 @p0 s25  }
.LBB2_26:
0xa1: {  	s0 =	sadd.s32 $0xFFFFFFFF, s28  }
0xa2: {  	s28 =	sand.u32 s28, s0  }
0xa3: {  	p0 =	seq.s32 s28, $0x0  }
0xa4: {  	p1 =	slt.s32 @!p0 s25, $0x20  }
0xa5: {  	p1 =	por p0, !p1  }
.Ltmp17:
0xa6: {  	_ = 	snop;
	(pc) =	sbr.rel @p1 .LBB2_27-.Ltmp17, $1  }
0xa7: {  	_ =	sdelay $0x3  }
.LBB2_18:
0xa8: {  	v5 =	vand.u32 s28, v1  }
0xa9: {  	vm3 =	vne.s32 v5, $0x0  }
0xaa: {  	v5 =	vmctz.xlane vm3;
	_ =	sdelay $0x1  }
0xab: {  	v5 =	vxor.u32 $0x80000000, v5  }
0xac: {  	(xrf0) =	vmax.scan.msk.u32 $0xffff, v5;
	_ =	sdelay $0x5  }
0xad: {  	v5, _, _ =	vpop (xrf0)  }
0xae: {  	(v2sf) =	vpush v5, $0xF;
	_ =	sdelay $0xe  }
0xaf: {  	s0 =	spop (v2sf)  }
0xb0: {  	s1 =	sshll.u32 s0, $0x4  }
0xb1: {  	s0 =	sadd.s32 $0x100, s1  }
0xb2: {  	s30 =	sadd.s32 s29, s0  }
0xb3: {  	s1 =	sand.u32 $0x70, s1;
	s30 =	sand.u32 $0xFFFFFF80, s30  }
0xb4: {  	s1 =	sor.u32 s1, s30  }
0xb5: {  	v5 =	vld [tilespmem:s1+$0x0];
	_ =	sdelay $0x4  }
0xb6: {  	vm3 =	veq.s32 v5, $0x0  }
0xb7: {  	v6 =	vsel vm3, $0x0, v1  }
0xb8: {  	(xrf0) =	vadd.scan.msk.s32 $0xffff, v6;
	_ =	sdelay $0x5  }
0xb9: {  	v6, _, _ =	vpop (xrf0)  }
0xba: {  	(v2sf) =	vpush v6, $0xF;
	_ =	sdelay $0xe  }
0xbb: {  	s30 =	spop (v2sf)  }
0xbc: {  	p0 =	seq.s32 s30, $0x0  }
.Ltmp18:
0xbd: {  	_ = 	snop;
	(pc) =	sbr.rel @p0 .LBB2_26-.Ltmp18, $1  }
0xbe: {  	_ =	sdelay $0x3  }
.Ltmp19:
0xbf: {  	(pc) =	sbr.rel .LBB2_20-.Ltmp19, $2  }
0xc0: {  	_ =	sdelay $0x2  }
0xc1: {  	v5 =	vxor.u32 $0x80000000, v5;
	v6 =	vmov s0  }
.LBB2_24:
0xc2: {  	s0 =	sadd.s32 $0xFFFFFFFF, s30  }
0xc3: {  	s30 =	sand.u32 s30, s0  }
0xc4: {  	p0 =	seq.s32 s30, $0x0  }
0xc5: {  	p1 =	slt.s32 @!p0 s25, $0x20  }
0xc6: {  	p1 =	por p0, !p1  }
.Ltmp20:
0xc7: {  	_ = 	snop;
	(pc) =	sbr.rel @p1 .LBB2_25-.Ltmp20, $1  }
0xc8: {  	_ =	sdelay $0x3  }
.LBB2_20:
0xc9: {  	v7 =	vand.u32 s30, v1  }
0xca: {  	vm3 =	vne.s32 v7, $0x0  }
0xcb: {  	v7 =	vmctz.xlane vm3;
	_ =	sdelay $0x1  }
0xcc: {  	vm3 =	veq.s32 v7, v2  }
0xcd: {  	v8 =	vnsel vm3, $0x80000000, v5  }
0xce: {  	(xrf0) =	vmax.scan.msk.u32 $0xffff, v8;
	_ =	sdelay $0x5  }
0xcf: {  	v8, _, _ =	vpop (xrf0)  }
0xd0: {  	(v2sf) =	vpush v8, $0xF;
	_ =	sdelay $0xe  }
0xd1: {  	s0 =	spop (v2sf)  }
0xd2: {  	p0 =	seq.s32 s0, $0x80000000  }
.Ltmp21:
0xd3: {  	_ = 	snop;
	(pc) =	sbr.rel @p0 .LBB2_24-.Ltmp21, $1  }
0xd4: {  	_ =	sdelay $0x3  }
0xd5: {  	v7 =	vadd.s32 v6, v7  }
0xd6: {  	s31 =	sxor.u32 $0x80000000, s0;
	v7 =	vshll.u32 v7, $0x4  }
.LBB2_22:
0xd7: {  	s1 =	sadd.s32 $0xFFFFFFFF, s31  }
0xd8: {  	v8 =	vand.u32 s31, v1;
	s31 =	sand.u32 s31, s1  }
0xd9: {  	s0 =	sand.u32 $0xFFFFFFF0, s25;
	p0 =	seq.s32 s31, $0x0  }
0xda: {  	v9 =	vld.idx.msk [tilespmem:v4+s0+$0x0 ss:$0x1], $0xffff;
	p1 =	slt.s32 @!p0 s25, $0x1F  }
0xdb: {  	vm3 =	vne.s32 v8, $0x0;
	p1 =	por p0, !p1  }
.Ltmp22:
0xdc: {  	s19 =	sand.u32 $0xF, s25;
	v8 =	vmctz.xlane vm3;
	(pc) =	sbr.rel @!p1 .LBB2_22-.Ltmp22, $4  }
0xdd: {  	v10 =	vmov s19  }
0xde: {  	vm3 =	veq.s32 v10, v2;
	v8 =	vadd.s32 v7, v8  }
0xdf: {  	v8 =	vsel vm3, v8, v9  }
0xe0: {  	s25 =	sadd.s32 $0x1, s25;
	[tilespmem:v4+s0+$0x0 ss:$0x1] =	vst.idx.msk $0xffff, v8  }
.Ltmp23:
0xe1: {  	(pc) =	sbr.rel .LBB2_24-.Ltmp23, $2  }
0xe2: {  	_ =	sdelay $0x2  }
0xe3: {  	s25 =	smov.u32 @p0 s25  }
.LBB2_27:
.Ltmp24:
0xe4: {  	(pc) =	sbr.rel .LBB2_28-.Ltmp24, $2  }
0xe5: {  	_ =	sdelay $0x2  }
0xe6: {  	s25 =	smov.u32 @p0 s25  }
.LBB2_16:
0xe7: {  	s25 =	smov.u32 @p0 s25  }
.LBB2_28:
0xe8: {  	v3 =	vsel vm2, $0x0, v3  }
0xe9: {  	v3 =	vxor.u32 $0x80000000, v3  }
0xea: {  	(xrf0) =	vmax.scan.msk.u32 $0xffff, v3;
	_ =	sdelay $0x5  }
0xeb: {  	v3, _, _ =	vpop (xrf0)  }
0xec: {  	(v2sf) =	vpush v3, $0xF;
	_ =	sdelay $0xe  }
0xed: {  	s0 =	spop (v2sf)  }
0xee: {  	p0 =	seq.s32 s0, $0x80000000  }
0xef: {  	p1 =	sgt.s32 @!p0 s25, $0x1F  }
0xf0: {  	p1 =	por p0, p1  }
.Ltmp25:
0xf1: {  	_ = 	snop;
	(pc) =	sbr.rel @p1 .LBB2_29-.Ltmp25, $1  }
0xf2: {  	_ =	sdelay $0x3  }
.Ltmp26:
0xf3: {  	(pc) =	sbr.rel .LBB2_31-.Ltmp26, $3  }
0xf4: {  	_ =	sdelay $0x1  }
0xf5: {  	v3 =	vmov s26  }
0xf6: {  	s28 =	sxor.u32 $0x80000000, s0;
	s29 =	smul.u32 $0x280, s24  }
.LBB2_38:
0xf7: {  	s25 =	smov.u32 @p0 s25  }
.LBB2_39:
0xf8: {  	s0 =	sadd.s32 $0xFFFFFFFF, s28  }
0xf9: {  	s28 =	sand.u32 s28, s0  }
0xfa: {  	p0 =	seq.s32 s28, $0x0  }
0xfb: {  	p1 =	slt.s32 @!p0 s25, $0x20  }
0xfc: {  	p1 =	por p0, !p1  }
.Ltmp27:
0xfd: {  	_ = 	snop;
	(pc) =	sbr.rel @p1 .LBB2_40-.Ltmp27, $1  }
0xfe: {  	_ =	sdelay $0x3  }
.LBB2_31:
0xff: {  	v4 =	vand.u32 s28, v1  }
0x100: {  	vm3 =	vne.s32 v4, $0x0  }
0x101: {  	v4 =	vmctz.xlane vm3;
	_ =	sdelay $0x1  }
0x102: {  	v4 =	vxor.u32 $0x80000000, v4  }
0x103: {  	(xrf0) =	vmax.scan.msk.u32 $0xffff, v4;
	_ =	sdelay $0x5  }
0x104: {  	v4, _, _ =	vpop (xrf0)  }
0x105: {  	(v2sf) =	vpush v4, $0xF;
	_ =	sdelay $0xe  }
0x106: {  	s0 =	spop (v2sf)  }
0x107: {  	s1 =	sshll.u32 s0, $0x4  }
0x108: {  	s0 =	sadd.s32 $0x200, s1  }
0x109: {  	s26 =	sadd.s32 s29, s0  }
0x10a: {  	s1 =	sand.u32 $0x70, s1;
	s26 =	sand.u32 $0xFFFFFF80, s26  }
0x10b: {  	s1 =	sor.u32 s1, s26  }
0x10c: {  	v4 =	vld [tilespmem:s1+$0x0];
	_ =	sdelay $0x4  }
0x10d: {  	vm3 =	veq.s32 v4, $0x0  }
0x10e: {  	v5 =	vsel vm3, $0x0, v1  }
0x10f: {  	(xrf0) =	vadd.scan.msk.s32 $0xffff, v5;
	_ =	sdelay $0x5  }
0x110: {  	v5, _, _ =	vpop (xrf0)  }
0x111: {  	(v2sf) =	vpush v5, $0xF;
	_ =	sdelay $0xe  }
0x112: {  	s26 =	spop (v2sf)  }
0x113: {  	p0 =	seq.s32 s26, $0x0  }
.Ltmp28:
0x114: {  	_ = 	snop;
	(pc) =	sbr.rel @p0 .LBB2_39-.Ltmp28, $1  }
0x115: {  	_ =	sdelay $0x3  }
.Ltmp29:
0x116: {  	(pc) =	sbr.rel .LBB2_33-.Ltmp29, $2  }
0x117: {  	_ =	sdelay $0x2  }
0x118: {  	v4 =	vxor.u32 $0x80000000, v4;
	v5 =	vmov s0  }
.LBB2_37:
0x119: {  	s0 =	sadd.s32 $0xFFFFFFFF, s26  }
0x11a: {  	s26 =	sand.u32 s26, s0  }
0x11b: {  	p0 =	seq.s32 s26, $0x0  }
0x11c: {  	p1 =	slt.s32 @!p0 s25, $0x20  }
0x11d: {  	p1 =	por p0, !p1  }
.Ltmp30:
0x11e: {  	_ = 	snop;
	(pc) =	sbr.rel @p1 .LBB2_38-.Ltmp30, $1  }
0x11f: {  	_ =	sdelay $0x3  }
.LBB2_33:
0x120: {  	v6 =	vand.u32 s26, v1  }
0x121: {  	vm3 =	vne.s32 v6, $0x0  }
0x122: {  	v6 =	vmctz.xlane vm3;
	_ =	sdelay $0x1  }
0x123: {  	vm3 =	veq.s32 v6, v2  }
0x124: {  	v7 =	vnsel vm3, $0x80000000, v4  }
0x125: {  	(xrf0) =	vmax.scan.msk.u32 $0xffff, v7;
	_ =	sdelay $0x5  }
0x126: {  	v7, _, _ =	vpop (xrf0)  }
0x127: {  	(v2sf) =	vpush v7, $0xF;
	_ =	sdelay $0xe  }
0x128: {  	s0 =	spop (v2sf)  }
0x129: {  	p0 =	seq.s32 s0, $0x80000000  }
.Ltmp31:
0x12a: {  	_ = 	snop;
	(pc) =	sbr.rel @p0 .LBB2_37-.Ltmp31, $1  }
0x12b: {  	_ =	sdelay $0x3  }
0x12c: {  	v6 =	vadd.s32 v5, v6  }
0x12d: {  	s30 =	sxor.u32 $0x80000000, s0;
	v6 =	vshll.u32 v6, $0x4  }
.LBB2_35:
0x12e: {  	s1 =	sadd.s32 $0xFFFFFFFF, s30  }
0x12f: {  	v7 =	vand.u32 s30, v1;
	s30 =	sand.u32 s30, s1  }
0x130: {  	s0 =	sand.u32 $0xFFFFFFF0, s25;
	p0 =	seq.s32 s30, $0x0  }
0x131: {  	v8 =	vld.idx.msk [tilespmem:v3+s0+$0x0 ss:$0x1], $0xffff;
	p1 =	slt.s32 @!p0 s25, $0x1F  }
0x132: {  	vm3 =	vne.s32 v7, $0x0;
	p1 =	por p0, !p1  }
.Ltmp32:
0x133: {  	s31 =	sand.u32 $0xF, s25;
	v7 =	vmctz.xlane vm3;
	(pc) =	sbr.rel @!p1 .LBB2_35-.Ltmp32, $4  }
0x134: {  	v9 =	vmov s31  }
0x135: {  	vm3 =	veq.s32 v9, v2;
	v7 =	vadd.s32 v6, v7  }
0x136: {  	v7 =	vsel vm3, v7, v8  }
0x137: {  	s25 =	sadd.s32 $0x1, s25;
	[tilespmem:v3+s0+$0x0 ss:$0x1] =	vst.idx.msk $0xffff, v7  }
.Ltmp33:
0x138: {  	(pc) =	sbr.rel .LBB2_37-.Ltmp33, $2  }
0x139: {  	_ =	sdelay $0x2  }
0x13a: {  	s25 =	smov.u32 @p0 s25  }
.LBB2_29:
.Ltmp34:
0x13b: {  	(pc) =	sbr.rel .LBB2_41-.Ltmp34, $2  }
0x13c: {  	_ =	sdelay $0x2  }
0x13d: {  	s25 =	smov.u32 @p0 s25  }
.LBB2_42:
0x13e: {  	s24 =	sor.u32 $0x8, s22  }
0x13f: {  	s0 =	smul.u32 $0x50, s24  }
0x140: {  	[tilespmem:s14], [sflag:$0x1] =	stream.indirect.gather [hbm4b:s6+s12], $0x80, s13, s12, $0xb8;
	[tilespmem:$0x11800] =	vst v63  }
0x141: {  	s25 =	simm.s32 $0x0;
	s0 =	sadd.s32 s4, s0  }
0x142: {  	[tilespmem:s25], [sflag:$0x3] =	stream.linear.gather [hbm4b:s0+s25], $0x1400, $0x38;
	[tilespmem:$0x11800] =	vst v63  }
0x143: {  	s31 =	sshll.u32 s24, $0x1;
	_ =	swait.ge [sflag:s10], $0x1400  }
0x144: {  	s0 =	sand.u32 $0x1FFFFFF0, s31;
	[sflag:s10] =	ssyncset.done $0x0  }
.Ltmp35:
0x145: {  	s0 =	sadd.s32 s5, s0;
	[sflag:s10] =	ssyncadd.s32 $0xFFFFEC00;
	(pc) =	sbr.rel .LBB2_43-.Ltmp35, $4  }
0x146: {  	[tilespmem:s11], [sflag:$0x3] =	stream.linear.gather [hbm4b:s0+s25], $0x80, $0x38;
	[tilespmem:$0x11800] =	vst v63  }
0x147: {  	_ =	swait.ge [sflag:s10], $0x80  }
0x148: {  	[sflag:s10] =	ssyncset.done $0x0  }
0x149: {  	[sflag:s10] =	ssyncadd.s32 $0xFFFFFF80  }
.LBB2_80:
0x14a: {  	s26 =	smov.u32 @p0 s26  }
.LBB2_81:
0x14b: {  	v3 =	vld [tilespmem:s23+$0x11680];
	s0 =	sor.u32 $0x8, s25;
	s25 =	sadd.s32 $0x1, s25  }
0x14c: {  	p0 =	sne.s32 s25, $0x8  }
.Ltmp36:
0x14d: {  	_ = 	snop;
	(pc) =	sbr.rel @!p0 .LBB2_82-.Ltmp36, $4  }
0x14e: {  	s31 =	scvt.s32.f32 s26;
	v4 =	vmov s0  }
0x14f: {  	vm3 =	veq.s32 v4, v2  }
0x150: {  	v3 =	vsel vm3, s31, v3  }
0x151: {  	[tilespmem:s23+$0x11680] =	vst v3  }
.LBB2_43:
0x152: {  	s0 =	sshll.u32 s25, $0x5  }
0x153: {  	s1 =	sand.u32 $0x3FFFFFE0, s0  }
0x154: {  	s31 =	sshll.u32 s25, $0x4;
	[tilespmem:s1+$0x1580] =	vst v0  }
0x155: {  	s0 =	sand.u32 $0x3FFFFFF0, s31;
	[tilespmem:s1+$0x1590] =	vst v0  }
0x156: {  	v3 =	vld [tilespmem:s0+$0x1400];
	_ =	sdelay $0x4  }
0x157: {  	v4 =	vnsel vm0, $0x0, v3  }
0x158: {  	v4 =	vxor.u32 $0x80000000, v4  }
0x159: {  	(xrf0) =	vmax.scan.msk.u32 $0xffff, v4;
	_ =	sdelay $0x5  }
0x15a: {  	v4, _, _ =	vpop (xrf0)  }
0x15b: {  	(v2sf) =	vpush v4, $0xF;
	_ =	sdelay $0xe  }
0x15c: {  	s0 =	spop (v2sf)  }
0x15d: {  	p0 =	seq.s32 s0, $0x80000000  }
.Ltmp37:
0x15e: {  	_ = 	snop;
	(pc) =	sbr.rel @p0 .LBB2_55-.Ltmp37, $2  }
0x15f: {  	_ =	sdelay $0x2  }
0x160: {  	s26 =	simm.s32 $0x0;
	s28 =	sadd.s32 $0x1580, s1  }
.Ltmp38:
0x161: {  	(pc) =	sbr.rel .LBB2_45-.Ltmp38, $3  }
0x162: {  	_ =	sdelay $0x1  }
0x163: {  	v4 =	vmov s28  }
0x164: {  	s29 =	sxor.u32 $0x80000000, s0;
	s30 =	smul.u32 $0x280, s25;
	s26 =	simm.s32 $0x0  }
.LBB2_52:
0x165: {  	s26 =	smov.u32 @p0 s26  }
.LBB2_53:
0x166: {  	s0 =	sadd.s32 $0xFFFFFFFF, s29  }
0x167: {  	s29 =	sand.u32 s29, s0  }
0x168: {  	p0 =	seq.s32 s29, $0x0  }
0x169: {  	p1 =	slt.s32 @!p0 s26, $0x20  }
0x16a: {  	p1 =	por p0, !p1  }
.Ltmp39:
0x16b: {  	_ = 	snop;
	(pc) =	sbr.rel @p1 .LBB2_54-.Ltmp39, $1  }
0x16c: {  	_ =	sdelay $0x3  }
.LBB2_45:
0x16d: {  	v5 =	vand.u32 s29, v1  }
0x16e: {  	vm3 =	vne.s32 v5, $0x0  }
0x16f: {  	v5 =	vmctz.xlane vm3;
	_ =	sdelay $0x1  }
0x170: {  	v5 =	vxor.u32 $0x80000000, v5  }
0x171: {  	(xrf0) =	vmax.scan.msk.u32 $0xffff, v5;
	_ =	sdelay $0x5  }
0x172: {  	v5, _, _ =	vpop (xrf0)  }
0x173: {  	(v2sf) =	vpush v5, $0xF;
	_ =	sdelay $0xe  }
0x174: {  	s0 =	spop (v2sf)  }
0x175: {  	s0 =	sshll.u32 s0, $0x4  }
0x176: {  	s1 =	sadd.s32 s30, s0  }
0x177: {  	s31 =	sand.u32 $0x70, s0;
	s1 =	sand.u32 $0xFFFFFF80, s1  }
0x178: {  	s1 =	sor.u32 s31, s1  }
0x179: {  	v5 =	vld [tilespmem:s1+$0x0];
	_ =	sdelay $0x4  }
0x17a: {  	vm3 =	veq.s32 v5, $0x0  }
0x17b: {  	v6 =	vsel vm3, $0x0, v1  }
0x17c: {  	(xrf0) =	vadd.scan.msk.s32 $0xffff, v6;
	_ =	sdelay $0x5  }
0x17d: {  	v6, _, _ =	vpop (xrf0)  }
0x17e: {  	(v2sf) =	vpush v6, $0xF;
	_ =	sdelay $0xe  }
0x17f: {  	s31 =	spop (v2sf)  }
0x180: {  	p0 =	seq.s32 s31, $0x0  }
.Ltmp40:
0x181: {  	_ = 	snop;
	(pc) =	sbr.rel @p0 .LBB2_53-.Ltmp40, $1  }
0x182: {  	_ =	sdelay $0x3  }
.Ltmp41:
0x183: {  	(pc) =	sbr.rel .LBB2_47-.Ltmp41, $2  }
0x184: {  	_ =	sdelay $0x2  }
0x185: {  	v5 =	vxor.u32 $0x80000000, v5;
	v6 =	vmov s0  }
.LBB2_51:
0x186: {  	s0 =	sadd.s32 $0xFFFFFFFF, s31  }
0x187: {  	s31 =	sand.u32 s31, s0  }
0x188: {  	p0 =	seq.s32 s31, $0x0  }
0x189: {  	p1 =	slt.s32 @!p0 s26, $0x20  }
0x18a: {  	p1 =	por p0, !p1  }
.Ltmp42:
0x18b: {  	_ = 	snop;
	(pc) =	sbr.rel @p1 .LBB2_52-.Ltmp42, $1  }
0x18c: {  	_ =	sdelay $0x3  }
.LBB2_47:
0x18d: {  	v7 =	vand.u32 s31, v1  }
0x18e: {  	vm3 =	vne.s32 v7, $0x0  }
0x18f: {  	v7 =	vmctz.xlane vm3;
	_ =	sdelay $0x1  }
0x190: {  	vm3 =	veq.s32 v7, v2  }
0x191: {  	v8 =	vnsel vm3, $0x80000000, v5  }
0x192: {  	(xrf0) =	vmax.scan.msk.u32 $0xffff, v8;
	_ =	sdelay $0x5  }
0x193: {  	v8, _, _ =	vpop (xrf0)  }
0x194: {  	(v2sf) =	vpush v8, $0xF;
	_ =	sdelay $0xe  }
0x195: {  	s0 =	spop (v2sf)  }
0x196: {  	p0 =	seq.s32 s0, $0x80000000  }
.Ltmp43:
0x197: {  	_ = 	snop;
	(pc) =	sbr.rel @p0 .LBB2_51-.Ltmp43, $1  }
0x198: {  	_ =	sdelay $0x3  }
0x199: {  	v7 =	vadd.s32 v6, v7  }
0x19a: {  	s0 =	sxor.u32 $0x80000000, s0;
	v7 =	vshll.u32 v7, $0x4  }
.LBB2_49:
0x19b: {  	s19 =	sadd.s32 $0xFFFFFFFF, s0  }
0x19c: {  	v8 =	vand.u32 s0, v1;
	s0 =	sand.u32 s0, s19  }
0x19d: {  	s1 =	sand.u32 $0xFFFFFFF0, s26;
	p0 =	seq.s32 s0, $0x0  }
0x19e: {  	v9 =	vld.idx.msk [tilespmem:v4+s1+$0x0 ss:$0x1], $0xffff;
	p1 =	slt.s32 @!p0 s26, $0x1F  }
0x19f: {  	vm3 =	vne.s32 v8, $0x0;
	p1 =	por p0, !p1  }
.Ltmp44:
0x1a0: {  	s19 =	sand.u32 $0xF, s26;
	v8 =	vmctz.xlane vm3;
	(pc) =	sbr.rel @!p1 .LBB2_49-.Ltmp44, $4  }
0x1a1: {  	v10 =	vmov s19  }
0x1a2: {  	vm3 =	veq.s32 v10, v2;
	v8 =	vadd.s32 v7, v8  }
0x1a3: {  	v8 =	vsel vm3, v8, v9  }
0x1a4: {  	s26 =	sadd.s32 $0x1, s26;
	[tilespmem:v4+s1+$0x0 ss:$0x1] =	vst.idx.msk $0xffff, v8  }
.Ltmp45:
0x1a5: {  	(pc) =	sbr.rel .LBB2_51-.Ltmp45, $2  }
0x1a6: {  	_ =	sdelay $0x2  }
0x1a7: {  	s26 =	smov.u32 @p0 s26  }
.LBB2_54:
0x1a8: {  	s26 =	smov.u32 @p0 s26  }
.LBB2_55:
0x1a9: {  	v4 =	vsel vm1, $0x0, v3  }
0x1aa: {  	v4 =	vxor.u32 $0x80000000, v4  }
0x1ab: {  	(xrf0) =	vmax.scan.msk.u32 $0xffff, v4;
	_ =	sdelay $0x5  }
0x1ac: {  	v4, _, _ =	vpop (xrf0)  }
0x1ad: {  	(v2sf) =	vpush v4, $0xF;
	_ =	sdelay $0xe  }
0x1ae: {  	s0 =	spop (v2sf)  }
0x1af: {  	p0 =	seq.s32 s0, $0x80000000  }
0x1b0: {  	p1 =	sgt.s32 @!p0 s26, $0x1F  }
0x1b1: {  	p1 =	por p0, p1  }
.Ltmp46:
0x1b2: {  	_ = 	snop;
	(pc) =	sbr.rel @p1 .LBB2_56-.Ltmp46, $1  }
0x1b3: {  	_ =	sdelay $0x3  }
.Ltmp47:
0x1b4: {  	(pc) =	sbr.rel .LBB2_58-.Ltmp47, $3  }
0x1b5: {  	_ =	sdelay $0x1  }
0x1b6: {  	v4 =	vmov s28  }
0x1b7: {  	s29 =	sxor.u32 $0x80000000, s0;
	s30 =	smul.u32 $0x280, s25  }
.LBB2_65:
0x1b8: {  	s26 =	smov.u32 @p0 s26  }
.LBB2_66:
0x1b9: {  	s0 =	sadd.s32 $0xFFFFFFFF, s29  }
0x1ba: {  	s29 =	sand.u32 s29, s0  }
0x1bb: {  	p0 =	seq.s32 s29, $0x0  }
0x1bc: {  	p1 =	slt.s32 @!p0 s26, $0x20  }
0x1bd: {  	p1 =	por p0, !p1  }
.Ltmp48:
0x1be: {  	_ = 	snop;
	(pc) =	sbr.rel @p1 .LBB2_67-.Ltmp48, $1  }
0x1bf: {  	_ =	sdelay $0x3  }
.LBB2_58:
0x1c0: {  	v5 =	vand.u32 s29, v1  }
0x1c1: {  	vm3 =	vne.s32 v5, $0x0  }
0x1c2: {  	v5 =	vmctz.xlane vm3;
	_ =	sdelay $0x1  }
0x1c3: {  	v5 =	vxor.u32 $0x80000000, v5  }
0x1c4: {  	(xrf0) =	vmax.scan.msk.u32 $0xffff, v5;
	_ =	sdelay $0x5  }
0x1c5: {  	v5, _, _ =	vpop (xrf0)  }
0x1c6: {  	(v2sf) =	vpush v5, $0xF;
	_ =	sdelay $0xe  }
0x1c7: {  	s0 =	spop (v2sf)  }
0x1c8: {  	s1 =	sshll.u32 s0, $0x4  }
0x1c9: {  	s0 =	sadd.s32 $0x100, s1  }
0x1ca: {  	s19 =	sadd.s32 s30, s0  }
0x1cb: {  	s1 =	sand.u32 $0x70, s1;
	s19 =	sand.u32 $0xFFFFFF80, s19  }
0x1cc: {  	s1 =	sor.u32 s1, s19  }
0x1cd: {  	v5 =	vld [tilespmem:s1+$0x0];
	_ =	sdelay $0x4  }
0x1ce: {  	vm3 =	veq.s32 v5, $0x0  }
0x1cf: {  	v6 =	vsel vm3, $0x0, v1  }
0x1d0: {  	(xrf0) =	vadd.scan.msk.s32 $0xffff, v6;
	_ =	sdelay $0x5  }
0x1d1: {  	v6, _, _ =	vpop (xrf0)  }
0x1d2: {  	(v2sf) =	vpush v6, $0xF;
	_ =	sdelay $0xe  }
0x1d3: {  	s31 =	spop (v2sf)  }
0x1d4: {  	p0 =	seq.s32 s31, $0x0  }
.Ltmp49:
0x1d5: {  	_ = 	snop;
	(pc) =	sbr.rel @p0 .LBB2_66-.Ltmp49, $1  }
0x1d6: {  	_ =	sdelay $0x3  }
.Ltmp50:
0x1d7: {  	(pc) =	sbr.rel .LBB2_60-.Ltmp50, $2  }
0x1d8: {  	_ =	sdelay $0x2  }
0x1d9: {  	v5 =	vxor.u32 $0x80000000, v5;
	v6 =	vmov s0  }
.LBB2_64:
0x1da: {  	s0 =	sadd.s32 $0xFFFFFFFF, s31  }
0x1db: {  	s31 =	sand.u32 s31, s0  }
0x1dc: {  	p0 =	seq.s32 s31, $0x0  }
0x1dd: {  	p1 =	slt.s32 @!p0 s26, $0x20  }
0x1de: {  	p1 =	por p0, !p1  }
.Ltmp51:
0x1df: {  	_ = 	snop;
	(pc) =	sbr.rel @p1 .LBB2_65-.Ltmp51, $1  }
0x1e0: {  	_ =	sdelay $0x3  }
.LBB2_60:
0x1e1: {  	v7 =	vand.u32 s31, v1  }
0x1e2: {  	vm3 =	vne.s32 v7, $0x0  }
0x1e3: {  	v7 =	vmctz.xlane vm3;
	_ =	sdelay $0x1  }
0x1e4: {  	vm3 =	veq.s32 v7, v2  }
0x1e5: {  	v8 =	vnsel vm3, $0x80000000, v5  }
0x1e6: {  	(xrf0) =	vmax.scan.msk.u32 $0xffff, v8;
	_ =	sdelay $0x5  }
0x1e7: {  	v8, _, _ =	vpop (xrf0)  }
0x1e8: {  	(v2sf) =	vpush v8, $0xF;
	_ =	sdelay $0xe  }
0x1e9: {  	s0 =	spop (v2sf)  }
0x1ea: {  	p0 =	seq.s32 s0, $0x80000000  }
.Ltmp52:
0x1eb: {  	_ = 	snop;
	(pc) =	sbr.rel @p0 .LBB2_64-.Ltmp52, $1  }
0x1ec: {  	_ =	sdelay $0x3  }
0x1ed: {  	v7 =	vadd.s32 v6, v7  }
0x1ee: {  	s0 =	sxor.u32 $0x80000000, s0;
	v7 =	vshll.u32 v7, $0x4  }
.LBB2_62:
0x1ef: {  	s19 =	sadd.s32 $0xFFFFFFFF, s0  }
0x1f0: {  	v8 =	vand.u32 s0, v1;
	s0 =	sand.u32 s0, s19  }
0x1f1: {  	s1 =	sand.u32 $0xFFFFFFF0, s26;
	p0 =	seq.s32 s0, $0x0  }
0x1f2: {  	v9 =	vld.idx.msk [tilespmem:v4+s1+$0x0 ss:$0x1], $0xffff;
	p1 =	slt.s32 @!p0 s26, $0x1F  }
0x1f3: {  	vm3 =	vne.s32 v8, $0x0;
	p1 =	por p0, !p1  }
.Ltmp53:
0x1f4: {  	s19 =	sand.u32 $0xF, s26;
	v8 =	vmctz.xlane vm3;
	(pc) =	sbr.rel @!p1 .LBB2_62-.Ltmp53, $4  }
0x1f5: {  	v10 =	vmov s19  }
0x1f6: {  	vm3 =	veq.s32 v10, v2;
	v8 =	vadd.s32 v7, v8  }
0x1f7: {  	v8 =	vsel vm3, v8, v9  }
0x1f8: {  	s26 =	sadd.s32 $0x1, s26;
	[tilespmem:v4+s1+$0x0 ss:$0x1] =	vst.idx.msk $0xffff, v8  }
.Ltmp54:
0x1f9: {  	(pc) =	sbr.rel .LBB2_64-.Ltmp54, $2  }
0x1fa: {  	_ =	sdelay $0x2  }
0x1fb: {  	s26 =	smov.u32 @p0 s26  }
.LBB2_67:
.Ltmp55:
0x1fc: {  	(pc) =	sbr.rel .LBB2_68-.Ltmp55, $2  }
0x1fd: {  	_ =	sdelay $0x2  }
0x1fe: {  	s26 =	smov.u32 @p0 s26  }
.LBB2_56:
0x1ff: {  	s26 =	smov.u32 @p0 s26  }
.LBB2_68:
0x200: {  	v3 =	vsel vm2, $0x0, v3  }
0x201: {  	v3 =	vxor.u32 $0x80000000, v3  }
0x202: {  	(xrf0) =	vmax.scan.msk.u32 $0xffff, v3;
	_ =	sdelay $0x5  }
0x203: {  	v3, _, _ =	vpop (xrf0)  }
0x204: {  	(v2sf) =	vpush v3, $0xF;
	_ =	sdelay $0xe  }
0x205: {  	s0 =	spop (v2sf)  }
0x206: {  	p0 =	seq.s32 s0, $0x80000000  }
0x207: {  	p1 =	sgt.s32 @!p0 s26, $0x1F  }
0x208: {  	p1 =	por p0, p1  }
.Ltmp56:
0x209: {  	_ = 	snop;
	(pc) =	sbr.rel @p1 .LBB2_69-.Ltmp56, $1  }
0x20a: {  	_ =	sdelay $0x3  }
.Ltmp57:
0x20b: {  	(pc) =	sbr.rel .LBB2_71-.Ltmp57, $3  }
0x20c: {  	_ =	sdelay $0x1  }
0x20d: {  	v3 =	vmov s28  }
0x20e: {  	s29 =	sxor.u32 $0x80000000, s0;
	s30 =	smul.u32 $0x280, s25  }
.LBB2_78:
0x20f: {  	s26 =	smov.u32 @p0 s26  }
.LBB2_79:
0x210: {  	s0 =	sadd.s32 $0xFFFFFFFF, s29  }
0x211: {  	s29 =	sand.u32 s29, s0  }
0x212: {  	p0 =	seq.s32 s29, $0x0  }
0x213: {  	p1 =	slt.s32 @!p0 s26, $0x20  }
0x214: {  	p1 =	por p0, !p1  }
.Ltmp58:
0x215: {  	_ = 	snop;
	(pc) =	sbr.rel @p1 .LBB2_80-.Ltmp58, $1  }
0x216: {  	_ =	sdelay $0x3  }
.LBB2_71:
0x217: {  	v4 =	vand.u32 s29, v1  }
0x218: {  	vm3 =	vne.s32 v4, $0x0  }
0x219: {  	v4 =	vmctz.xlane vm3;
	_ =	sdelay $0x1  }
0x21a: {  	v4 =	vxor.u32 $0x80000000, v4  }
0x21b: {  	(xrf0) =	vmax.scan.msk.u32 $0xffff, v4;
	_ =	sdelay $0x5  }
0x21c: {  	v4, _, _ =	vpop (xrf0)  }
0x21d: {  	(v2sf) =	vpush v4, $0xF;
	_ =	sdelay $0xe  }
0x21e: {  	s0 =	spop (v2sf)  }
0x21f: {  	s1 =	sshll.u32 s0, $0x4  }
0x220: {  	s0 =	sadd.s32 $0x200, s1  }
0x221: {  	s19 =	sadd.s32 s30, s0  }
0x222: {  	s1 =	sand.u32 $0x70, s1;
	s19 =	sand.u32 $0xFFFFFF80, s19  }
0x223: {  	s1 =	sor.u32 s1, s19  }
0x224: {  	v4 =	vld [tilespmem:s1+$0x0];
	_ =	sdelay $0x4  }
0x225: {  	vm3 =	veq.s32 v4, $0x0  }
0x226: {  	v5 =	vsel vm3, $0x0, v1  }
0x227: {  	(xrf0) =	vadd.scan.msk.s32 $0xffff, v5;
	_ =	sdelay $0x5  }
0x228: {  	v5, _, _ =	vpop (xrf0)  }
0x229: {  	(v2sf) =	vpush v5, $0xF;
	_ =	sdelay $0xe  }
0x22a: {  	s28 =	spop (v2sf)  }
0x22b: {  	p0 =	seq.s32 s28, $0x0  }
.Ltmp59:
0x22c: {  	_ = 	snop;
	(pc) =	sbr.rel @p0 .LBB2_79-.Ltmp59, $1  }
0x22d: {  	_ =	sdelay $0x3  }
.Ltmp60:
0x22e: {  	(pc) =	sbr.rel .LBB2_73-.Ltmp60, $2  }
0x22f: {  	_ =	sdelay $0x2  }
0x230: {  	v4 =	vxor.u32 $0x80000000, v4;
	v5 =	vmov s0  }
.LBB2_77:
0x231: {  	s0 =	sadd.s32 $0xFFFFFFFF, s28  }
0x232: {  	s28 =	sand.u32 s28, s0  }
0x233: {  	p0 =	seq.s32 s28, $0x0  }
0x234: {  	p1 =	slt.s32 @!p0 s26, $0x20  }
0x235: {  	p1 =	por p0, !p1  }
.Ltmp61:
0x236: {  	_ = 	snop;
	(pc) =	sbr.rel @p1 .LBB2_78-.Ltmp61, $1  }
0x237: {  	_ =	sdelay $0x3  }
.LBB2_73:
0x238: {  	v6 =	vand.u32 s28, v1  }
0x239: {  	vm3 =	vne.s32 v6, $0x0  }
0x23a: {  	v6 =	vmctz.xlane vm3;
	_ =	sdelay $0x1  }
0x23b: {  	vm3 =	veq.s32 v6, v2  }
0x23c: {  	v7 =	vnsel vm3, $0x80000000, v4  }
0x23d: {  	(xrf0) =	vmax.scan.msk.u32 $0xffff, v7;
	_ =	sdelay $0x5  }
0x23e: {  	v7, _, _ =	vpop (xrf0)  }
0x23f: {  	(v2sf) =	vpush v7, $0xF;
	_ =	sdelay $0xe  }
0x240: {  	s0 =	spop (v2sf)  }
0x241: {  	p0 =	seq.s32 s0, $0x80000000  }
.Ltmp62:
0x242: {  	_ = 	snop;
	(pc) =	sbr.rel @p0 .LBB2_77-.Ltmp62, $1  }
0x243: {  	_ =	sdelay $0x3  }
0x244: {  	v6 =	vadd.s32 v5, v6  }
0x245: {  	s0 =	sxor.u32 $0x80000000, s0;
	v6 =	vshll.u32 v6, $0x4  }
.LBB2_75:
0x246: {  	s19 =	sadd.s32 $0xFFFFFFFF, s0  }
0x247: {  	v7 =	vand.u32 s0, v1;
	s0 =	sand.u32 s0, s19  }
0x248: {  	s1 =	sand.u32 $0xFFFFFFF0, s26;
	p0 =	seq.s32 s0, $0x0  }
0x249: {  	v8 =	vld.idx.msk [tilespmem:v3+s1+$0x0 ss:$0x1], $0xffff;
	p1 =	slt.s32 @!p0 s26, $0x1F  }
0x24a: {  	vm3 =	vne.s32 v7, $0x0;
	p1 =	por p0, !p1  }
.Ltmp63:
0x24b: {  	s31 =	sand.u32 $0xF, s26;
	v7 =	vmctz.xlane vm3;
	(pc) =	sbr.rel @!p1 .LBB2_75-.Ltmp63, $4  }
0x24c: {  	v9 =	vmov s31  }
0x24d: {  	vm3 =	veq.s32 v9, v2;
	v7 =	vadd.s32 v6, v7  }
0x24e: {  	v7 =	vsel vm3, v7, v8  }
0x24f: {  	s26 =	sadd.s32 $0x1, s26;
	[tilespmem:v3+s1+$0x0 ss:$0x1] =	vst.idx.msk $0xffff, v7  }
.Ltmp64:
0x250: {  	(pc) =	sbr.rel .LBB2_77-.Ltmp64, $2  }
0x251: {  	_ =	sdelay $0x2  }
0x252: {  	s26 =	smov.u32 @p0 s26  }
.LBB2_69:
.Ltmp65:
0x253: {  	(pc) =	sbr.rel .LBB2_81-.Ltmp65, $2  }
0x254: {  	_ =	sdelay $0x2  }
0x255: {  	s26 =	smov.u32 @p0 s26  }
.LBB2_84:
0x256: {  	_ =	sfence.sel $0x180000  }
0x257: {  	[bflag:$0x0] =	sbarrier.arrive $0xFFFF  }
0x258: {  	_ =	strace $0x90000047  }
0x259: {  	s0 =	stileid.u32;
	[bflag:$0x2] =	sbarrier.arrive $0xFFFF  }
0x25a: {  	p0 =	sne.s32 s0, $0x0;
	s0 =	rddreg [dreg:$0x2]  }
0x25b: {  	s0 =	sadd.s32 @!p0 $0x100000, s0  }
0x25c: {  	[sflag:s0] =	ssyncadd.tile.s32 @!p0 $0x1;
	_ =	shalt  }
.Lfunc_end2:
_tile_overlayer_lowered:
.L_overlay_start_2:
0x25d: {  	(tag) =	ssettag $0x2  }
0x25e: {  	s0 =	rddreg [dreg:$0x0];
	s2 =	stileid.u32  }
0x25f: {  	s1 =	rddreg [dreg:$0x1];
	p0 =	sne.s32 s2, $0x0  }
0x260: {  	s3 =	rddreg [dreg:$0x2];
	[bflag:$0x3] =	sbarrier.arrive $0xFFFF;
	s2 =	simm.s32 @!p0 $0x1C03  }
0x261: {  	[timem:s3], [sflag:s2] =	dma.local @!p0 [hbm:s0], s1  }
0x262: {  	s0 =	simm.s32 @!p0 $0x3  }
0x263: {  	_ =	swait.ge @!p0 [sflag:s0], s1  }
0x264: {  	s1 =	ssub.s32 @!p0 $0x0, s1;
	[sflag:s0] =	ssyncset.done @!p0 $0x0  }
0x265: {  	[sflag:s0] =	ssyncadd.s32 @!p0 s1  }
0x266: {  	[bflag:$0x3] =	sbarrier.arrive $0xFFFF  }
0x267: {  	_ =	shalt  }

</sc_bundles>
